<compile_context>
chip_gen: v7x
topology: tpu7x:2x2x1
jax: 0.10.2.dev20260603
libtpu: 0.0.44.dev20260713+nightly
codegen_flags: <defaults>
</compile_context>

<pallas_src>
import functools

import jax
import jax.numpy as jnp
from jax import lax
from jax.experimental import pallas as pl
from jax.experimental.pallas import tpu as pltpu
from jax.experimental.pallas import tpu_sc as plsc

B, S, V, D = 4, 8192, 100000, 768
CHUNK = 64
NBUF = 2


def _make_lookup():
    info = plsc.get_sparse_core_info()
    nc, ns = info.num_cores, info.num_subcores
    nw = nc * ns
    n_slabs = nw // B
    slab = S // n_slabs
    assert slab % CHUNK == 0
    n_chunks = slab // CHUNK

    mesh = plsc.VectorSubcoreMesh(core_axis_name="c", subcore_axis_name="s")

    @functools.partial(
        pl.kernel,
        mesh=mesh,
        out_type=jax.ShapeDtypeStruct((S, B, D), jnp.float32),
        scratch_types=[
            pltpu.VMEM((slab,), jnp.int32),
        ] + [pltpu.VMEM((CHUNK, D), jnp.float32)] * NBUF
          + [pltpu.SemaphoreType.DMA] * (2 * NBUF),
    )
    def lookup(table_hbm, tok_hbm, out_hbm, idx_v, *bufs_sems):
        bufs = bufs_sems[:NBUF]
        gsems = bufs_sems[NBUF:2 * NBUF]
        wsems = bufs_sems[2 * NBUF:]
        wid = lax.axis_index("s") * nc + lax.axis_index("c")
        b = wid // n_slabs
        sb = wid % n_slabs
        s_base = sb * slab
        pltpu.sync_copy(tok_hbm.at[b, pl.ds(s_base, slab)], idx_v)

        def gather(c, slot):
            return pltpu.async_copy(
                table_hbm.at[idx_v.at[pl.ds(c * CHUNK, CHUNK)]], bufs[slot],
                gsems[slot])

        def write(c, slot):
            return pltpu.async_copy(
                bufs[slot],
                out_hbm.at[pl.ds(s_base + c * CHUNK, CHUNK), b, :],
                wsems[slot])

        gathers = [None] * NBUF
        writes = [None] * NBUF
        for j in range(NBUF - 1):
            gathers[j] = gather(j, j)
        for c in range(n_chunks):
            slot = c % NBUF
            g = c + NBUF - 1
            if g < n_chunks:
                gs = g % NBUF
                if writes[gs] is not None:
                    writes[gs].wait()
                gathers[gs] = gather(g, gs)
            gathers[slot].wait()
            writes[slot] = write(c, slot)
        for w in writes:
            if w is not None:
                w.wait()

    return lookup, n_slabs, n_chunks


def kernel(enc_tokens, dec_tokens, enc_attn_mask, dec_attn_mask,
           enc_dec_attn_mask, dec_labels, emb_table):
    lookup, n_slabs, n_chunks = _make_lookup()
    return lookup(emb_table, enc_tokens.astype(jnp.int32))

# --- scband reference (transcript-rebuilt; emitter-appended) ---
"""Pipeline reference for scband-t5-encoder-embeddings-67259187855771 (READ-ONLY COPY).

The authoritative reference and input builder live on the scoring server;
editing this copy changes nothing except your own understanding.
"""

import jax, jax.numpy as jnp
import numpy as np

B, S, V, D = 4, 8192, 100000, 768

def setup_inputs(seed: int = 0) -> dict:
    key = jax.random.key(seed)
    k1, k2, k3, k4 = jax.random.split(key, 4)
    enc_tokens = jax.random.randint(k1, (B, S), 0, V)
    dec_tokens = jax.random.randint(k2, (B, S), 0, V)
    enc_attn_mask = jnp.ones((B, S), dtype=bool)
    dec_attn_mask = jnp.ones((B, S), dtype=bool)
    enc_dec_attn_mask = jnp.ones((B, S), dtype=bool)
    dec_labels = jax.random.randint(k3, (B, S), 0, V)
    emb_table = jax.random.normal(k4, (V, D), dtype=jnp.float32) * 0.02
    return {
        'enc_tokens': enc_tokens,
        'dec_tokens': dec_tokens,
        'enc_attn_mask': enc_attn_mask,
        'dec_attn_mask': dec_attn_mask,
        'enc_dec_attn_mask': enc_dec_attn_mask,
        'dec_labels': dec_labels,
        'emb_table': emb_table,
    }

def reference(enc_tokens, dec_tokens, enc_attn_mask, dec_attn_mask, enc_dec_attn_mask, dec_labels, emb_table):
    # vocab_sp=False: no sequence slicing of tokens
    # embedding lookup (SparseCore gather)
    hidden_states = jnp.take(emb_table, enc_tokens, axis=0)  # [B, S, D]
    # transpose(0, 1) -> [S, B, D]
    hidden_states = jnp.transpose(hidden_states, (1, 0, 2))
    # sequence_parallel=False branch: plain dropout; deterministic eval -> identity
    return hidden_states

if __name__ == "__main__":
    import jax
    _d = setup_inputs()
    print(jax.jit(kernel)(*tuple(_d.values())))

</pallas_src>

<mosaic_0001>
#map = affine_map<(d0, d1) -> (0, 0)>
#map1 = affine_map<(d0, d1) -> (0, 0, 0)>
module attributes {stable_mosaic.version = 14 : i64} {
  func.func @lookup(%arg0: i32, %arg1: i32, %arg2: memref<100000x768xf32, #tpu.memory_space<hbm>>, %arg3: memref<4x8192xi32, #tpu.memory_space<hbm>>, %arg4: memref<8192x4x768xf32, #tpu.memory_space<hbm>>, %arg5: memref<1024xi32, #tpu.memory_space<vmem>>, %arg6: memref<64x768xf32, #tpu.memory_space<vmem>>, %arg7: memref<64x768xf32, #tpu.memory_space<vmem>>, %arg8: memref<!tpu.dma_semaphore, #tpu.memory_space<semaphore_mem>>, %arg9: memref<!tpu.dma_semaphore, #tpu.memory_space<semaphore_mem>>, %arg10: memref<!tpu.dma_semaphore, #tpu.memory_space<semaphore_mem>>, %arg11: memref<!tpu.dma_semaphore, #tpu.memory_space<semaphore_mem>>) attributes {dimension_semantics = [#tpu.dimension_semantics<core_parallel>, #tpu.dimension_semantics<subcore_parallel>], iteration_bounds = array<i64: 2, 16>, scalar_prefetch = 0 : i64, scratch_operands = 7 : i64, tpu.core_type = #tpu.core_type<sc_vector_subcore>, window_params = [{transform_indices = #map}, {transform_indices = #map}, {transform_indices = #map1}]} {
    %mul3A = arith.constant 2 : i32
    %mul3A_0 = arith.muli %arg1, %mul3A : i32
    %add3A = arith.addi %mul3A_0, %arg0 : i32
    %jit3A = arith.constant 8 : i32
    %div3A = arith.divsi %add3A, %jit3A : i32
    %sign3A = arith.constant 0 : i32
    %sign3A_1 = arith.cmpi sgt, %add3A, %sign3A : i32
    %sign3A_2 = arith.extui %sign3A_1 : i1 to i32
    %sign3A_3 = arith.constant 0 : i32
    %sign3A_4 = arith.cmpi slt, %add3A, %sign3A_3 : i32
    %sign3A_5 = arith.extui %sign3A_4 : i1 to i32
    %sign3A_6 = arith.subi %sign3A_2, %sign3A_5 : i32
    %sign3A_7 = arith.constant 0 : i32
    %sign3A_8 = arith.cmpi sgt, %jit3A, %sign3A_7 : i32
    %sign3A_9 = arith.extui %sign3A_8 : i1 to i32
    %sign3A_10 = arith.constant 0 : i32
    %sign3A_11 = arith.cmpi slt, %jit3A, %sign3A_10 : i32
    %sign3A_12 = arith.extui %sign3A_11 : i1 to i32
    %sign3A_13 = arith.subi %sign3A_9, %sign3A_12 : i32
    %ne3A = arith.cmpi ne, %sign3A_6, %sign3A_13 : i32
    %rem3A = arith.remsi %add3A, %jit3A : i32
    %ne3A_14 = arith.constant 0 : i32
    %ne3A_15 = arith.cmpi ne, %rem3A, %ne3A_14 : i32
    %and3A = arith.andi %ne3A, %ne3A_15 : i1
    %sub3A = arith.constant 1 : i32
    %sub3A_16 = arith.subi %div3A, %sub3A : i32
    %select_n3A = arith.select %and3A, %sub3A_16, %div3A : i32
    %jit3A_17 = arith.constant 8 : i32
    %eq3A = arith.constant 0 : i32
    %eq3A_18 = arith.cmpi eq, %jit3A_17, %eq3A : i32
    %jit3A_19 = arith.constant 1 : i32
    %select_n3A_20 = arith.select %eq3A_18, %jit3A_19, %jit3A_17 : i32
    %rem3A_21 = arith.remsi %add3A, %select_n3A_20 : i32
    %ne3A_22 = arith.constant 0 : i32
    %ne3A_23 = arith.cmpi ne, %rem3A_21, %ne3A_22 : i32
    %lt3A = arith.constant 0 : i32
    %lt3A_24 = arith.cmpi slt, %rem3A_21, %lt3A : i32
    %lt3A_25 = arith.constant 0 : i32
    %lt3A_26 = arith.cmpi slt, %select_n3A_20, %lt3A_25 : i32
    %ne3A_27 = arith.xori %lt3A_24, %lt3A_26 : i1
    %and3A_28 = arith.andi %ne3A_27, %ne3A_23 : i1
    %add3A_29 = arith.addi %rem3A_21, %select_n3A_20 : i32
    %select_n3A_30 = arith.select %and3A_28, %add3A_29, %rem3A_21 : i32
    %mul3A_31 = arith.constant 1024 : i32
    %mul3A_32 = arith.muli %select_n3A_30, %mul3A_31 : i32
    "tpu.region"() ({
      %run_scoped3A = tpu.sem_alloc : memref<!tpu.dma_semaphore, #tpu.memory_space<semaphore_mem>>
      %dma_start3A_415 = tpu.memref_slice %arg3[%select_n3A, %mul3A_32] : memref<4x8192xi32, #tpu.memory_space<hbm>> -> memref<1x1024xi32, #tpu.memory_space<hbm>>
      %dma_start3A_416 = tpu.memref_squeeze %dma_start3A_415 : memref<1x1024xi32, #tpu.memory_space<hbm>> -> memref<1024xi32, #tpu.memory_space<hbm>>
      %dma_start3A_417 = tpu.memref_slice %arg3[%select_n3A, %mul3A_32] : memref<4x8192xi32, #tpu.memory_space<hbm>> -> memref<1x1024xi32, #tpu.memory_space<hbm>>
      %dma_start3A_418 = tpu.memref_squeeze %dma_start3A_417 : memref<1x1024xi32, #tpu.memory_space<hbm>> -> memref<1024xi32, #tpu.memory_space<hbm>>
      tpu.enqueue_dma source(%dma_start3A_418 : memref<1024xi32, #tpu.memory_space<hbm>>) target(%arg5 : memref<1024xi32, #tpu.memory_space<vmem>>) target_semaphore(%run_scoped3A : memref<!tpu.dma_semaphore, #tpu.memory_space<semaphore_mem>>)
      %dma_wait3A_419 = tpu.memref_slice %arg3[%select_n3A, %mul3A_32] : memref<4x8192xi32, #tpu.memory_space<hbm>> -> memref<1x1024xi32, #tpu.memory_space<hbm>>
      %dma_wait3A_420 = tpu.memref_squeeze %dma_wait3A_419 : memref<1x1024xi32, #tpu.memory_space<hbm>> -> memref<1024xi32, #tpu.memory_space<hbm>>
      %dma_wait3A_421 = tpu.memref_slice %arg3[%select_n3A, %mul3A_32] : memref<4x8192xi32, #tpu.memory_space<hbm>> -> memref<1x1024xi32, #tpu.memory_space<hbm>>
      %dma_wait3A_422 = tpu.memref_squeeze %dma_wait3A_421 : memref<1x1024xi32, #tpu.memory_space<hbm>> -> memref<1024xi32, #tpu.memory_space<hbm>>
      tpu.wait_dma2 semaphore(%run_scoped3A : memref<!tpu.dma_semaphore, #tpu.memory_space<semaphore_mem>>) src(%dma_wait3A_422 : memref<1024xi32, #tpu.memory_space<hbm>>) dst(%arg5 : memref<1024xi32, #tpu.memory_space<vmem>>)
      tpu.yield
    }) : () -> ()
    %dma_start3A = arith.constant 0 : i32
    %dma_start3A_33 = tpu.memref_slice %arg5[%dma_start3A] : memref<1024xi32, #tpu.memory_space<vmem>> -> memref<64xi32, #tpu.memory_space<vmem>>
    %dma_start3A_34 = arith.constant 0 : i32
    %dma_start3A_35 = arith.constant 0 : i32
    %dma_start3A_36 = tpu.memref_slice %arg2[%dma_start3A_34, %dma_start3A_35] : memref<100000x768xf32, #tpu.memory_space<hbm>> -> memref<100000x768xf32, #tpu.memory_space<hbm>>
    tpu.enqueue_indirect_dma source(%dma_start3A_36 : memref<100000x768xf32, #tpu.memory_space<hbm>>) target(%arg6 : memref<64x768xf32, #tpu.memory_space<vmem>>) offsets(%dma_start3A_33 : memref<64xi32, #tpu.memory_space<vmem>>) semaphore(%arg8 : memref<!tpu.dma_semaphore, #tpu.memory_space<semaphore_mem>>)
    %dma_start3A_37 = arith.constant 64 : i32
    %dma_start3A_38 = tpu.memref_slice %arg5[%dma_start3A_37] : memref<1024xi32, #tpu.memory_space<vmem>> -> memref<64xi32, #tpu.memory_space<vmem>>
    %dma_start3A_39 = arith.constant 0 : i32
    %dma_start3A_40 = arith.constant 0 : i32
    %dma_start3A_41 = tpu.memref_slice %arg2[%dma_start3A_39, %dma_start3A_40] : memref<100000x768xf32, #tpu.memory_space<hbm>> -> memref<100000x768xf32, #tpu.memory_space<hbm>>
    tpu.enqueue_indirect_dma source(%dma_start3A_41 : memref<100000x768xf32, #tpu.memory_space<hbm>>) target(%arg7 : memref<64x768xf32, #tpu.memory_space<vmem>>) offsets(%dma_start3A_38 : memref<64xi32, #tpu.memory_space<vmem>>) semaphore(%arg9 : memref<!tpu.dma_semaphore, #tpu.memory_space<semaphore_mem>>)
    %dma_wait3A = arith.constant 0 : i32
    %dma_wait3A_42 = tpu.memref_slice %arg5[%dma_wait3A] : memref<1024xi32, #tpu.memory_space<vmem>> -> memref<64xi32, #tpu.memory_space<vmem>>
    %dma_wait3A_43 = arith.constant 0 : i32
    %dma_wait3A_44 = arith.constant 0 : i32
    %dma_wait3A_45 = tpu.memref_slice %arg2[%dma_wait3A_43, %dma_wait3A_44] : memref<100000x768xf32, #tpu.memory_space<hbm>> -> memref<100000x768xf32, #tpu.memory_space<hbm>>
    tpu.wait_indirect_dma semaphore(%arg8 : memref<!tpu.dma_semaphore, #tpu.memory_space<semaphore_mem>>) src(%dma_wait3A_45 : memref<100000x768xf32, #tpu.memory_space<hbm>>) dst(%arg6 : memref<64x768xf32, #tpu.memory_space<vmem>>)
    %add3A_46 = arith.constant 0 : i32
    %add3A_47 = arith.addi %mul3A_32, %add3A_46 : i32
    %dma_start3A_48 = arith.constant 0 : i32
    %dma_start3A_49 = tpu.memref_slice %arg4[%add3A_47, %select_n3A, %dma_start3A_48] : memref<8192x4x768xf32, #tpu.memory_space<hbm>> -> memref<64x1x768xf32, #tpu.memory_space<hbm>>
    %dma_start3A_50 = tpu.memref_squeeze %dma_start3A_49 : memref<64x1x768xf32, #tpu.memory_space<hbm>> -> memref<64x768xf32, #tpu.memory_space<hbm>>
    %dma_start3A_51 = arith.constant 0 : i32
    %dma_start3A_52 = tpu.memref_slice %arg4[%add3A_47, %select_n3A, %dma_start3A_51] : memref<8192x4x768xf32, #tpu.memory_space<hbm>> -> memref<64x1x768xf32, #tpu.memory_space<hbm>>
    %dma_start3A_53 = tpu.memref_squeeze %dma_start3A_52 : memref<64x1x768xf32, #tpu.memory_space<hbm>> -> memref<64x768xf32, #tpu.memory_space<hbm>>
    tpu.enqueue_dma source(%arg6 : memref<64x768xf32, #tpu.memory_space<vmem>>) target(%dma_start3A_53 : memref<64x768xf32, #tpu.memory_space<hbm>>) target_semaphore(%arg10 : memref<!tpu.dma_semaphore, #tpu.memory_space<semaphore_mem>>)
    %dma_wait3A_54 = arith.constant 0 : i32
    %dma_wait3A_55 = tpu.memref_slice %arg4[%add3A_47, %select_n3A, %dma_wait3A_54] : memref<8192x4x768xf32, #tpu.memory_space<hbm>> -> memref<64x1x768xf32, #tpu.memory_space<hbm>>
    %dma_wait3A_56 = tpu.memref_squeeze %dma_wait3A_55 : memref<64x1x768xf32, #tpu.memory_space<hbm>> -> memref<64x768xf32, #tpu.memory_space<hbm>>
    %dma_wait3A_57 = arith.constant 0 : i32
    %dma_wait3A_58 = tpu.memref_slice %arg4[%add3A_47, %select_n3A, %dma_wait3A_57] : memref<8192x4x768xf32, #tpu.memory_space<hbm>> -> memref<64x1x768xf32, #tpu.memory_space<hbm>>
    %dma_wait3A_59 = tpu.memref_squeeze %dma_wait3A_58 : memref<64x1x768xf32, #tpu.memory_space<hbm>> -> memref<64x768xf32, #tpu.memory_space<hbm>>
    tpu.wait_dma2 semaphore(%arg10 : memref<!tpu.dma_semaphore, #tpu.memory_space<semaphore_mem>>) src(%arg6 : memref<64x768xf32, #tpu.memory_space<vmem>>) dst(%dma_wait3A_59 : memref<64x768xf32, #tpu.memory_space<hbm>>)
    %dma_start3A_60 = arith.constant 128 : i32
    %dma_start3A_61 = tpu.memref_slice %arg5[%dma_start3A_60] : memref<1024xi32, #tpu.memory_space<vmem>> -> memref<64xi32, #tpu.memory_space<vmem>>
    %dma_start3A_62 = arith.constant 0 : i32
    %dma_start3A_63 = arith.constant 0 : i32
    %dma_start3A_64 = tpu.memref_slice %arg2[%dma_start3A_62, %dma_start3A_63] : memref<100000x768xf32, #tpu.memory_space<hbm>> -> memref<100000x768xf32, #tpu.memory_space<hbm>>
    tpu.enqueue_indirect_dma source(%dma_start3A_64 : memref<100000x768xf32, #tpu.memory_space<hbm>>) target(%arg6 : memref<64x768xf32, #tpu.memory_space<vmem>>) offsets(%dma_start3A_61 : memref<64xi32, #tpu.memory_space<vmem>>) semaphore(%arg8 : memref<!tpu.dma_semaphore, #tpu.memory_space<semaphore_mem>>)
    %dma_wait3A_65 = arith.constant 64 : i32
    %dma_wait3A_66 = tpu.memref_slice %arg5[%dma_wait3A_65] : memref<1024xi32, #tpu.memory_space<vmem>> -> memref<64xi32, #tpu.memory_space<vmem>>
    %dma_wait3A_67 = arith.constant 0 : i32
    %dma_wait3A_68 = arith.constant 0 : i32
    %dma_wait3A_69 = tpu.memref_slice %arg2[%dma_wait3A_67, %dma_wait3A_68] : memref<100000x768xf32, #tpu.memory_space<hbm>> -> memref<100000x768xf32, #tpu.memory_space<hbm>>
    tpu.wait_indirect_dma semaphore(%arg9 : memref<!tpu.dma_semaphore, #tpu.memory_space<semaphore_mem>>) src(%dma_wait3A_69 : memref<100000x768xf32, #tpu.memory_space<hbm>>) dst(%arg7 : memref<64x768xf32, #tpu.memory_space<vmem>>)
    %add3A_70 = arith.constant 64 : i32
    %add3A_71 = arith.addi %mul3A_32, %add3A_70 : i32
    %dma_start3A_72 = arith.constant 0 : i32
    %dma_start3A_73 = tpu.memref_slice %arg4[%add3A_71, %select_n3A, %dma_start3A_72] : memref<8192x4x768xf32, #tpu.memory_space<hbm>> -> memref<64x1x768xf32, #tpu.memory_space<hbm>>
    %dma_start3A_74 = tpu.memref_squeeze %dma_start3A_73 : memref<64x1x768xf32, #tpu.memory_space<hbm>> -> memref<64x768xf32, #tpu.memory_space<hbm>>
    %dma_start3A_75 = arith.constant 0 : i32
    %dma_start3A_76 = tpu.memref_slice %arg4[%add3A_71, %select_n3A, %dma_start3A_75] : memref<8192x4x768xf32, #tpu.memory_space<hbm>> -> memref<64x1x768xf32, #tpu.memory_space<hbm>>
    %dma_start3A_77 = tpu.memref_squeeze %dma_start3A_76 : memref<64x1x768xf32, #tpu.memory_space<hbm>> -> memref<64x768xf32, #tpu.memory_space<hbm>>
    tpu.enqueue_dma source(%arg7 : memref<64x768xf32, #tpu.memory_space<vmem>>) target(%dma_start3A_77 : memref<64x768xf32, #tpu.memory_space<hbm>>) target_semaphore(%arg11 : memref<!tpu.dma_semaphore, #tpu.memory_space<semaphore_mem>>)
    %dma_wait3A_78 = arith.constant 0 : i32
    %dma_wait3A_79 = tpu.memref_slice %arg4[%add3A_71, %select_n3A, %dma_wait3A_78] : memref<8192x4x768xf32, #tpu.memory_space<hbm>> -> memref<64x1x768xf32, #tpu.memory_space<hbm>>
    %dma_wait3A_80 = tpu.memref_squeeze %dma_wait3A_79 : memref<64x1x768xf32, #tpu.memory_space<hbm>> -> memref<64x768xf32, #tpu.memory_space<hbm>>
    %dma_wait3A_81 = arith.constant 0 : i32
    %dma_wait3A_82 = tpu.memref_slice %arg4[%add3A_71, %select_n3A, %dma_wait3A_81] : memref<8192x4x768xf32, #tpu.memory_space<hbm>> -> memref<64x1x768xf32, #tpu.memory_space<hbm>>
    %dma_wait3A_83 = tpu.memref_squeeze %dma_wait3A_82 : memref<64x1x768xf32, #tpu.memory_space<hbm>> -> memref<64x768xf32, #tpu.memory_space<hbm>>
    tpu.wait_dma2 semaphore(%arg11 : memref<!tpu.dma_semaphore, #tpu.memory_space<semaphore_mem>>) src(%arg7 : memref<64x768xf32, #tpu.memory_space<vmem>>) dst(%dma_wait3A_83 : memref<64x768xf32, #tpu.memory_space<hbm>>)
    %dma_start3A_84 = arith.constant 192 : i32
    %dma_start3A_85 = tpu.memref_slice %arg5[%dma_start3A_84] : memref<1024xi32, #tpu.memory_space<vmem>> -> memref<64xi32, #tpu.memory_space<vmem>>
    %dma_start3A_86 = arith.constant 0 : i32
    %dma_start3A_87 = arith.constant 0 : i32
    %dma_start3A_88 = tpu.memref_slice %arg2[%dma_start3A_86, %dma_start3A_87] : memref<100000x768xf32, #tpu.memory_space<hbm>> -> memref<100000x768xf32, #tpu.memory_space<hbm>>
    tpu.enqueue_indirect_dma source(%dma_start3A_88 : memref<100000x768xf32, #tpu.memory_space<hbm>>) target(%arg7 : memref<64x768xf32, #tpu.memory_space<vmem>>) offsets(%dma_start3A_85 : memref<64xi32, #tpu.memory_space<vmem>>) semaphore(%arg9 : memref<!tpu.dma_semaphore, #tpu.memory_space<semaphore_mem>>)
    %dma_wait3A_89 = arith.constant 128 : i32
    %dma_wait3A_90 = tpu.memref_slice %arg5[%dma_wait3A_89] : memref<1024xi32, #tpu.memory_space<vmem>> -> memref<64xi32, #tpu.memory_space<vmem>>
    %dma_wait3A_91 = arith.constant 0 : i32
    %dma_wait3A_92 = arith.constant 0 : i32
    %dma_wait3A_93 = tpu.memref_slice %arg2[%dma_wait3A_91, %dma_wait3A_92] : memref<100000x768xf32, #tpu.memory_space<hbm>> -> memref<100000x768xf32, #tpu.memory_space<hbm>>
    tpu.wait_indirect_dma semaphore(%arg8 : memref<!tpu.dma_semaphore, #tpu.memory_space<semaphore_mem>>) src(%dma_wait3A_93 : memref<100000x768xf32, #tpu.memory_space<hbm>>) dst(%arg6 : memref<64x768xf32, #tpu.memory_space<vmem>>)
    %add3A_94 = arith.constant 128 : i32
    %add3A_95 = arith.addi %mul3A_32, %add3A_94 : i32
    %dma_start3A_96 = arith.constant 0 : i32
    %dma_start3A_97 = tpu.memref_slice %arg4[%add3A_95, %select_n3A, %dma_start3A_96] : memref<8192x4x768xf32, #tpu.memory_space<hbm>> -> memref<64x1x768xf32, #tpu.memory_space<hbm>>
    %dma_start3A_98 = tpu.memref_squeeze %dma_start3A_97 : memref<64x1x768xf32, #tpu.memory_space<hbm>> -> memref<64x768xf32, #tpu.memory_space<hbm>>
    %dma_start3A_99 = arith.constant 0 : i32
    %dma_start3A_100 = tpu.memref_slice %arg4[%add3A_95, %select_n3A, %dma_start3A_99] : memref<8192x4x768xf32, #tpu.memory_space<hbm>> -> memref<64x1x768xf32, #tpu.memory_space<hbm>>
    %dma_start3A_101 = tpu.memref_squeeze %dma_start3A_100 : memref<64x1x768xf32, #tpu.memory_space<hbm>> -> memref<64x768xf32, #tpu.memory_space<hbm>>
    tpu.enqueue_dma source(%arg6 : memref<64x768xf32, #tpu.memory_space<vmem>>) target(%dma_start3A_101 : memref<64x768xf32, #tpu.memory_space<hbm>>) target_semaphore(%arg10 : memref<!tpu.dma_semaphore, #tpu.memory_space<semaphore_mem>>)
    %dma_wait3A_102 = arith.constant 0 : i32
    %dma_wait3A_103 = tpu.memref_slice %arg4[%add3A_95, %select_n3A, %dma_wait3A_102] : memref<8192x4x768xf32, #tpu.memory_space<hbm>> -> memref<64x1x768xf32, #tpu.memory_space<hbm>>
    %dma_wait3A_104 = tpu.memref_squeeze %dma_wait3A_103 : memref<64x1x768xf32, #tpu.memory_space<hbm>> -> memref<64x768xf32, #tpu.memory_space<hbm>>
    %dma_wait3A_105 = arith.constant 0 : i32
    %dma_wait3A_106 = tpu.memref_slice %arg4[%add3A_95, %select_n3A, %dma_wait3A_105] : memref<8192x4x768xf32, #tpu.memory_space<hbm>> -> memref<64x1x768xf32, #tpu.memory_space<hbm>>
    %dma_wait3A_107 = tpu.memref_squeeze %dma_wait3A_106 : memref<64x1x768xf32, #tpu.memory_space<hbm>> -> memref<64x768xf32, #tpu.memory_space<hbm>>
    tpu.wait_dma2 semaphore(%arg10 : memref<!tpu.dma_semaphore, #tpu.memory_space<semaphore_mem>>) src(%arg6 : memref<64x768xf32, #tpu.memory_space<vmem>>) dst(%dma_wait3A_107 : memref<64x768xf32, #tpu.memory_space<hbm>>)
    %dma_start3A_108 = arith.constant 256 : i32
    %dma_start3A_109 = tpu.memref_slice %arg5[%dma_start3A_108] : memref<1024xi32, #tpu.memory_space<vmem>> -> memref<64xi32, #tpu.memory_space<vmem>>
    %dma_start3A_110 = arith.constant 0 : i32
    %dma_start3A_111 = arith.constant 0 : i32
    %dma_start3A_112 = tpu.memref_slice %arg2[%dma_start3A_110, %dma_start3A_111] : memref<100000x768xf32, #tpu.memory_space<hbm>> -> memref<100000x768xf32, #tpu.memory_space<hbm>>
    tpu.enqueue_indirect_dma source(%dma_start3A_112 : memref<100000x768xf32, #tpu.memory_space<hbm>>) target(%arg6 : memref<64x768xf32, #tpu.memory_space<vmem>>) offsets(%dma_start3A_109 : memref<64xi32, #tpu.memory_space<vmem>>) semaphore(%arg8 : memref<!tpu.dma_semaphore, #tpu.memory_space<semaphore_mem>>)
    %dma_wait3A_113 = arith.constant 192 : i32
    %dma_wait3A_114 = tpu.memref_slice %arg5[%dma_wait3A_113] : memref<1024xi32, #tpu.memory_space<vmem>> -> memref<64xi32, #tpu.memory_space<vmem>>
    %dma_wait3A_115 = arith.constant 0 : i32
    %dma_wait3A_116 = arith.constant 0 : i32
    %dma_wait3A_117 = tpu.memref_slice %arg2[%dma_wait3A_115, %dma_wait3A_116] : memref<100000x768xf32, #tpu.memory_space<hbm>> -> memref<100000x768xf32, #tpu.memory_space<hbm>>
    tpu.wait_indirect_dma semaphore(%arg9 : memref<!tpu.dma_semaphore, #tpu.memory_space<semaphore_mem>>) src(%dma_wait3A_117 : memref<100000x768xf32, #tpu.memory_space<hbm>>) dst(%arg7 : memref<64x768xf32, #tpu.memory_space<vmem>>)
    %add3A_118 = arith.constant 192 : i32
    %add3A_119 = arith.addi %mul3A_32, %add3A_118 : i32
    %dma_start3A_120 = arith.constant 0 : i32
    %dma_start3A_121 = tpu.memref_slice %arg4[%add3A_119, %select_n3A, %dma_start3A_120] : memref<8192x4x768xf32, #tpu.memory_space<hbm>> -> memref<64x1x768xf32, #tpu.memory_space<hbm>>
    %dma_start3A_122 = tpu.memref_squeeze %dma_start3A_121 : memref<64x1x768xf32, #tpu.memory_space<hbm>> -> memref<64x768xf32, #tpu.memory_space<hbm>>
    %dma_start3A_123 = arith.constant 0 : i32
    %dma_start3A_124 = tpu.memref_slice %arg4[%add3A_119, %select_n3A, %dma_start3A_123] : memref<8192x4x768xf32, #tpu.memory_space<hbm>> -> memref<64x1x768xf32, #tpu.memory_space<hbm>>
    %dma_start3A_125 = tpu.memref_squeeze %dma_start3A_124 : memref<64x1x768xf32, #tpu.memory_space<hbm>> -> memref<64x768xf32, #tpu.memory_space<hbm>>
    tpu.enqueue_dma source(%arg7 : memref<64x768xf32, #tpu.memory_space<vmem>>) target(%dma_start3A_125 : memref<64x768xf32, #tpu.memory_space<hbm>>) target_semaphore(%arg11 : memref<!tpu.dma_semaphore, #tpu.memory_space<semaphore_mem>>)
    %dma_wait3A_126 = arith.constant 0 : i32
    %dma_wait3A_127 = tpu.memref_slice %arg4[%add3A_119, %select_n3A, %dma_wait3A_126] : memref<8192x4x768xf32, #tpu.memory_space<hbm>> -> memref<64x1x768xf32, #tpu.memory_space<hbm>>
    %dma_wait3A_128 = tpu.memref_squeeze %dma_wait3A_127 : memref<64x1x768xf32, #tpu.memory_space<hbm>> -> memref<64x768xf32, #tpu.memory_space<hbm>>
    %dma_wait3A_129 = arith.constant 0 : i32
    %dma_wait3A_130 = tpu.memref_slice %arg4[%add3A_119, %select_n3A, %dma_wait3A_129] : memref<8192x4x768xf32, #tpu.memory_space<hbm>> -> memref<64x1x768xf32, #tpu.memory_space<hbm>>
    %dma_wait3A_131 = tpu.memref_squeeze %dma_wait3A_130 : memref<64x1x768xf32, #tpu.memory_space<hbm>> -> memref<64x768xf32, #tpu.memory_space<hbm>>
    tpu.wait_dma2 semaphore(%arg11 : memref<!tpu.dma_semaphore, #tpu.memory_space<semaphore_mem>>) src(%arg7 : memref<64x768xf32, #tpu.memory_space<vmem>>) dst(%dma_wait3A_131 : memref<64x768xf32, #tpu.memory_space<hbm>>)
    %dma_start3A_132 = arith.constant 320 : i32
    %dma_start3A_133 = tpu.memref_slice %arg5[%dma_start3A_132] : memref<1024xi32, #tpu.memory_space<vmem>> -> memref<64xi32, #tpu.memory_space<vmem>>
    %dma_start3A_134 = arith.constant 0 : i32
    %dma_start3A_135 = arith.constant 0 : i32
    %dma_start3A_136 = tpu.memref_slice %arg2[%dma_start3A_134, %dma_start3A_135] : memref<100000x768xf32, #tpu.memory_space<hbm>> -> memref<100000x768xf32, #tpu.memory_space<hbm>>
    tpu.enqueue_indirect_dma source(%dma_start3A_136 : memref<100000x768xf32, #tpu.memory_space<hbm>>) target(%arg7 : memref<64x768xf32, #tpu.memory_space<vmem>>) offsets(%dma_start3A_133 : memref<64xi32, #tpu.memory_space<vmem>>) semaphore(%arg9 : memref<!tpu.dma_semaphore, #tpu.memory_space<semaphore_mem>>)
    %dma_wait3A_137 = arith.constant 256 : i32
    %dma_wait3A_138 = tpu.memref_slice %arg5[%dma_wait3A_137] : memref<1024xi32, #tpu.memory_space<vmem>> -> memref<64xi32, #tpu.memory_space<vmem>>
    %dma_wait3A_139 = arith.constant 0 : i32
    %dma_wait3A_140 = arith.constant 0 : i32
    %dma_wait3A_141 = tpu.memref_slice %arg2[%dma_wait3A_139, %dma_wait3A_140] : memref<100000x768xf32, #tpu.memory_space<hbm>> -> memref<100000x768xf32, #tpu.memory_space<hbm>>
    tpu.wait_indirect_dma semaphore(%arg8 : memref<!tpu.dma_semaphore, #tpu.memory_space<semaphore_mem>>) src(%dma_wait3A_141 : memref<100000x768xf32, #tpu.memory_space<hbm>>) dst(%arg6 : memref<64x768xf32, #tpu.memory_space<vmem>>)
    %add3A_142 = arith.constant 256 : i32
    %add3A_143 = arith.addi %mul3A_32, %add3A_142 : i32
    %dma_start3A_144 = arith.constant 0 : i32
    %dma_start3A_145 = tpu.memref_slice %arg4[%add3A_143, %select_n3A, %dma_start3A_144] : memref<8192x4x768xf32, #tpu.memory_space<hbm>> -> memref<64x1x768xf32, #tpu.memory_space<hbm>>
    %dma_start3A_146 = tpu.memref_squeeze %dma_start3A_145 : memref<64x1x768xf32, #tpu.memory_space<hbm>> -> memref<64x768xf32, #tpu.memory_space<hbm>>
    %dma_start3A_147 = arith.constant 0 : i32
    %dma_start3A_148 = tpu.memref_slice %arg4[%add3A_143, %select_n3A, %dma_start3A_147] : memref<8192x4x768xf32, #tpu.memory_space<hbm>> -> memref<64x1x768xf32, #tpu.memory_space<hbm>>
    %dma_start3A_149 = tpu.memref_squeeze %dma_start3A_148 : memref<64x1x768xf32, #tpu.memory_space<hbm>> -> memref<64x768xf32, #tpu.memory_space<hbm>>
    tpu.enqueue_dma source(%arg6 : memref<64x768xf32, #tpu.memory_space<vmem>>) target(%dma_start3A_149 : memref<64x768xf32, #tpu.memory_space<hbm>>) target_semaphore(%arg10 : memref<!tpu.dma_semaphore, #tpu.memory_space<semaphore_mem>>)
    %dma_wait3A_150 = arith.constant 0 : i32
    %dma_wait3A_151 = tpu.memref_slice %arg4[%add3A_143, %select_n3A, %dma_wait3A_150] : memref<8192x4x768xf32, #tpu.memory_space<hbm>> -> memref<64x1x768xf32, #tpu.memory_space<hbm>>
    %dma_wait3A_152 = tpu.memref_squeeze %dma_wait3A_151 : memref<64x1x768xf32, #tpu.memory_space<hbm>> -> memref<64x768xf32, #tpu.memory_space<hbm>>
    %dma_wait3A_153 = arith.constant 0 : i32
    %dma_wait3A_154 = tpu.memref_slice %arg4[%add3A_143, %select_n3A, %dma_wait3A_153] : memref<8192x4x768xf32, #tpu.memory_space<hbm>> -> memref<64x1x768xf32, #tpu.memory_space<hbm>>
    %dma_wait3A_155 = tpu.memref_squeeze %dma_wait3A_154 : memref<64x1x768xf32, #tpu.memory_space<hbm>> -> memref<64x768xf32, #tpu.memory_space<hbm>>
    tpu.wait_dma2 semaphore(%arg10 : memref<!tpu.dma_semaphore, #tpu.memory_space<semaphore_mem>>) src(%arg6 : memref<64x768xf32, #tpu.memory_space<vmem>>) dst(%dma_wait3A_155 : memref<64x768xf32, #tpu.memory_space<hbm>>)
    %dma_start3A_156 = arith.constant 384 : i32
    %dma_start3A_157 = tpu.memref_slice %arg5[%dma_start3A_156] : memref<1024xi32, #tpu.memory_space<vmem>> -> memref<64xi32, #tpu.memory_space<vmem>>
    %dma_start3A_158 = arith.constant 0 : i32
    %dma_start3A_159 = arith.constant 0 : i32
    %dma_start3A_160 = tpu.memref_slice %arg2[%dma_start3A_158, %dma_start3A_159] : memref<100000x768xf32, #tpu.memory_space<hbm>> -> memref<100000x768xf32, #tpu.memory_space<hbm>>
    tpu.enqueue_indirect_dma source(%dma_start3A_160 : memref<100000x768xf32, #tpu.memory_space<hbm>>) target(%arg6 : memref<64x768xf32, #tpu.memory_space<vmem>>) offsets(%dma_start3A_157 : memref<64xi32, #tpu.memory_space<vmem>>) semaphore(%arg8 : memref<!tpu.dma_semaphore, #tpu.memory_space<semaphore_mem>>)
    %dma_wait3A_161 = arith.constant 320 : i32
    %dma_wait3A_162 = tpu.memref_slice %arg5[%dma_wait3A_161] : memref<1024xi32, #tpu.memory_space<vmem>> -> memref<64xi32, #tpu.memory_space<vmem>>
    %dma_wait3A_163 = arith.constant 0 : i32
    %dma_wait3A_164 = arith.constant 0 : i32
    %dma_wait3A_165 = tpu.memref_slice %arg2[%dma_wait3A_163, %dma_wait3A_164] : memref<100000x768xf32, #tpu.memory_space<hbm>> -> memref<100000x768xf32, #tpu.memory_space<hbm>>
    tpu.wait_indirect_dma semaphore(%arg9 : memref<!tpu.dma_semaphore, #tpu.memory_space<semaphore_mem>>) src(%dma_wait3A_165 : memref<100000x768xf32, #tpu.memory_space<hbm>>) dst(%arg7 : memref<64x768xf32, #tpu.memory_space<vmem>>)
    %add3A_166 = arith.constant 320 : i32
    %add3A_167 = arith.addi %mul3A_32, %add3A_166 : i32
    %dma_start3A_168 = arith.constant 0 : i32
    %dma_start3A_169 = tpu.memref_slice %arg4[%add3A_167, %select_n3A, %dma_start3A_168] : memref<8192x4x768xf32, #tpu.memory_space<hbm>> -> memref<64x1x768xf32, #tpu.memory_space<hbm>>
    %dma_start3A_170 = tpu.memref_squeeze %dma_start3A_169 : memref<64x1x768xf32, #tpu.memory_space<hbm>> -> memref<64x768xf32, #tpu.memory_space<hbm>>
    %dma_start3A_171 = arith.constant 0 : i32
    %dma_start3A_172 = tpu.memref_slice %arg4[%add3A_167, %select_n3A, %dma_start3A_171] : memref<8192x4x768xf32, #tpu.memory_space<hbm>> -> memref<64x1x768xf32, #tpu.memory_space<hbm>>
    %dma_start3A_173 = tpu.memref_squeeze %dma_start3A_172 : memref<64x1x768xf32, #tpu.memory_space<hbm>> -> memref<64x768xf32, #tpu.memory_space<hbm>>
    tpu.enqueue_dma source(%arg7 : memref<64x768xf32, #tpu.memory_space<vmem>>) target(%dma_start3A_173 : memref<64x768xf32, #tpu.memory_space<hbm>>) target_semaphore(%arg11 : memref<!tpu.dma_semaphore, #tpu.memory_space<semaphore_mem>>)
    %dma_wait3A_174 = arith.constant 0 : i32
    %dma_wait3A_175 = tpu.memref_slice %arg4[%add3A_167, %select_n3A, %dma_wait3A_174] : memref<8192x4x768xf32, #tpu.memory_space<hbm>> -> memref<64x1x768xf32, #tpu.memory_space<hbm>>
    %dma_wait3A_176 = tpu.memref_squeeze %dma_wait3A_175 : memref<64x1x768xf32, #tpu.memory_space<hbm>> -> memref<64x768xf32, #tpu.memory_space<hbm>>
    %dma_wait3A_177 = arith.constant 0 : i32
    %dma_wait3A_178 = tpu.memref_slice %arg4[%add3A_167, %select_n3A, %dma_wait3A_177] : memref<8192x4x768xf32, #tpu.memory_space<hbm>> -> memref<64x1x768xf32, #tpu.memory_space<hbm>>
    %dma_wait3A_179 = tpu.memref_squeeze %dma_wait3A_178 : memref<64x1x768xf32, #tpu.memory_space<hbm>> -> memref<64x768xf32, #tpu.memory_space<hbm>>
    tpu.wait_dma2 semaphore(%arg11 : memref<!tpu.dma_semaphore, #tpu.memory_space<semaphore_mem>>) src(%arg7 : memref<64x768xf32, #tpu.memory_space<vmem>>) dst(%dma_wait3A_179 : memref<64x768xf32, #tpu.memory_space<hbm>>)
    %dma_start3A_180 = arith.constant 448 : i32
    %dma_start3A_181 = tpu.memref_slice %arg5[%dma_start3A_180] : memref<1024xi32, #tpu.memory_space<vmem>> -> memref<64xi32, #tpu.memory_space<vmem>>
    %dma_start3A_182 = arith.constant 0 : i32
    %dma_start3A_183 = arith.constant 0 : i32
    %dma_start3A_184 = tpu.memref_slice %arg2[%dma_start3A_182, %dma_start3A_183] : memref<100000x768xf32, #tpu.memory_space<hbm>> -> memref<100000x768xf32, #tpu.memory_space<hbm>>
    tpu.enqueue_indirect_dma source(%dma_start3A_184 : memref<100000x768xf32, #tpu.memory_space<hbm>>) target(%arg7 : memref<64x768xf32, #tpu.memory_space<vmem>>) offsets(%dma_start3A_181 : memref<64xi32, #tpu.memory_space<vmem>>) semaphore(%arg9 : memref<!tpu.dma_semaphore, #tpu.memory_space<semaphore_mem>>)
    %dma_wait3A_185 = arith.constant 384 : i32
    %dma_wait3A_186 = tpu.memref_slice %arg5[%dma_wait3A_185] : memref<1024xi32, #tpu.memory_space<vmem>> -> memref<64xi32, #tpu.memory_space<vmem>>
    %dma_wait3A_187 = arith.constant 0 : i32
    %dma_wait3A_188 = arith.constant 0 : i32
    %dma_wait3A_189 = tpu.memref_slice %arg2[%dma_wait3A_187, %dma_wait3A_188] : memref<100000x768xf32, #tpu.memory_space<hbm>> -> memref<100000x768xf32, #tpu.memory_space<hbm>>
    tpu.wait_indirect_dma semaphore(%arg8 : memref<!tpu.dma_semaphore, #tpu.memory_space<semaphore_mem>>) src(%dma_wait3A_189 : memref<100000x768xf32, #tpu.memory_space<hbm>>) dst(%arg6 : memref<64x768xf32, #tpu.memory_space<vmem>>)
    %add3A_190 = arith.constant 384 : i32
    %add3A_191 = arith.addi %mul3A_32, %add3A_190 : i32
    %dma_start3A_192 = arith.constant 0 : i32
    %dma_start3A_193 = tpu.memref_slice %arg4[%add3A_191, %select_n3A, %dma_start3A_192] : memref<8192x4x768xf32, #tpu.memory_space<hbm>> -> memref<64x1x768xf32, #tpu.memory_space<hbm>>
    %dma_start3A_194 = tpu.memref_squeeze %dma_start3A_193 : memref<64x1x768xf32, #tpu.memory_space<hbm>> -> memref<64x768xf32, #tpu.memory_space<hbm>>
    %dma_start3A_195 = arith.constant 0 : i32
    %dma_start3A_196 = tpu.memref_slice %arg4[%add3A_191, %select_n3A, %dma_start3A_195] : memref<8192x4x768xf32, #tpu.memory_space<hbm>> -> memref<64x1x768xf32, #tpu.memory_space<hbm>>
    %dma_start3A_197 = tpu.memref_squeeze %dma_start3A_196 : memref<64x1x768xf32, #tpu.memory_space<hbm>> -> memref<64x768xf32, #tpu.memory_space<hbm>>
    tpu.enqueue_dma source(%arg6 : memref<64x768xf32, #tpu.memory_space<vmem>>) target(%dma_start3A_197 : memref<64x768xf32, #tpu.memory_space<hbm>>) target_semaphore(%arg10 : memref<!tpu.dma_semaphore, #tpu.memory_space<semaphore_mem>>)
    %dma_wait3A_198 = arith.constant 0 : i32
    %dma_wait3A_199 = tpu.memref_slice %arg4[%add3A_191, %select_n3A, %dma_wait3A_198] : memref<8192x4x768xf32, #tpu.memory_space<hbm>> -> memref<64x1x768xf32, #tpu.memory_space<hbm>>
    %dma_wait3A_200 = tpu.memref_squeeze %dma_wait3A_199 : memref<64x1x768xf32, #tpu.memory_space<hbm>> -> memref<64x768xf32, #tpu.memory_space<hbm>>
    %dma_wait3A_201 = arith.constant 0 : i32
    %dma_wait3A_202 = tpu.memref_slice %arg4[%add3A_191, %select_n3A, %dma_wait3A_201] : memref<8192x4x768xf32, #tpu.memory_space<hbm>> -> memref<64x1x768xf32, #tpu.memory_space<hbm>>
    %dma_wait3A_203 = tpu.memref_squeeze %dma_wait3A_202 : memref<64x1x768xf32, #tpu.memory_space<hbm>> -> memref<64x768xf32, #tpu.memory_space<hbm>>
    tpu.wait_dma2 semaphore(%arg10 : memref<!tpu.dma_semaphore, #tpu.memory_space<semaphore_mem>>) src(%arg6 : memref<64x768xf32, #tpu.memory_space<vmem>>) dst(%dma_wait3A_203 : memref<64x768xf32, #tpu.memory_space<hbm>>)
    %dma_start3A_204 = arith.constant 512 : i32
    %dma_start3A_205 = tpu.memref_slice %arg5[%dma_start3A_204] : memref<1024xi32, #tpu.memory_space<vmem>> -> memref<64xi32, #tpu.memory_space<vmem>>
    %dma_start3A_206 = arith.constant 0 : i32
    %dma_start3A_207 = arith.constant 0 : i32
    %dma_start3A_208 = tpu.memref_slice %arg2[%dma_start3A_206, %dma_start3A_207] : memref<100000x768xf32, #tpu.memory_space<hbm>> -> memref<100000x768xf32, #tpu.memory_space<hbm>>
    tpu.enqueue_indirect_dma source(%dma_start3A_208 : memref<100000x768xf32, #tpu.memory_space<hbm>>) target(%arg6 : memref<64x768xf32, #tpu.memory_space<vmem>>) offsets(%dma_start3A_205 : memref<64xi32, #tpu.memory_space<vmem>>) semaphore(%arg8 : memref<!tpu.dma_semaphore, #tpu.memory_space<semaphore_mem>>)
    %dma_wait3A_209 = arith.constant 448 : i32
    %dma_wait3A_210 = tpu.memref_slice %arg5[%dma_wait3A_209] : memref<1024xi32, #tpu.memory_space<vmem>> -> memref<64xi32, #tpu.memory_space<vmem>>
    %dma_wait3A_211 = arith.constant 0 : i32
    %dma_wait3A_212 = arith.constant 0 : i32
    %dma_wait3A_213 = tpu.memref_slice %arg2[%dma_wait3A_211, %dma_wait3A_212] : memref<100000x768xf32, #tpu.memory_space<hbm>> -> memref<100000x768xf32, #tpu.memory_space<hbm>>
    tpu.wait_indirect_dma semaphore(%arg9 : memref<!tpu.dma_semaphore, #tpu.memory_space<semaphore_mem>>) src(%dma_wait3A_213 : memref<100000x768xf32, #tpu.memory_space<hbm>>) dst(%arg7 : memref<64x768xf32, #tpu.memory_space<vmem>>)
    %add3A_214 = arith.constant 448 : i32
    %add3A_215 = arith.addi %mul3A_32, %add3A_214 : i32
    %dma_start3A_216 = arith.constant 0 : i32
    %dma_start3A_217 = tpu.memref_slice %arg4[%add3A_215, %select_n3A, %dma_start3A_216] : memref<8192x4x768xf32, #tpu.memory_space<hbm>> -> memref<64x1x768xf32, #tpu.memory_space<hbm>>
    %dma_start3A_218 = tpu.memref_squeeze %dma_start3A_217 : memref<64x1x768xf32, #tpu.memory_space<hbm>> -> memref<64x768xf32, #tpu.memory_space<hbm>>
    %dma_start3A_219 = arith.constant 0 : i32
    %dma_start3A_220 = tpu.memref_slice %arg4[%add3A_215, %select_n3A, %dma_start3A_219] : memref<8192x4x768xf32, #tpu.memory_space<hbm>> -> memref<64x1x768xf32, #tpu.memory_space<hbm>>
    %dma_start3A_221 = tpu.memref_squeeze %dma_start3A_220 : memref<64x1x768xf32, #tpu.memory_space<hbm>> -> memref<64x768xf32, #tpu.memory_space<hbm>>
    tpu.enqueue_dma source(%arg7 : memref<64x768xf32, #tpu.memory_space<vmem>>) target(%dma_start3A_221 : memref<64x768xf32, #tpu.memory_space<hbm>>) target_semaphore(%arg11 : memref<!tpu.dma_semaphore, #tpu.memory_space<semaphore_mem>>)
    %dma_wait3A_222 = arith.constant 0 : i32
    %dma_wait3A_223 = tpu.memref_slice %arg4[%add3A_215, %select_n3A, %dma_wait3A_222] : memref<8192x4x768xf32, #tpu.memory_space<hbm>> -> memref<64x1x768xf32, #tpu.memory_space<hbm>>
    %dma_wait3A_224 = tpu.memref_squeeze %dma_wait3A_223 : memref<64x1x768xf32, #tpu.memory_space<hbm>> -> memref<64x768xf32, #tpu.memory_space<hbm>>
    %dma_wait3A_225 = arith.constant 0 : i32
    %dma_wait3A_226 = tpu.memref_slice %arg4[%add3A_215, %select_n3A, %dma_wait3A_225] : memref<8192x4x768xf32, #tpu.memory_space<hbm>> -> memref<64x1x768xf32, #tpu.memory_space<hbm>>
    %dma_wait3A_227 = tpu.memref_squeeze %dma_wait3A_226 : memref<64x1x768xf32, #tpu.memory_space<hbm>> -> memref<64x768xf32, #tpu.memory_space<hbm>>
    tpu.wait_dma2 semaphore(%arg11 : memref<!tpu.dma_semaphore, #tpu.memory_space<semaphore_mem>>) src(%arg7 : memref<64x768xf32, #tpu.memory_space<vmem>>) dst(%dma_wait3A_227 : memref<64x768xf32, #tpu.memory_space<hbm>>)
    %dma_start3A_228 = arith.constant 576 : i32
    %dma_start3A_229 = tpu.memref_slice %arg5[%dma_start3A_228] : memref<1024xi32, #tpu.memory_space<vmem>> -> memref<64xi32, #tpu.memory_space<vmem>>
    %dma_start3A_230 = arith.constant 0 : i32
    %dma_start3A_231 = arith.constant 0 : i32
    %dma_start3A_232 = tpu.memref_slice %arg2[%dma_start3A_230, %dma_start3A_231] : memref<100000x768xf32, #tpu.memory_space<hbm>> -> memref<100000x768xf32, #tpu.memory_space<hbm>>
    tpu.enqueue_indirect_dma source(%dma_start3A_232 : memref<100000x768xf32, #tpu.memory_space<hbm>>) target(%arg7 : memref<64x768xf32, #tpu.memory_space<vmem>>) offsets(%dma_start3A_229 : memref<64xi32, #tpu.memory_space<vmem>>) semaphore(%arg9 : memref<!tpu.dma_semaphore, #tpu.memory_space<semaphore_mem>>)
    %dma_wait3A_233 = arith.constant 512 : i32
    %dma_wait3A_234 = tpu.memref_slice %arg5[%dma_wait3A_233] : memref<1024xi32, #tpu.memory_space<vmem>> -> memref<64xi32, #tpu.memory_space<vmem>>
    %dma_wait3A_235 = arith.constant 0 : i32
    %dma_wait3A_236 = arith.constant 0 : i32
    %dma_wait3A_237 = tpu.memref_slice %arg2[%dma_wait3A_235, %dma_wait3A_236] : memref<100000x768xf32, #tpu.memory_space<hbm>> -> memref<100000x768xf32, #tpu.memory_space<hbm>>
    tpu.wait_indirect_dma semaphore(%arg8 : memref<!tpu.dma_semaphore, #tpu.memory_space<semaphore_mem>>) src(%dma_wait3A_237 : memref<100000x768xf32, #tpu.memory_space<hbm>>) dst(%arg6 : memref<64x768xf32, #tpu.memory_space<vmem>>)
    %add3A_238 = arith.constant 512 : i32
    %add3A_239 = arith.addi %mul3A_32, %add3A_238 : i32
    %dma_start3A_240 = arith.constant 0 : i32
    %dma_start3A_241 = tpu.memref_slice %arg4[%add3A_239, %select_n3A, %dma_start3A_240] : memref<8192x4x768xf32, #tpu.memory_space<hbm>> -> memref<64x1x768xf32, #tpu.memory_space<hbm>>
    %dma_start3A_242 = tpu.memref_squeeze %dma_start3A_241 : memref<64x1x768xf32, #tpu.memory_space<hbm>> -> memref<64x768xf32, #tpu.memory_space<hbm>>
    %dma_start3A_243 = arith.constant 0 : i32
    %dma_start3A_244 = tpu.memref_slice %arg4[%add3A_239, %select_n3A, %dma_start3A_243] : memref<8192x4x768xf32, #tpu.memory_space<hbm>> -> memref<64x1x768xf32, #tpu.memory_space<hbm>>
    %dma_start3A_245 = tpu.memref_squeeze %dma_start3A_244 : memref<64x1x768xf32, #tpu.memory_space<hbm>> -> memref<64x768xf32, #tpu.memory_space<hbm>>
    tpu.enqueue_dma source(%arg6 : memref<64x768xf32, #tpu.memory_space<vmem>>) target(%dma_start3A_245 : memref<64x768xf32, #tpu.memory_space<hbm>>) target_semaphore(%arg10 : memref<!tpu.dma_semaphore, #tpu.memory_space<semaphore_mem>>)
    %dma_wait3A_246 = arith.constant 0 : i32
    %dma_wait3A_247 = tpu.memref_slice %arg4[%add3A_239, %select_n3A, %dma_wait3A_246] : memref<8192x4x768xf32, #tpu.memory_space<hbm>> -> memref<64x1x768xf32, #tpu.memory_space<hbm>>
    %dma_wait3A_248 = tpu.memref_squeeze %dma_wait3A_247 : memref<64x1x768xf32, #tpu.memory_space<hbm>> -> memref<64x768xf32, #tpu.memory_space<hbm>>
    %dma_wait3A_249 = arith.constant 0 : i32
    %dma_wait3A_250 = tpu.memref_slice %arg4[%add3A_239, %select_n3A, %dma_wait3A_249] : memref<8192x4x768xf32, #tpu.memory_space<hbm>> -> memref<64x1x768xf32, #tpu.memory_space<hbm>>
    %dma_wait3A_251 = tpu.memref_squeeze %dma_wait3A_250 : memref<64x1x768xf32, #tpu.memory_space<hbm>> -> memref<64x768xf32, #tpu.memory_space<hbm>>
    tpu.wait_dma2 semaphore(%arg10 : memref<!tpu.dma_semaphore, #tpu.memory_space<semaphore_mem>>) src(%arg6 : memref<64x768xf32, #tpu.memory_space<vmem>>) dst(%dma_wait3A_251 : memref<64x768xf32, #tpu.memory_space<hbm>>)
    %dma_start3A_252 = arith.constant 640 : i32
    %dma_start3A_253 = tpu.memref_slice %arg5[%dma_start3A_252] : memref<1024xi32, #tpu.memory_space<vmem>> -> memref<64xi32, #tpu.memory_space<vmem>>
    %dma_start3A_254 = arith.constant 0 : i32
    %dma_start3A_255 = arith.constant 0 : i32
    %dma_start3A_256 = tpu.memref_slice %arg2[%dma_start3A_254, %dma_start3A_255] : memref<100000x768xf32, #tpu.memory_space<hbm>> -> memref<100000x768xf32, #tpu.memory_space<hbm>>
    tpu.enqueue_indirect_dma source(%dma_start3A_256 : memref<100000x768xf32, #tpu.memory_space<hbm>>) target(%arg6 : memref<64x768xf32, #tpu.memory_space<vmem>>) offsets(%dma_start3A_253 : memref<64xi32, #tpu.memory_space<vmem>>) semaphore(%arg8 : memref<!tpu.dma_semaphore, #tpu.memory_space<semaphore_mem>>)
    %dma_wait3A_257 = arith.constant 576 : i32
    %dma_wait3A_258 = tpu.memref_slice %arg5[%dma_wait3A_257] : memref<1024xi32, #tpu.memory_space<vmem>> -> memref<64xi32, #tpu.memory_space<vmem>>
    %dma_wait3A_259 = arith.constant 0 : i32
    %dma_wait3A_260 = arith.constant 0 : i32
    %dma_wait3A_261 = tpu.memref_slice %arg2[%dma_wait3A_259, %dma_wait3A_260] : memref<100000x768xf32, #tpu.memory_space<hbm>> -> memref<100000x768xf32, #tpu.memory_space<hbm>>
    tpu.wait_indirect_dma semaphore(%arg9 : memref<!tpu.dma_semaphore, #tpu.memory_space<semaphore_mem>>) src(%dma_wait3A_261 : memref<100000x768xf32, #tpu.memory_space<hbm>>) dst(%arg7 : memref<64x768xf32, #tpu.memory_space<vmem>>)
    %add3A_262 = arith.constant 576 : i32
    %add3A_263 = arith.addi %mul3A_32, %add3A_262 : i32
    %dma_start3A_264 = arith.constant 0 : i32
    %dma_start3A_265 = tpu.memref_slice %arg4[%add3A_263, %select_n3A, %dma_start3A_264] : memref<8192x4x768xf32, #tpu.memory_space<hbm>> -> memref<64x1x768xf32, #tpu.memory_space<hbm>>
    %dma_start3A_266 = tpu.memref_squeeze %dma_start3A_265 : memref<64x1x768xf32, #tpu.memory_space<hbm>> -> memref<64x768xf32, #tpu.memory_space<hbm>>
    %dma_start3A_267 = arith.constant 0 : i32
    %dma_start3A_268 = tpu.memref_slice %arg4[%add3A_263, %select_n3A, %dma_start3A_267] : memref<8192x4x768xf32, #tpu.memory_space<hbm>> -> memref<64x1x768xf32, #tpu.memory_space<hbm>>
    %dma_start3A_269 = tpu.memref_squeeze %dma_start3A_268 : memref<64x1x768xf32, #tpu.memory_space<hbm>> -> memref<64x768xf32, #tpu.memory_space<hbm>>
    tpu.enqueue_dma source(%arg7 : memref<64x768xf32, #tpu.memory_space<vmem>>) target(%dma_start3A_269 : memref<64x768xf32, #tpu.memory_space<hbm>>) target_semaphore(%arg11 : memref<!tpu.dma_semaphore, #tpu.memory_space<semaphore_mem>>)
    %dma_wait3A_270 = arith.constant 0 : i32
    %dma_wait3A_271 = tpu.memref_slice %arg4[%add3A_263, %select_n3A, %dma_wait3A_270] : memref<8192x4x768xf32, #tpu.memory_space<hbm>> -> memref<64x1x768xf32, #tpu.memory_space<hbm>>
    %dma_wait3A_272 = tpu.memref_squeeze %dma_wait3A_271 : memref<64x1x768xf32, #tpu.memory_space<hbm>> -> memref<64x768xf32, #tpu.memory_space<hbm>>
    %dma_wait3A_273 = arith.constant 0 : i32
    %dma_wait3A_274 = tpu.memref_slice %arg4[%add3A_263, %select_n3A, %dma_wait3A_273] : memref<8192x4x768xf32, #tpu.memory_space<hbm>> -> memref<64x1x768xf32, #tpu.memory_space<hbm>>
    %dma_wait3A_275 = tpu.memref_squeeze %dma_wait3A_274 : memref<64x1x768xf32, #tpu.memory_space<hbm>> -> memref<64x768xf32, #tpu.memory_space<hbm>>
    tpu.wait_dma2 semaphore(%arg11 : memref<!tpu.dma_semaphore, #tpu.memory_space<semaphore_mem>>) src(%arg7 : memref<64x768xf32, #tpu.memory_space<vmem>>) dst(%dma_wait3A_275 : memref<64x768xf32, #tpu.memory_space<hbm>>)
    %dma_start3A_276 = arith.constant 704 : i32
    %dma_start3A_277 = tpu.memref_slice %arg5[%dma_start3A_276] : memref<1024xi32, #tpu.memory_space<vmem>> -> memref<64xi32, #tpu.memory_space<vmem>>
    %dma_start3A_278 = arith.constant 0 : i32
    %dma_start3A_279 = arith.constant 0 : i32
    %dma_start3A_280 = tpu.memref_slice %arg2[%dma_start3A_278, %dma_start3A_279] : memref<100000x768xf32, #tpu.memory_space<hbm>> -> memref<100000x768xf32, #tpu.memory_space<hbm>>
    tpu.enqueue_indirect_dma source(%dma_start3A_280 : memref<100000x768xf32, #tpu.memory_space<hbm>>) target(%arg7 : memref<64x768xf32, #tpu.memory_space<vmem>>) offsets(%dma_start3A_277 : memref<64xi32, #tpu.memory_space<vmem>>) semaphore(%arg9 : memref<!tpu.dma_semaphore, #tpu.memory_space<semaphore_mem>>)
    %dma_wait3A_281 = arith.constant 640 : i32
    %dma_wait3A_282 = tpu.memref_slice %arg5[%dma_wait3A_281] : memref<1024xi32, #tpu.memory_space<vmem>> -> memref<64xi32, #tpu.memory_space<vmem>>
    %dma_wait3A_283 = arith.constant 0 : i32
    %dma_wait3A_284 = arith.constant 0 : i32
    %dma_wait3A_285 = tpu.memref_slice %arg2[%dma_wait3A_283, %dma_wait3A_284] : memref<100000x768xf32, #tpu.memory_space<hbm>> -> memref<100000x768xf32, #tpu.memory_space<hbm>>
    tpu.wait_indirect_dma semaphore(%arg8 : memref<!tpu.dma_semaphore, #tpu.memory_space<semaphore_mem>>) src(%dma_wait3A_285 : memref<100000x768xf32, #tpu.memory_space<hbm>>) dst(%arg6 : memref<64x768xf32, #tpu.memory_space<vmem>>)
    %add3A_286 = arith.constant 640 : i32
    %add3A_287 = arith.addi %mul3A_32, %add3A_286 : i32
    %dma_start3A_288 = arith.constant 0 : i32
    %dma_start3A_289 = tpu.memref_slice %arg4[%add3A_287, %select_n3A, %dma_start3A_288] : memref<8192x4x768xf32, #tpu.memory_space<hbm>> -> memref<64x1x768xf32, #tpu.memory_space<hbm>>
    %dma_start3A_290 = tpu.memref_squeeze %dma_start3A_289 : memref<64x1x768xf32, #tpu.memory_space<hbm>> -> memref<64x768xf32, #tpu.memory_space<hbm>>
    %dma_start3A_291 = arith.constant 0 : i32
    %dma_start3A_292 = tpu.memref_slice %arg4[%add3A_287, %select_n3A, %dma_start3A_291] : memref<8192x4x768xf32, #tpu.memory_space<hbm>> -> memref<64x1x768xf32, #tpu.memory_space<hbm>>
    %dma_start3A_293 = tpu.memref_squeeze %dma_start3A_292 : memref<64x1x768xf32, #tpu.memory_space<hbm>> -> memref<64x768xf32, #tpu.memory_space<hbm>>
    tpu.enqueue_dma source(%arg6 : memref<64x768xf32, #tpu.memory_space<vmem>>) target(%dma_start3A_293 : memref<64x768xf32, #tpu.memory_space<hbm>>) target_semaphore(%arg10 : memref<!tpu.dma_semaphore, #tpu.memory_space<semaphore_mem>>)
    %dma_wait3A_294 = arith.constant 0 : i32
    %dma_wait3A_295 = tpu.memref_slice %arg4[%add3A_287, %select_n3A, %dma_wait3A_294] : memref<8192x4x768xf32, #tpu.memory_space<hbm>> -> memref<64x1x768xf32, #tpu.memory_space<hbm>>
    %dma_wait3A_296 = tpu.memref_squeeze %dma_wait3A_295 : memref<64x1x768xf32, #tpu.memory_space<hbm>> -> memref<64x768xf32, #tpu.memory_space<hbm>>
    %dma_wait3A_297 = arith.constant 0 : i32
    %dma_wait3A_298 = tpu.memref_slice %arg4[%add3A_287, %select_n3A, %dma_wait3A_297] : memref<8192x4x768xf32, #tpu.memory_space<hbm>> -> memref<64x1x768xf32, #tpu.memory_space<hbm>>
    %dma_wait3A_299 = tpu.memref_squeeze %dma_wait3A_298 : memref<64x1x768xf32, #tpu.memory_space<hbm>> -> memref<64x768xf32, #tpu.memory_space<hbm>>
    tpu.wait_dma2 semaphore(%arg10 : memref<!tpu.dma_semaphore, #tpu.memory_space<semaphore_mem>>) src(%arg6 : memref<64x768xf32, #tpu.memory_space<vmem>>) dst(%dma_wait3A_299 : memref<64x768xf32, #tpu.memory_space<hbm>>)
    %dma_start3A_300 = arith.constant 768 : i32
    %dma_start3A_301 = tpu.memref_slice %arg5[%dma_start3A_300] : memref<1024xi32, #tpu.memory_space<vmem>> -> memref<64xi32, #tpu.memory_space<vmem>>
    %dma_start3A_302 = arith.constant 0 : i32
    %dma_start3A_303 = arith.constant 0 : i32
    %dma_start3A_304 = tpu.memref_slice %arg2[%dma_start3A_302, %dma_start3A_303] : memref<100000x768xf32, #tpu.memory_space<hbm>> -> memref<100000x768xf32, #tpu.memory_space<hbm>>
    tpu.enqueue_indirect_dma source(%dma_start3A_304 : memref<100000x768xf32, #tpu.memory_space<hbm>>) target(%arg6 : memref<64x768xf32, #tpu.memory_space<vmem>>) offsets(%dma_start3A_301 : memref<64xi32, #tpu.memory_space<vmem>>) semaphore(%arg8 : memref<!tpu.dma_semaphore, #tpu.memory_space<semaphore_mem>>)
    %dma_wait3A_305 = arith.constant 704 : i32
    %dma_wait3A_306 = tpu.memref_slice %arg5[%dma_wait3A_305] : memref<1024xi32, #tpu.memory_space<vmem>> -> memref<64xi32, #tpu.memory_space<vmem>>
    %dma_wait3A_307 = arith.constant 0 : i32
    %dma_wait3A_308 = arith.constant 0 : i32
    %dma_wait3A_309 = tpu.memref_slice %arg2[%dma_wait3A_307, %dma_wait3A_308] : memref<100000x768xf32, #tpu.memory_space<hbm>> -> memref<100000x768xf32, #tpu.memory_space<hbm>>
    tpu.wait_indirect_dma semaphore(%arg9 : memref<!tpu.dma_semaphore, #tpu.memory_space<semaphore_mem>>) src(%dma_wait3A_309 : memref<100000x768xf32, #tpu.memory_space<hbm>>) dst(%arg7 : memref<64x768xf32, #tpu.memory_space<vmem>>)
    %add3A_310 = arith.constant 704 : i32
    %add3A_311 = arith.addi %mul3A_32, %add3A_310 : i32
    %dma_start3A_312 = arith.constant 0 : i32
    %dma_start3A_313 = tpu.memref_slice %arg4[%add3A_311, %select_n3A, %dma_start3A_312] : memref<8192x4x768xf32, #tpu.memory_space<hbm>> -> memref<64x1x768xf32, #tpu.memory_space<hbm>>
    %dma_start3A_314 = tpu.memref_squeeze %dma_start3A_313 : memref<64x1x768xf32, #tpu.memory_space<hbm>> -> memref<64x768xf32, #tpu.memory_space<hbm>>
    %dma_start3A_315 = arith.constant 0 : i32
    %dma_start3A_316 = tpu.memref_slice %arg4[%add3A_311, %select_n3A, %dma_start3A_315] : memref<8192x4x768xf32, #tpu.memory_space<hbm>> -> memref<64x1x768xf32, #tpu.memory_space<hbm>>
    %dma_start3A_317 = tpu.memref_squeeze %dma_start3A_316 : memref<64x1x768xf32, #tpu.memory_space<hbm>> -> memref<64x768xf32, #tpu.memory_space<hbm>>
    tpu.enqueue_dma source(%arg7 : memref<64x768xf32, #tpu.memory_space<vmem>>) target(%dma_start3A_317 : memref<64x768xf32, #tpu.memory_space<hbm>>) target_semaphore(%arg11 : memref<!tpu.dma_semaphore, #tpu.memory_space<semaphore_mem>>)
    %dma_wait3A_318 = arith.constant 0 : i32
    %dma_wait3A_319 = tpu.memref_slice %arg4[%add3A_311, %select_n3A, %dma_wait3A_318] : memref<8192x4x768xf32, #tpu.memory_space<hbm>> -> memref<64x1x768xf32, #tpu.memory_space<hbm>>
    %dma_wait3A_320 = tpu.memref_squeeze %dma_wait3A_319 : memref<64x1x768xf32, #tpu.memory_space<hbm>> -> memref<64x768xf32, #tpu.memory_space<hbm>>
    %dma_wait3A_321 = arith.constant 0 : i32
    %dma_wait3A_322 = tpu.memref_slice %arg4[%add3A_311, %select_n3A, %dma_wait3A_321] : memref<8192x4x768xf32, #tpu.memory_space<hbm>> -> memref<64x1x768xf32, #tpu.memory_space<hbm>>
    %dma_wait3A_323 = tpu.memref_squeeze %dma_wait3A_322 : memref<64x1x768xf32, #tpu.memory_space<hbm>> -> memref<64x768xf32, #tpu.memory_space<hbm>>
    tpu.wait_dma2 semaphore(%arg11 : memref<!tpu.dma_semaphore, #tpu.memory_space<semaphore_mem>>) src(%arg7 : memref<64x768xf32, #tpu.memory_space<vmem>>) dst(%dma_wait3A_323 : memref<64x768xf32, #tpu.memory_space<hbm>>)
    %dma_start3A_324 = arith.constant 832 : i32
    %dma_start3A_325 = tpu.memref_slice %arg5[%dma_start3A_324] : memref<1024xi32, #tpu.memory_space<vmem>> -> memref<64xi32, #tpu.memory_space<vmem>>
    %dma_start3A_326 = arith.constant 0 : i32
    %dma_start3A_327 = arith.constant 0 : i32
    %dma_start3A_328 = tpu.memref_slice %arg2[%dma_start3A_326, %dma_start3A_327] : memref<100000x768xf32, #tpu.memory_space<hbm>> -> memref<100000x768xf32, #tpu.memory_space<hbm>>
    tpu.enqueue_indirect_dma source(%dma_start3A_328 : memref<100000x768xf32, #tpu.memory_space<hbm>>) target(%arg7 : memref<64x768xf32, #tpu.memory_space<vmem>>) offsets(%dma_start3A_325 : memref<64xi32, #tpu.memory_space<vmem>>) semaphore(%arg9 : memref<!tpu.dma_semaphore, #tpu.memory_space<semaphore_mem>>)
    %dma_wait3A_329 = arith.constant 768 : i32
    %dma_wait3A_330 = tpu.memref_slice %arg5[%dma_wait3A_329] : memref<1024xi32, #tpu.memory_space<vmem>> -> memref<64xi32, #tpu.memory_space<vmem>>
    %dma_wait3A_331 = arith.constant 0 : i32
    %dma_wait3A_332 = arith.constant 0 : i32
    %dma_wait3A_333 = tpu.memref_slice %arg2[%dma_wait3A_331, %dma_wait3A_332] : memref<100000x768xf32, #tpu.memory_space<hbm>> -> memref<100000x768xf32, #tpu.memory_space<hbm>>
    tpu.wait_indirect_dma semaphore(%arg8 : memref<!tpu.dma_semaphore, #tpu.memory_space<semaphore_mem>>) src(%dma_wait3A_333 : memref<100000x768xf32, #tpu.memory_space<hbm>>) dst(%arg6 : memref<64x768xf32, #tpu.memory_space<vmem>>)
    %add3A_334 = arith.constant 768 : i32
    %add3A_335 = arith.addi %mul3A_32, %add3A_334 : i32
    %dma_start3A_336 = arith.constant 0 : i32
    %dma_start3A_337 = tpu.memref_slice %arg4[%add3A_335, %select_n3A, %dma_start3A_336] : memref<8192x4x768xf32, #tpu.memory_space<hbm>> -> memref<64x1x768xf32, #tpu.memory_space<hbm>>
    %dma_start3A_338 = tpu.memref_squeeze %dma_start3A_337 : memref<64x1x768xf32, #tpu.memory_space<hbm>> -> memref<64x768xf32, #tpu.memory_space<hbm>>
    %dma_start3A_339 = arith.constant 0 : i32
    %dma_start3A_340 = tpu.memref_slice %arg4[%add3A_335, %select_n3A, %dma_start3A_339] : memref<8192x4x768xf32, #tpu.memory_space<hbm>> -> memref<64x1x768xf32, #tpu.memory_space<hbm>>
    %dma_start3A_341 = tpu.memref_squeeze %dma_start3A_340 : memref<64x1x768xf32, #tpu.memory_space<hbm>> -> memref<64x768xf32, #tpu.memory_space<hbm>>
    tpu.enqueue_dma source(%arg6 : memref<64x768xf32, #tpu.memory_space<vmem>>) target(%dma_start3A_341 : memref<64x768xf32, #tpu.memory_space<hbm>>) target_semaphore(%arg10 : memref<!tpu.dma_semaphore, #tpu.memory_space<semaphore_mem>>)
    %dma_wait3A_342 = arith.constant 0 : i32
    %dma_wait3A_343 = tpu.memref_slice %arg4[%add3A_335, %select_n3A, %dma_wait3A_342] : memref<8192x4x768xf32, #tpu.memory_space<hbm>> -> memref<64x1x768xf32, #tpu.memory_space<hbm>>
    %dma_wait3A_344 = tpu.memref_squeeze %dma_wait3A_343 : memref<64x1x768xf32, #tpu.memory_space<hbm>> -> memref<64x768xf32, #tpu.memory_space<hbm>>
    %dma_wait3A_345 = arith.constant 0 : i32
    %dma_wait3A_346 = tpu.memref_slice %arg4[%add3A_335, %select_n3A, %dma_wait3A_345] : memref<8192x4x768xf32, #tpu.memory_space<hbm>> -> memref<64x1x768xf32, #tpu.memory_space<hbm>>
    %dma_wait3A_347 = tpu.memref_squeeze %dma_wait3A_346 : memref<64x1x768xf32, #tpu.memory_space<hbm>> -> memref<64x768xf32, #tpu.memory_space<hbm>>
    tpu.wait_dma2 semaphore(%arg10 : memref<!tpu.dma_semaphore, #tpu.memory_space<semaphore_mem>>) src(%arg6 : memref<64x768xf32, #tpu.memory_space<vmem>>) dst(%dma_wait3A_347 : memref<64x768xf32, #tpu.memory_space<hbm>>)
    %dma_start3A_348 = arith.constant 896 : i32
    %dma_start3A_349 = tpu.memref_slice %arg5[%dma_start3A_348] : memref<1024xi32, #tpu.memory_space<vmem>> -> memref<64xi32, #tpu.memory_space<vmem>>
    %dma_start3A_350 = arith.constant 0 : i32
    %dma_start3A_351 = arith.constant 0 : i32
    %dma_start3A_352 = tpu.memref_slice %arg2[%dma_start3A_350, %dma_start3A_351] : memref<100000x768xf32, #tpu.memory_space<hbm>> -> memref<100000x768xf32, #tpu.memory_space<hbm>>
    tpu.enqueue_indirect_dma source(%dma_start3A_352 : memref<100000x768xf32, #tpu.memory_space<hbm>>) target(%arg6 : memref<64x768xf32, #tpu.memory_space<vmem>>) offsets(%dma_start3A_349 : memref<64xi32, #tpu.memory_space<vmem>>) semaphore(%arg8 : memref<!tpu.dma_semaphore, #tpu.memory_space<semaphore_mem>>)
    %dma_wait3A_353 = arith.constant 832 : i32
    %dma_wait3A_354 = tpu.memref_slice %arg5[%dma_wait3A_353] : memref<1024xi32, #tpu.memory_space<vmem>> -> memref<64xi32, #tpu.memory_space<vmem>>
    %dma_wait3A_355 = arith.constant 0 : i32
    %dma_wait3A_356 = arith.constant 0 : i32
    %dma_wait3A_357 = tpu.memref_slice %arg2[%dma_wait3A_355, %dma_wait3A_356] : memref<100000x768xf32, #tpu.memory_space<hbm>> -> memref<100000x768xf32, #tpu.memory_space<hbm>>
    tpu.wait_indirect_dma semaphore(%arg9 : memref<!tpu.dma_semaphore, #tpu.memory_space<semaphore_mem>>) src(%dma_wait3A_357 : memref<100000x768xf32, #tpu.memory_space<hbm>>) dst(%arg7 : memref<64x768xf32, #tpu.memory_space<vmem>>)
    %add3A_358 = arith.constant 832 : i32
    %add3A_359 = arith.addi %mul3A_32, %add3A_358 : i32
    %dma_start3A_360 = arith.constant 0 : i32
    %dma_start3A_361 = tpu.memref_slice %arg4[%add3A_359, %select_n3A, %dma_start3A_360] : memref<8192x4x768xf32, #tpu.memory_space<hbm>> -> memref<64x1x768xf32, #tpu.memory_space<hbm>>
    %dma_start3A_362 = tpu.memref_squeeze %dma_start3A_361 : memref<64x1x768xf32, #tpu.memory_space<hbm>> -> memref<64x768xf32, #tpu.memory_space<hbm>>
    %dma_start3A_363 = arith.constant 0 : i32
    %dma_start3A_364 = tpu.memref_slice %arg4[%add3A_359, %select_n3A, %dma_start3A_363] : memref<8192x4x768xf32, #tpu.memory_space<hbm>> -> memref<64x1x768xf32, #tpu.memory_space<hbm>>
    %dma_start3A_365 = tpu.memref_squeeze %dma_start3A_364 : memref<64x1x768xf32, #tpu.memory_space<hbm>> -> memref<64x768xf32, #tpu.memory_space<hbm>>
    tpu.enqueue_dma source(%arg7 : memref<64x768xf32, #tpu.memory_space<vmem>>) target(%dma_start3A_365 : memref<64x768xf32, #tpu.memory_space<hbm>>) target_semaphore(%arg11 : memref<!tpu.dma_semaphore, #tpu.memory_space<semaphore_mem>>)
    %dma_wait3A_366 = arith.constant 0 : i32
    %dma_wait3A_367 = tpu.memref_slice %arg4[%add3A_359, %select_n3A, %dma_wait3A_366] : memref<8192x4x768xf32, #tpu.memory_space<hbm>> -> memref<64x1x768xf32, #tpu.memory_space<hbm>>
    %dma_wait3A_368 = tpu.memref_squeeze %dma_wait3A_367 : memref<64x1x768xf32, #tpu.memory_space<hbm>> -> memref<64x768xf32, #tpu.memory_space<hbm>>
    %dma_wait3A_369 = arith.constant 0 : i32
    %dma_wait3A_370 = tpu.memref_slice %arg4[%add3A_359, %select_n3A, %dma_wait3A_369] : memref<8192x4x768xf32, #tpu.memory_space<hbm>> -> memref<64x1x768xf32, #tpu.memory_space<hbm>>
    %dma_wait3A_371 = tpu.memref_squeeze %dma_wait3A_370 : memref<64x1x768xf32, #tpu.memory_space<hbm>> -> memref<64x768xf32, #tpu.memory_space<hbm>>
    tpu.wait_dma2 semaphore(%arg11 : memref<!tpu.dma_semaphore, #tpu.memory_space<semaphore_mem>>) src(%arg7 : memref<64x768xf32, #tpu.memory_space<vmem>>) dst(%dma_wait3A_371 : memref<64x768xf32, #tpu.memory_space<hbm>>)
    %dma_start3A_372 = arith.constant 960 : i32
    %dma_start3A_373 = tpu.memref_slice %arg5[%dma_start3A_372] : memref<1024xi32, #tpu.memory_space<vmem>> -> memref<64xi32, #tpu.memory_space<vmem>>
    %dma_start3A_374 = arith.constant 0 : i32
    %dma_start3A_375 = arith.constant 0 : i32
    %dma_start3A_376 = tpu.memref_slice %arg2[%dma_start3A_374, %dma_start3A_375] : memref<100000x768xf32, #tpu.memory_space<hbm>> -> memref<100000x768xf32, #tpu.memory_space<hbm>>
    tpu.enqueue_indirect_dma source(%dma_start3A_376 : memref<100000x768xf32, #tpu.memory_space<hbm>>) target(%arg7 : memref<64x768xf32, #tpu.memory_space<vmem>>) offsets(%dma_start3A_373 : memref<64xi32, #tpu.memory_space<vmem>>) semaphore(%arg9 : memref<!tpu.dma_semaphore, #tpu.memory_space<semaphore_mem>>)
    %dma_wait3A_377 = arith.constant 896 : i32
    %dma_wait3A_378 = tpu.memref_slice %arg5[%dma_wait3A_377] : memref<1024xi32, #tpu.memory_space<vmem>> -> memref<64xi32, #tpu.memory_space<vmem>>
    %dma_wait3A_379 = arith.constant 0 : i32
    %dma_wait3A_380 = arith.constant 0 : i32
    %dma_wait3A_381 = tpu.memref_slice %arg2[%dma_wait3A_379, %dma_wait3A_380] : memref<100000x768xf32, #tpu.memory_space<hbm>> -> memref<100000x768xf32, #tpu.memory_space<hbm>>
    tpu.wait_indirect_dma semaphore(%arg8 : memref<!tpu.dma_semaphore, #tpu.memory_space<semaphore_mem>>) src(%dma_wait3A_381 : memref<100000x768xf32, #tpu.memory_space<hbm>>) dst(%arg6 : memref<64x768xf32, #tpu.memory_space<vmem>>)
    %add3A_382 = arith.constant 896 : i32
    %add3A_383 = arith.addi %mul3A_32, %add3A_382 : i32
    %dma_start3A_384 = arith.constant 0 : i32
    %dma_start3A_385 = tpu.memref_slice %arg4[%add3A_383, %select_n3A, %dma_start3A_384] : memref<8192x4x768xf32, #tpu.memory_space<hbm>> -> memref<64x1x768xf32, #tpu.memory_space<hbm>>
    %dma_start3A_386 = tpu.memref_squeeze %dma_start3A_385 : memref<64x1x768xf32, #tpu.memory_space<hbm>> -> memref<64x768xf32, #tpu.memory_space<hbm>>
    %dma_start3A_387 = arith.constant 0 : i32
    %dma_start3A_388 = tpu.memref_slice %arg4[%add3A_383, %select_n3A, %dma_start3A_387] : memref<8192x4x768xf32, #tpu.memory_space<hbm>> -> memref<64x1x768xf32, #tpu.memory_space<hbm>>
    %dma_start3A_389 = tpu.memref_squeeze %dma_start3A_388 : memref<64x1x768xf32, #tpu.memory_space<hbm>> -> memref<64x768xf32, #tpu.memory_space<hbm>>
    tpu.enqueue_dma source(%arg6 : memref<64x768xf32, #tpu.memory_space<vmem>>) target(%dma_start3A_389 : memref<64x768xf32, #tpu.memory_space<hbm>>) target_semaphore(%arg10 : memref<!tpu.dma_semaphore, #tpu.memory_space<semaphore_mem>>)
    %dma_wait3A_390 = arith.constant 960 : i32
    %dma_wait3A_391 = tpu.memref_slice %arg5[%dma_wait3A_390] : memref<1024xi32, #tpu.memory_space<vmem>> -> memref<64xi32, #tpu.memory_space<vmem>>
    %dma_wait3A_392 = arith.constant 0 : i32
    %dma_wait3A_393 = arith.constant 0 : i32
    %dma_wait3A_394 = tpu.memref_slice %arg2[%dma_wait3A_392, %dma_wait3A_393] : memref<100000x768xf32, #tpu.memory_space<hbm>> -> memref<100000x768xf32, #tpu.memory_space<hbm>>
    tpu.wait_indirect_dma semaphore(%arg9 : memref<!tpu.dma_semaphore, #tpu.memory_space<semaphore_mem>>) src(%dma_wait3A_394 : memref<100000x768xf32, #tpu.memory_space<hbm>>) dst(%arg7 : memref<64x768xf32, #tpu.memory_space<vmem>>)
    %add3A_395 = arith.constant 960 : i32
    %add3A_396 = arith.addi %mul3A_32, %add3A_395 : i32
    %dma_start3A_397 = arith.constant 0 : i32
    %dma_start3A_398 = tpu.memref_slice %arg4[%add3A_396, %select_n3A, %dma_start3A_397] : memref<8192x4x768xf32, #tpu.memory_space<hbm>> -> memref<64x1x768xf32, #tpu.memory_space<hbm>>
    %dma_start3A_399 = tpu.memref_squeeze %dma_start3A_398 : memref<64x1x768xf32, #tpu.memory_space<hbm>> -> memref<64x768xf32, #tpu.memory_space<hbm>>
    %dma_start3A_400 = arith.constant 0 : i32
    %dma_start3A_401 = tpu.memref_slice %arg4[%add3A_396, %select_n3A, %dma_start3A_400] : memref<8192x4x768xf32, #tpu.memory_space<hbm>> -> memref<64x1x768xf32, #tpu.memory_space<hbm>>
    %dma_start3A_402 = tpu.memref_squeeze %dma_start3A_401 : memref<64x1x768xf32, #tpu.memory_space<hbm>> -> memref<64x768xf32, #tpu.memory_space<hbm>>
    tpu.enqueue_dma source(%arg7 : memref<64x768xf32, #tpu.memory_space<vmem>>) target(%dma_start3A_402 : memref<64x768xf32, #tpu.memory_space<hbm>>) target_semaphore(%arg11 : memref<!tpu.dma_semaphore, #tpu.memory_space<semaphore_mem>>)
    %dma_wait3A_403 = arith.constant 0 : i32
    %dma_wait3A_404 = tpu.memref_slice %arg4[%add3A_383, %select_n3A, %dma_wait3A_403] : memref<8192x4x768xf32, #tpu.memory_space<hbm>> -> memref<64x1x768xf32, #tpu.memory_space<hbm>>
    %dma_wait3A_405 = tpu.memref_squeeze %dma_wait3A_404 : memref<64x1x768xf32, #tpu.memory_space<hbm>> -> memref<64x768xf32, #tpu.memory_space<hbm>>
    %dma_wait3A_406 = arith.constant 0 : i32
    %dma_wait3A_407 = tpu.memref_slice %arg4[%add3A_383, %select_n3A, %dma_wait3A_406] : memref<8192x4x768xf32, #tpu.memory_space<hbm>> -> memref<64x1x768xf32, #tpu.memory_space<hbm>>
    %dma_wait3A_408 = tpu.memref_squeeze %dma_wait3A_407 : memref<64x1x768xf32, #tpu.memory_space<hbm>> -> memref<64x768xf32, #tpu.memory_space<hbm>>
    tpu.wait_dma2 semaphore(%arg10 : memref<!tpu.dma_semaphore, #tpu.memory_space<semaphore_mem>>) src(%arg6 : memref<64x768xf32, #tpu.memory_space<vmem>>) dst(%dma_wait3A_408 : memref<64x768xf32, #tpu.memory_space<hbm>>)
    %dma_wait3A_409 = arith.constant 0 : i32
    %dma_wait3A_410 = tpu.memref_slice %arg4[%add3A_396, %select_n3A, %dma_wait3A_409] : memref<8192x4x768xf32, #tpu.memory_space<hbm>> -> memref<64x1x768xf32, #tpu.memory_space<hbm>>
    %dma_wait3A_411 = tpu.memref_squeeze %dma_wait3A_410 : memref<64x1x768xf32, #tpu.memory_space<hbm>> -> memref<64x768xf32, #tpu.memory_space<hbm>>
    %dma_wait3A_412 = arith.constant 0 : i32
    %dma_wait3A_413 = tpu.memref_slice %arg4[%add3A_396, %select_n3A, %dma_wait3A_412] : memref<8192x4x768xf32, #tpu.memory_space<hbm>> -> memref<64x1x768xf32, #tpu.memory_space<hbm>>
    %dma_wait3A_414 = tpu.memref_squeeze %dma_wait3A_413 : memref<64x1x768xf32, #tpu.memory_space<hbm>> -> memref<64x768xf32, #tpu.memory_space<hbm>>
    tpu.wait_dma2 semaphore(%arg11 : memref<!tpu.dma_semaphore, #tpu.memory_space<semaphore_mem>>) src(%arg7 : memref<64x768xf32, #tpu.memory_space<vmem>>) dst(%dma_wait3A_414 : memref<64x768xf32, #tpu.memory_space<hbm>>)
    return
  }
}

</mosaic_0001>

<sc_bundles>
// kernel: kernel.3.cloned.1.call-start
scs
__scs_entry_jumppad:
0x0: {  	(pc) =	sbr.rel $0x88, $3  }
0x1: {  	(tag) =	ssettag $0x0;
	lr =	simm.s32 $0x1  }
0x2: {  	[smem:$0x3F9F] =	sst lr;
	_ =	strace $0xD0000000  }
0x3: {  	_ = 	snop  }
0x4: {  	_ = 	snop  }
0x5: {  	_ = 	snop  }
0x6: {  	_ = 	snop  }
0x7: {  	_ = 	snop  }
__scs_overlays_trampoline_lowered:
0x8: {  	[smem:$0x3FAE] =	sst s0  }
0x9: {  	[smem:$0x3FAF] =	sst s1  }
0xa: {  	[smem:$0x3FB0] =	sst s2  }
0xb: {  	[smem:$0x3FB1] =	sst s3  }
0xc: {  	[smem:$0x3FB2] =	sst s4  }
0xd: {  	[smem:$0x3FB3] =	sst s5  }
0xe: {  	[smem:$0x3FB4] =	sst s6  }
0xf: {  	[smem:$0x3FB5] =	sst s7  }
0x10: {  	[smem:$0x3FB6] =	sst s8  }
0x11: {  	[smem:$0x3FB7] =	sst s9;
	s0 =	simm.s32 @!p0 $0x0  }
0x12: {  	s1 =	sld [smem:$0x3F9D];
	s0 =	simm.s32 @p0 $0x1  }
0x13: {  	[smem:$0x3FB8] =	sst s0;
	s0 =	simm.s32 @!p1 $0x0  }
0x14: {  	s2 =	sld [smem:$0x3F9C];
	s0 =	simm.s32 @p1 $0x1  }
0x15: {  	[smem:$0x3FB9] =	sst s0;
	s0 =	simm.s32 @!p2 $0x0  }
0x16: {  	s3 =	sld [smem:$0x3FDB];
	s0 =	simm.s32 @p2 $0x1  }
0x17: {  	s4 =	simm.s32 $0x1BF5;
	[smem:$0x3FBB] =	sst s0  }
0x18: {  	s0 =	sld [smem:$0x3F9E];
	_ =	swait.ge [sflag:s4], $0x0  }
0x19: {  	s7 =	sld [smem:$0x3F9F]  }
0x1a: {  	s8 =	sadd.s32 $0xFFFFE003, lr  }
0x1b: {  	s9 =	sadd.s32 $0xFFFFFEF7, lr;
	s5 =	simm.s32 $0xFFFFFFFF;
	p2 =	slt.u32 s8, $0xFFFFF086  }
0x1c: {  	p1 =	slt.u32 s9, $0xF7A;
	s5 =	simm.s32 @!p2 $0x0  }
0x1d: {  	s5 =	simm.s32 @p1 $0x1;
	p0 =	seq.s32 s7, s2  }
0x1e: {  	s7 =	smul.u32 @!p0 $0xF7A, s2;
	p2 =	seq.s32 @!p0 s5, $0x0  }
0x1f: {  	s9 =	smul.u32 $0xF7A, s1;
	s8 =	simm.s32 @!p0 $0x1BF5;
	p2 =	por !p2, p0  }
0x20: {  	[sflag:s8] =	ssyncset.s32 @!p0 $0xFFFFF086;
	s6 =	sadd.s32 @!p0 s3, s7;
	s7 =	simm.s32 @!p0 $0x108  }
0x21: {  	s3 =	sadd.s32 s3, s9;
	s6 =	sadd.s32 @!p0 $0x88, s6;
	s7 =	simm.s32 @p2 $0x1082  }
0x22: {  	[simem:s7], [sflag:s8] =	dma.local @!p0 [hbm:s6], $0xF7A  }
0x23: {  	s9 =	sor.u32 $0xD0000000, s2;
	s6 =	simm.s32 $0x108;
	_ =	swait.ge @!p0 [sflag:s8], $0x0  }
0x24: {  	s3 =	sadd.s32 $0x88, s3;
	s6 =	simm.s32 @!p1 $0x1082;
	[sflag:s4] =	ssyncset.s32 $0xFFFFF086  }
0x25: {  	[simem:s6], [sflag:s4] =	dma.local [hbm:s3], $0xF7A  }
0x26: {  	[smem:$0x3F9F] =	sst s1;
	(tag) =	ssettag s2;
	_ =	strace s9  }
0x27: {  	s1 =	sld [smem:$0x3FAF]  }
0x28: {  	s2 =	sld [smem:$0x3FB0]  }
0x29: {  	s4 =	sld [smem:$0x3FB2]  }
0x2a: {  	p0 =	seq.s32 s5, $0x0;
	s5 =	sld [smem:$0x3FB3]  }
0x2b: {  	s6 =	sld [smem:$0x3FB4]  }
0x2c: {  	s7 =	sld [smem:$0x3FB5]  }
0x2d: {  	s3 =	simm.s32 $0x108;
	s8 =	sld [smem:$0x3FB6]  }
0x2e: {  	s3 =	simm.s32 @!p0 $0x1082;
	s9 =	sld [smem:$0x3FB7]  }
0x2f: {  	lr =	sadd.s32 s0, s3;
	s0 =	sld [smem:$0x3FAE]  }
0x30: {  	s3 =	sld [smem:$0x3FB1]  }
0x31: {  	[smem:$0x3FBA] =	sst s10  }
0x32: {  	s10 =	sld [smem:$0x3FB8];
	_ =	sdelay $0x3  }
0x33: {  	p0 =	seq.s32 s10, $0x1;
	s10 =	sld [smem:$0x3FBA];
	_ =	sdelay $0x3  }
0x34: {  	[smem:$0x3FBA] =	sst s10  }
0x35: {  	s10 =	sld [smem:$0x3FB9];
	_ =	sdelay $0x3  }
0x36: {  	p1 =	seq.s32 s10, $0x1;
	s10 =	sld [smem:$0x3FBA];
	_ =	sdelay $0x3  }
0x37: {  	[smem:$0x3FBA] =	sst s10  }
0x38: {  	s10 =	sld [smem:$0x3FBB]  }
0x39: {  	_ = 	snop;
	(pc) =	sbr.ind lr, $3  }
0x3a: {  	_ = 	snop  }
0x3b: {  	_ = 	snop  }
0x3c: {  	p2 =	seq.s32 s10, $0x1;
	s10 =	sld [smem:$0x3FBA]  }
0x3d: {  	_ =	shalt  }
0x3e: {  	_ =	shalt  }
0x3f: {  	_ =	shalt  }
0x40: {  	_ =	shalt  }
0x41: {  	_ =	shalt  }
0x42: {  	_ =	shalt  }
0x43: {  	_ =	shalt  }
0x44: {  	_ =	shalt  }
0x45: {  	_ =	shalt  }
0x46: {  	_ =	shalt  }
0x47: {  	_ =	shalt  }
0x48: {  	_ =	shalt  }
0x49: {  	_ =	shalt  }
0x4a: {  	_ =	shalt  }
0x4b: {  	_ =	shalt  }
0x4c: {  	_ =	shalt  }
0x4d: {  	_ =	shalt  }
0x4e: {  	_ =	shalt  }
0x4f: {  	_ =	shalt  }
0x50: {  	_ =	shalt  }
0x51: {  	_ =	shalt  }
0x52: {  	_ =	shalt  }
0x53: {  	_ =	shalt  }
0x54: {  	_ =	shalt  }
0x55: {  	_ =	shalt  }
0x56: {  	_ =	shalt  }
0x57: {  	_ =	shalt  }
0x58: {  	_ =	shalt  }
0x59: {  	_ =	shalt  }
0x5a: {  	_ =	shalt  }
0x5b: {  	_ =	shalt  }
0x5c: {  	_ =	shalt  }
0x5d: {  	_ =	shalt  }
0x5e: {  	_ =	shalt  }
0x5f: {  	_ =	shalt  }
0x60: {  	_ =	shalt  }
0x61: {  	_ =	shalt  }
0x62: {  	_ =	shalt  }
0x63: {  	_ =	shalt  }
0x64: {  	_ =	shalt  }
0x65: {  	_ =	shalt  }
0x66: {  	_ =	shalt  }
0x67: {  	_ =	shalt  }
0x68: {  	_ =	shalt  }
0x69: {  	_ =	shalt  }
0x6a: {  	_ =	shalt  }
0x6b: {  	_ =	shalt  }
0x6c: {  	_ =	shalt  }
0x6d: {  	_ =	shalt  }
0x6e: {  	_ =	shalt  }
0x6f: {  	_ =	shalt  }
0x70: {  	_ =	shalt  }
0x71: {  	_ =	shalt  }
0x72: {  	_ =	shalt  }
0x73: {  	_ =	shalt  }
0x74: {  	_ =	shalt  }
0x75: {  	_ =	shalt  }
0x76: {  	_ =	shalt  }
0x77: {  	_ =	shalt  }
0x78: {  	_ =	shalt  }
0x79: {  	_ =	shalt  }
0x7a: {  	_ =	shalt  }
0x7b: {  	_ =	shalt  }
0x7c: {  	_ =	shalt  }
0x7d: {  	_ =	shalt  }
0x7e: {  	_ =	shalt  }
0x7f: {  	_ =	shalt  }
0x80: {  	_ =	shalt  }
0x81: {  	_ =	shalt  }
0x82: {  	_ =	shalt  }
0x83: {  	_ =	shalt  }
0x84: {  	_ =	shalt  }
0x85: {  	_ =	shalt  }
0x86: {  	_ =	shalt  }
0x87: {  	_ =	shalt  }
.Lfunc_end0:
.L_simem_size_0:
called_computation_lowered:
.L_overlay_start_0:
0x88: {  	s2 =	sld [smem:$0x3FD9]  }
0x89: {  	s3 =	sld [smem:$0x3FFE];
	_ =	sdelay $0x1  }
0x8a: {  	s1 =	srdreg.scid  }
0x8b: {  	s0 =	sand.u32 $0x1, s1  }
0x8c: {  	s18 =	sshll.u32 s0, $0xA;
	s2 =	sadd.s32 s3, s2  }
0x8d: {  	s2 =	sadd.s32 s2, s18  }
0x8e: {  	[smem:$0x3FC6] =	sst s2  }
0x8f: {  	_ = 	snop  }
0x90: {  	s2 =	sld [smem:$0x3FC9]  }
0x91: {  	s19 =	sld [smem:$0x3FC8]  }
0x92: {  	s4 =	sld [smem:$0x3FD0];
	(tm) =	ssettm $0x1  }
0x93: {  	s5 =	sld [smem:$0x3FFB];
	_ =	sdelay $0x3  }
0x94: {  	_ =	strace s5  }
0x95: {  	s5 =	sld [smem:$0x3FFC];
	_ =	sdelay $0x3  }
0x96: {  	_ =	strace s5  }
0x97: {  	s5 =	sld [smem:$0x3FFD];
	_ =	sdelay $0x3  }
0x98: {  	_ =	strace s5  }
0x99: {  	_ =	strace $0x8FFFFFFF  }
0x9a: {  	s20 =	sld [smem:$0x3FDB];
	_ =	sdelay $0x1  }
0x9b: {  	s6 =	simm.s32 $_scs_section_size  }
0x9c: {  	s7 =	simm.s32 $_size__tile_overlayer_lowered;
	s8 =	simm.s32 $_tile_overlayer_lowered  }
0x9d: {  	s23 =	simm.s32 $0x1BFF;
	s22 =	sshll.u32 s8, $0x1;
	s5 =	sadd.s32 s6, s20  }
0x9e: {  	s9 =	simm.s32 $0x0;
	s21 =	sshll.u32 s7, $0x1;
	s7 =	sadd.s32 s22, s5  }
0x9f: {  	[timem:s9], [sflag:s23] =	dma.local [hbm:s7], s21  }
0xa0: {  	_ =	swait.ge [sflag:s23], s21  }
0xa1: {  	s6 =	ssub.s32 $0x0, s21;
	[sflag:s23] =	ssyncset.done $0x0  }
0xa2: {  	[sflag:s23] =	ssyncadd.s32 s6;
	_ =	sdelay $0x1  }
0xa3: {  	s24 =	simm.s32 $0x1B8B  }
0xa4: {  	_ =	swait.ge [sflag:s24], $0x1  }
0xa5: {  	[sflag:s24] =	ssyncset.done $0x0  }
0xa6: {  	s25 =	simm.s32 $0x1B8E;
	[sflag:s24] =	ssyncadd.s32 $0xFFFFFFFF  }
0xa7: {  	s26 =	simm.s32 $execute0_lowered;
	[smem:$0x3FD2] =	sst s25  }
0xa8: {  	s6 =	sshll.u32 s26, $0x1;
	_ =	strace $0x80000046;
	[dreg:$0x1] =	wrdreg $0xFFFFFFFF  }
0xa9: {  	s28 =	simm.s32 $_size_execute0_lowered;
	s5 =	sadd.s32 s5, s6;
	[dreg:$0x0] =	wrdreg $0x0  }
0xaa: {  	s6 =	sshll.u32 s28, $0x1;
	[dreg:$0x2] =	wrdreg s5  }
0xab: {  	[dreg:$0x3] =	wrdreg s6  }
0xac: {  	[dreg:$0x4] =	wrdreg $0xC0  }
0xad: {  	_ =	task [dreg:s9], $0x5FFFF  }
0xae: {  	[dreg:$0x1] =	wrdreg $0xFFFFFFFF  }
0xaf: {  	[dreg:$0x0] =	wrdreg $0x60  }
0xb0: {  	[dreg:$0x2] =	wrdreg s19  }
0xb1: {  	[dreg:$0x3] =	wrdreg s2  }
0xb2: {  	[dreg:$0x4] =	wrdreg s4  }
0xb3: {  	[dreg:$0x5] =	wrdreg $0x9  }
0xb4: {  	_ =	task.clear_ibuf [dreg:s9], $0x6FFFF;
	_ =	strace $0x90000046  }
0xb5: {  	s29 =	simm.s32 $0x9;
	_ =	strace $0x80000048  }
0xb6: {  	_ =	swait.ge [sflag:s29], $0x1  }
0xb7: {  	[sflag:s29] =	ssyncadd.s32 $0xFFFFFFFF  }
0xb8: {  	_ =	strace $0x90000048  }
0xb9: {  	_ =	sfence  }
0xba: {  	s30 =	sld [smem:$0x0];
	_ =	sdelay $0x2  }
0xbb: {  	s31 =	sshll.u32 s1, $0xD;
	s1 =	sshrl.u32 s1, $0x2  }
0xbc: {  	s3 =	sand.u32 $0x4000, s31;
	s1 =	sadd.s32 s1, s30  }
0xbd: {  	s0 =	sor.u32 s3, s0;
	s1 =	sshll.u32 s1, $0x11  }
0xbe: {  	s0 =	sor.u32 s1, s0  }
0xbf: {  	s0 =	sadd.s32 $0x8F2B, s0  }
0xc0: {  	[sflag:s0] =	ssyncadd.remote.s32 $0x1  }
0xc1: {  	_ =	sfence.sel $0xFFFF  }
0xc2: {  	[dreg:$0x0] =	wrdreg $0xFFFFFFFF;
	(pc) =	sbr.abs _section_cstart, $3  }
0xc3: {  	[dreg:$0x1] =	wrdreg $0xFFFFFFFF  }
0xc4: {  	_ =	task.clear_ibuf [dreg:s9], $0x2FFFF;
	_ =	strace $0x9FFFFFFF  }
0xc5: {  	(tm) =	ssettm $0x7FFFFFFF  }
tec
execute0_lowered:
.L_overlay_start_1:
0x0: {  	(tag) =	ssettag $0x1  }
0x1: {  	s2 =	rddreg [dreg:$0x0]  }
0x2: {  	s0 =	rddreg [dreg:$0x1]  }
0x3: {  	s1 =	rddreg [dreg:$0x2]  }
0x4: {  	s6 =	stileid.u32;
	s4 =	srdreg.scid  }
0x5: {  	s3 =	simm.s32 $0x0;
	s29 =	simm.s32 $0xC00;
	s5 =	sshll.u32 s6, $0x1  }
0x6: {  	s31 =	simm.s32 $0x1;
	s4 =	sand.u32 $0x1, s4;
	s5 =	sand.u32 $0x6, s5  }
0x7: {  	[smem:$0x7FF] =	sst s3;
	s6 =	sshll.u32 s6, $0x5;
	s5 =	sor.u32 s4, s5  }
0x8: {  	_ =	strace $0x80000047;
	s4 =	ssub.s32 $0x2, s4;
	s7 =	smul.u32 $0x300000, s5  }
0x9: {  	s6 =	sand.u32 $0x180, s6;
	s5 =	sshll.u32 s5, $0xC;
	s8 =	sshrl.u32 s4, $0x1  }
0xa: {  	s5 =	sor.u32 s6, s5;
	s4 =	ssub.s32 s4, s8;
	s20 =	sor.u32 s6, s7  }
0xb: {  	s5 =	sshrl.u32 s5, $0x3;
	s7 =	sadd.s32 $0x200, s2;
	s30 =	smax.u32 s4, $0x1  }
0xc: {  	s4 =	simm.s32 $0x0;
	s6 =	sshrl.u32 s20, $0x3;
	s0 =	sadd.s32 s0, s5  }
0xd: {  	s5 =	sadd.s32 $0x100, s2;
	s19 =	sadd.s32 $0x120000, s20;
	s22 =	sadd.s32 $0x150000, s20  }
0xe: {  	s23 =	sadd.s32 $0x180000, s20;
	s14 =	sadd.s32 $0x1B0000, s20;
	s24 =	sadd.s32 $0x1E0000, s20  }
0xf: {  	s25 =	sadd.s32 $0x210000, s20;
	s17 =	sadd.s32 $0x240000, s20;
	s26 =	sadd.s32 $0x270000, s20  }
0x10: {  	s28 =	sadd.s32 $0x2A0000, s20;
	s20 =	sadd.s32 $0x2D0000, s20;
	[dreg:$0x7] =	wrdreg s30  }
0x11: {  	[dreg:$0x4] =	wrdreg s0;
	s6 =	sadd.s32 s1, s6;
	s0 =	sshrl.u32 s19, $0x3  }
0x12: {  	s8 =	sshrl.u32 s23, $0x3;
	s16 =	sshrl.u32 s14, $0x3;
	s19 =	sshrl.u32 s17, $0x3  }
0x13: {  	s18 =	sadd.s32 $0x6000, s6;
	s21 =	sadd.s32 $0xC000, s6;
	s10 =	sadd.s32 $0x12000, s6  }
0x14: {  	s11 =	sadd.s32 $0x18000, s6;
	s12 =	sadd.s32 $0x1E000, s6;
	s13 =	sadd.s32 s1, s0  }
0x15: {  	s0 =	sshrl.u32 s22, $0x3;
	s15 =	sadd.s32 s1, s8;
	s16 =	sadd.s32 s1, s16  }
0x16: {  	s8 =	sshrl.u32 s25, $0x3;
	s19 =	sadd.s32 s1, s19;
	[dreg:$0x5] =	wrdreg s18  }
0x17: {  	s22 =	sshrl.u32 s20, $0x3;
	s25 =	simm.s32 $0x4;
	[dreg:$0x6] =	wrdreg s21  }
0x18: {  	s14 =	sadd.s32 s1, s0;
	s0 =	sshrl.u32 s24, $0x3;
	s18 =	sadd.s32 s1, s8  }
0x19: {  	v2 =	vlaneseq.u32;
	s8 =	sshrl.u32 s28, $0x3;
	s22 =	sadd.s32 s1, s22;
	s24 =	simm.s32 $0x80  }
0x1a: {  	vm0 =	vmmov $0xffff;
	v1 =	vshrl.u32 v2, $0x3;
	s17 =	sadd.s32 s1, s0;
	s0 =	sshrl.u32 s26, $0x3;
	s21 =	sadd.s32 s1, s8  }
0x1b: {  	v0 =	vand.u32 $0x7, v2;
	v2 =	vor.u32 $0x8, v2;
	v1 =	vmul.u32 $0x8, v1;
	s20 =	sadd.s32 s1, s0;
	s0 =	simm.s32 $0x3;
	s1 =	simm.s32 $0x2  }
.LBB2_1:
0x1c: {  	s8 =	rddreg [dreg:$0x4];
	s9 =	simm.s32 $0x200;
	s26 =	simm.s32 $0x5  }
0x1d: {  	[tilespmem:s3], [sflag:$0x5] =	stream.strided.gather [hbm4b:s8+s24], $0x400, s9, s24, $0x38;
	[tilespmem:$0x18400] =	vst v63  }
0x1e: {  	_ =	swait.ge [sflag:s26], $0x400  }
0x1f: {  	[sflag:s26] =	ssyncset.done $0x0  }
0x20: {  	[sflag:s26] =	ssyncadd.s32 $0xFFFFFC00  }
0x21: {  	v3 =	vld [tilespmem:$0x0];
	_ =	sdelay $0x4  }
0x22: {  	v4 =	vshrl.u32 v3, $0x3  }
0x23: {  	v4 =	vmul.u32 $0x30, v4  }
0x24: {  	v3 =	vand.u32 $0x7, v3  }
0x25: {  	v3 =	vor.u32 v3, v4  }
0x26: {  	v4 =	vperm.xlane v3, v0;
	_ =	sdelay $0x1  }
0x27: {  	v4 =	vadd.s32 v1, v4;
	_ =	sdelay $0x3  }
0x28: {  	s9 =	simm.s32 $0x400;
	v3 =	vperm.xlane v3, v2  }
0x29: {  	[tilespmem:s9], [sflag:$0x1] =	stream.indirect_vreg.gather [hbm4b:s2+s3], $0x80, v4, vm0, $0xb8;
	[tilespmem:$0x18400] =	vst v63  }
0x2a: {  	v3 =	vadd.s32 v1, v3  }
0x2b: {  	[tilespmem:s29], [sflag:$0x1] =	stream.indirect_vreg.gather [hbm4b:s5+s3], $0x80, v4, vm0, $0xb8;
	[tilespmem:$0x18400] =	vst v63  }
0x2c: {  	s23 =	simm.s32 $0x1400  }
0x2d: {  	[tilespmem:s23], [sflag:$0x1] =	stream.indirect_vreg.gather [hbm4b:s7+s3], $0x80, v4, vm0, $0xb8;
	[tilespmem:$0x18400] =	vst v63  }
0x2e: {  	s26 =	simm.s32 $0x1C00  }
0x2f: {  	[tilespmem:s26], [sflag:$0x1] =	stream.indirect_vreg.gather [hbm4b:s2+s3], $0x80, v3, vm0, $0xb8;
	[tilespmem:$0x18400] =	vst v63  }
0x30: {  	s9 =	simm.s32 $0x2400  }
0x31: {  	[tilespmem:s9], [sflag:$0x1] =	stream.indirect_vreg.gather [hbm4b:s5+s3], $0x80, v3, vm0, $0xb8;
	[tilespmem:$0x18400] =	vst v63  }
0x32: {  	s23 =	simm.s32 $0x2C00  }
0x33: {  	[tilespmem:s23], [sflag:$0x1] =	stream.indirect_vreg.gather [hbm4b:s7+s3], $0x80, v3, vm0, $0xb8;
	[tilespmem:$0x18400] =	vst v63  }
0x34: {  	v3 =	vld [tilespmem:$0x10];
	_ =	sdelay $0x4  }
0x35: {  	v57 =	vshrl.u32 v3, $0x3  }
0x36: {  	v4 =	vmul.u32 $0x30, v57  }
0x37: {  	v3 =	vand.u32 $0x7, v3  }
0x38: {  	v3 =	vor.u32 v3, v4  }
0x39: {  	v4 =	vperm.xlane v3, v0;
	_ =	sdelay $0x1  }
0x3a: {  	v4 =	vadd.s32 v1, v4;
	_ =	sdelay $0x3  }
0x3b: {  	s26 =	simm.s32 $0x3400;
	v3 =	vperm.xlane v3, v2  }
0x3c: {  	[tilespmem:s26], [sflag:$0x1] =	stream.indirect_vreg.gather [hbm4b:s2+s3], $0x80, v4, vm0, $0xb8;
	[tilespmem:$0x18400] =	vst v63  }
0x3d: {  	s9 =	simm.s32 $0x3C00;
	v3 =	vadd.s32 v1, v3  }
0x3e: {  	[tilespmem:s9], [sflag:$0x1] =	stream.indirect_vreg.gather [hbm4b:s5+s3], $0x80, v4, vm0, $0xb8;
	[tilespmem:$0x18400] =	vst v63  }
0x3f: {  	s23 =	simm.s32 $0x4400  }
0x40: {  	[tilespmem:s23], [sflag:$0x1] =	stream.indirect_vreg.gather [hbm4b:s7+s3], $0x80, v4, vm0, $0xb8;
	[tilespmem:$0x18400] =	vst v63  }
0x41: {  	s26 =	simm.s32 $0x4C00  }
0x42: {  	[tilespmem:s26], [sflag:$0x1] =	stream.indirect_vreg.gather [hbm4b:s2+s3], $0x80, v3, vm0, $0xb8;
	[tilespmem:$0x18400] =	vst v63  }
0x43: {  	s9 =	simm.s32 $0x5400  }
0x44: {  	[tilespmem:s9], [sflag:$0x1] =	stream.indirect_vreg.gather [hbm4b:s5+s3], $0x80, v3, vm0, $0xb8;
	[tilespmem:$0x18400] =	vst v63  }
0x45: {  	s23 =	simm.s32 $0x5C00  }
0x46: {  	[tilespmem:s23], [sflag:$0x1] =	stream.indirect_vreg.gather [hbm4b:s7+s3], $0x80, v3, vm0, $0xb8;
	[tilespmem:$0x18400] =	vst v63  }
0x47: {  	v3 =	vld [tilespmem:$0x20];
	_ =	sdelay $0x4  }
0x48: {  	v58 =	vshrl.u32 v3, $0x3  }
0x49: {  	v4 =	vmul.u32 $0x30, v58  }
0x4a: {  	v3 =	vand.u32 $0x7, v3  }
0x4b: {  	v3 =	vor.u32 v3, v4  }
0x4c: {  	v4 =	vperm.xlane v3, v0;
	_ =	sdelay $0x1  }
0x4d: {  	v4 =	vadd.s32 v1, v4;
	_ =	sdelay $0x3  }
0x4e: {  	s26 =	simm.s32 $0x6400;
	v3 =	vperm.xlane v3, v2  }
0x4f: {  	[tilespmem:s26], [sflag:$0x1] =	stream.indirect_vreg.gather [hbm4b:s2+s3], $0x80, v4, vm0, $0xb8;
	[tilespmem:$0x18400] =	vst v63  }
0x50: {  	s9 =	simm.s32 $0x6C00;
	v3 =	vadd.s32 v1, v3  }
0x51: {  	[tilespmem:s9], [sflag:$0x1] =	stream.indirect_vreg.gather [hbm4b:s5+s3], $0x80, v4, vm0, $0xb8;
	[tilespmem:$0x18400] =	vst v63  }
0x52: {  	s23 =	simm.s32 $0x7400  }
0x53: {  	[tilespmem:s23], [sflag:$0x1] =	stream.indirect_vreg.gather [hbm4b:s7+s3], $0x80, v4, vm0, $0xb8;
	[tilespmem:$0x18400] =	vst v63  }
0x54: {  	s26 =	simm.s32 $0x7C00  }
0x55: {  	[tilespmem:s26], [sflag:$0x1] =	stream.indirect_vreg.gather [hbm4b:s2+s3], $0x80, v3, vm0, $0xb8;
	[tilespmem:$0x18400] =	vst v63  }
0x56: {  	s9 =	simm.s32 $0x8400  }
0x57: {  	[tilespmem:s9], [sflag:$0x1] =	stream.indirect_vreg.gather [hbm4b:s5+s3], $0x80, v3, vm0, $0xb8;
	[tilespmem:$0x18400] =	vst v63  }
0x58: {  	s23 =	simm.s32 $0x8C00  }
0x59: {  	[tilespmem:s23], [sflag:$0x1] =	stream.indirect_vreg.gather [hbm4b:s7+s3], $0x80, v3, vm0, $0xb8;
	[tilespmem:$0x18400] =	vst v63  }
0x5a: {  	v3 =	vld [tilespmem:$0x30];
	_ =	sdelay $0x4  }
0x5b: {  	v59 =	vshrl.u32 v3, $0x3  }
0x5c: {  	v4 =	vmul.u32 $0x30, v59  }
0x5d: {  	v3 =	vand.u32 $0x7, v3  }
0x5e: {  	v3 =	vor.u32 v3, v4  }
0x5f: {  	v4 =	vperm.xlane v3, v0;
	_ =	sdelay $0x1  }
0x60: {  	v4 =	vadd.s32 v1, v4;
	_ =	sdelay $0x3  }
0x61: {  	s26 =	simm.s32 $0x9400;
	v3 =	vperm.xlane v3, v2  }
0x62: {  	[tilespmem:s26], [sflag:$0x1] =	stream.indirect_vreg.gather [hbm4b:s2+s3], $0x80, v4, vm0, $0xb8;
	[tilespmem:$0x18400] =	vst v63  }
0x63: {  	s9 =	simm.s32 $0x9C00;
	v3 =	vadd.s32 v1, v3  }
0x64: {  	[tilespmem:s9], [sflag:$0x1] =	stream.indirect_vreg.gather [hbm4b:s5+s3], $0x80, v4, vm0, $0xb8;
	[tilespmem:$0x18400] =	vst v63  }
0x65: {  	s23 =	simm.s32 $0xA400  }
0x66: {  	[tilespmem:s23], [sflag:$0x1] =	stream.indirect_vreg.gather [hbm4b:s7+s3], $0x80, v4, vm0, $0xb8;
	[tilespmem:$0x18400] =	vst v63  }
0x67: {  	s26 =	simm.s32 $0xAC00  }
0x68: {  	[tilespmem:s26], [sflag:$0x1] =	stream.indirect_vreg.gather [hbm4b:s2+s3], $0x80, v3, vm0, $0xb8;
	[tilespmem:$0x18400] =	vst v63  }
0x69: {  	s9 =	simm.s32 $0xB400  }
0x6a: {  	[tilespmem:s9], [sflag:$0x1] =	stream.indirect_vreg.gather [hbm4b:s5+s3], $0x80, v3, vm0, $0xb8;
	[tilespmem:$0x18400] =	vst v63  }
0x6b: {  	s23 =	simm.s32 $0xBC00  }
0x6c: {  	[tilespmem:s23], [sflag:$0x1] =	stream.indirect_vreg.gather [hbm4b:s7+s3], $0x80, v3, vm0, $0xb8;
	[tilespmem:$0x18400] =	vst v63  }
0x6d: {  	v3 =	vld [tilespmem:$0x40];
	_ =	sdelay $0x4  }
0x6e: {  	v60 =	vshrl.u32 v3, $0x3  }
0x6f: {  	v4 =	vmul.u32 $0x30, v60  }
0x70: {  	v3 =	vand.u32 $0x7, v3  }
0x71: {  	v3 =	vor.u32 v3, v4  }
0x72: {  	v4 =	vperm.xlane v3, v0;
	_ =	sdelay $0x1  }
0x73: {  	v4 =	vadd.s32 v1, v4;
	_ =	sdelay $0x3  }
0x74: {  	s26 =	simm.s32 $0xC400;
	v3 =	vperm.xlane v3, v2  }
0x75: {  	[tilespmem:s26], [sflag:$0x2] =	stream.indirect_vreg.gather [hbm4b:s2+s3], $0x80, v4, vm0, $0xb8;
	[tilespmem:$0x18400] =	vst v63  }
0x76: {  	s9 =	simm.s32 $0xCC00;
	v3 =	vadd.s32 v1, v3  }
0x77: {  	[tilespmem:s9], [sflag:$0x2] =	stream.indirect_vreg.gather [hbm4b:s5+s3], $0x80, v4, vm0, $0xb8;
	[tilespmem:$0x18400] =	vst v63  }
0x78: {  	s23 =	simm.s32 $0xD400  }
0x79: {  	[tilespmem:s23], [sflag:$0x2] =	stream.indirect_vreg.gather [hbm4b:s7+s3], $0x80, v4, vm0, $0xb8;
	[tilespmem:$0x18400] =	vst v63  }
0x7a: {  	s26 =	simm.s32 $0xDC00  }
0x7b: {  	[tilespmem:s26], [sflag:$0x2] =	stream.indirect_vreg.gather [hbm4b:s2+s3], $0x80, v3, vm0, $0xb8;
	[tilespmem:$0x18400] =	vst v63  }
0x7c: {  	s9 =	simm.s32 $0xE400  }
0x7d: {  	[tilespmem:s9], [sflag:$0x2] =	stream.indirect_vreg.gather [hbm4b:s5+s3], $0x80, v3, vm0, $0xb8;
	[tilespmem:$0x18400] =	vst v63  }
0x7e: {  	s23 =	simm.s32 $0xEC00  }
0x7f: {  	[tilespmem:s23], [sflag:$0x2] =	stream.indirect_vreg.gather [hbm4b:s7+s3], $0x80, v3, vm0, $0xb8;
	[tilespmem:$0x18400] =	vst v63  }
0x80: {  	v3 =	vld [tilespmem:$0x50];
	_ =	sdelay $0x4  }
0x81: {  	v61 =	vshrl.u32 v3, $0x3  }
0x82: {  	v4 =	vmul.u32 $0x30, v61  }
0x83: {  	v3 =	vand.u32 $0x7, v3  }
0x84: {  	v3 =	vor.u32 v3, v4  }
0x85: {  	v4 =	vperm.xlane v3, v0;
	_ =	sdelay $0x1  }
0x86: {  	v4 =	vadd.s32 v1, v4;
	_ =	sdelay $0x3  }
0x87: {  	s26 =	simm.s32 $0xF400;
	v3 =	vperm.xlane v3, v2  }
0x88: {  	[tilespmem:s26], [sflag:$0x2] =	stream.indirect_vreg.gather [hbm4b:s2+s3], $0x80, v4, vm0, $0xb8;
	[tilespmem:$0x18400] =	vst v63  }
0x89: {  	s9 =	simm.s32 $0xFC00;
	v3 =	vadd.s32 v1, v3  }
0x8a: {  	[tilespmem:s9], [sflag:$0x2] =	stream.indirect_vreg.gather [hbm4b:s5+s3], $0x80, v4, vm0, $0xb8;
	[tilespmem:$0x18400] =	vst v63  }
0x8b: {  	s23 =	simm.s32 $0x10400  }
0x8c: {  	[tilespmem:s23], [sflag:$0x2] =	stream.indirect_vreg.gather [hbm4b:s7+s3], $0x80, v4, vm0, $0xb8;
	[tilespmem:$0x18400] =	vst v63  }
0x8d: {  	s26 =	simm.s32 $0x10C00  }
0x8e: {  	[tilespmem:s26], [sflag:$0x2] =	stream.indirect_vreg.gather [hbm4b:s2+s3], $0x80, v3, vm0, $0xb8;
	[tilespmem:$0x18400] =	vst v63  }
0x8f: {  	s9 =	simm.s32 $0x11400  }
0x90: {  	[tilespmem:s9], [sflag:$0x2] =	stream.indirect_vreg.gather [hbm4b:s5+s3], $0x80, v3, vm0, $0xb8;
	[tilespmem:$0x18400] =	vst v63  }
0x91: {  	s23 =	simm.s32 $0x11C00  }
0x92: {  	[tilespmem:s23], [sflag:$0x2] =	stream.indirect_vreg.gather [hbm4b:s7+s3], $0x80, v3, vm0, $0xb8;
	[tilespmem:$0x18400] =	vst v63  }
0x93: {  	v3 =	vld [tilespmem:$0x60];
	_ =	sdelay $0x4  }
0x94: {  	v62 =	vshrl.u32 v3, $0x3  }
0x95: {  	v4 =	vmul.u32 $0x30, v62  }
0x96: {  	v3 =	vand.u32 $0x7, v3  }
0x97: {  	v3 =	vor.u32 v3, v4  }
0x98: {  	v4 =	vperm.xlane v3, v0;
	_ =	sdelay $0x1  }
0x99: {  	v4 =	vadd.s32 v1, v4;
	_ =	sdelay $0x3  }
0x9a: {  	s26 =	simm.s32 $0x12400;
	v3 =	vperm.xlane v3, v2  }
0x9b: {  	[tilespmem:s26], [sflag:$0x2] =	stream.indirect_vreg.gather [hbm4b:s2+s3], $0x80, v4, vm0, $0xb8;
	[tilespmem:$0x18400] =	vst v63  }
0x9c: {  	s9 =	simm.s32 $0x12C00;
	v3 =	vadd.s32 v1, v3  }
0x9d: {  	[tilespmem:s9], [sflag:$0x2] =	stream.indirect_vreg.gather [hbm4b:s5+s3], $0x80, v4, vm0, $0xb8;
	[tilespmem:$0x18400] =	vst v63  }
0x9e: {  	s23 =	simm.s32 $0x13400  }
0x9f: {  	[tilespmem:s23], [sflag:$0x2] =	stream.indirect_vreg.gather [hbm4b:s7+s3], $0x80, v4, vm0, $0xb8;
	[tilespmem:$0x18400] =	vst v63  }
0xa0: {  	s26 =	simm.s32 $0x13C00  }
0xa1: {  	[tilespmem:s26], [sflag:$0x2] =	stream.indirect_vreg.gather [hbm4b:s2+s3], $0x80, v3, vm0, $0xb8;
	[tilespmem:$0x18400] =	vst v63  }
0xa2: {  	s9 =	simm.s32 $0x14400  }
0xa3: {  	[tilespmem:s9], [sflag:$0x2] =	stream.indirect_vreg.gather [hbm4b:s5+s3], $0x80, v3, vm0, $0xb8;
	[tilespmem:$0x18400] =	vst v63  }
0xa4: {  	s23 =	simm.s32 $0x14C00  }
0xa5: {  	[tilespmem:s23], [sflag:$0x2] =	stream.indirect_vreg.gather [hbm4b:s7+s3], $0x80, v3, vm0, $0xb8;
	[tilespmem:$0x18400] =	vst v63  }
0xa6: {  	v3 =	vld [tilespmem:$0x70];
	_ =	sdelay $0x4  }
0xa7: {  	v63 =	vshrl.u32 v3, $0x3  }
0xa8: {  	v4 =	vmul.u32 $0x30, v63  }
0xa9: {  	v3 =	vand.u32 $0x7, v3  }
0xaa: {  	v3 =	vor.u32 v3, v4  }
0xab: {  	v4 =	vperm.xlane v3, v0;
	_ =	sdelay $0x1  }
0xac: {  	v4 =	vadd.s32 v1, v4;
	_ =	sdelay $0x3  }
0xad: {  	s26 =	simm.s32 $0x15400;
	v3 =	vperm.xlane v3, v2  }
0xae: {  	[tilespmem:s26], [sflag:$0x2] =	stream.indirect_vreg.gather [hbm4b:s2+s3], $0x80, v4, vm0, $0xb8;
	[tilespmem:$0x18400] =	vst v63  }
0xaf: {  	s9 =	simm.s32 $0x15C00;
	v3 =	vadd.s32 v1, v3  }
0xb0: {  	[tilespmem:s9], [sflag:$0x2] =	stream.indirect_vreg.gather [hbm4b:s5+s3], $0x80, v4, vm0, $0xb8;
	[tilespmem:$0x18400] =	vst v63  }
0xb1: {  	s23 =	simm.s32 $0x16400  }
0xb2: {  	[tilespmem:s23], [sflag:$0x2] =	stream.indirect_vreg.gather [hbm4b:s7+s3], $0x80, v4, vm0, $0xb8;
	[tilespmem:$0x18400] =	vst v63  }
0xb3: {  	s26 =	simm.s32 $0x16C00  }
0xb4: {  	[tilespmem:s26], [sflag:$0x2] =	stream.indirect_vreg.gather [hbm4b:s2+s3], $0x80, v3, vm0, $0xb8;
	[tilespmem:$0x18400] =	vst v63  }
0xb5: {  	s9 =	simm.s32 $0x17400  }
0xb6: {  	[tilespmem:s9], [sflag:$0x2] =	stream.indirect_vreg.gather [hbm4b:s5+s3], $0x80, v3, vm0, $0xb8;
	[tilespmem:$0x18400] =	vst v63  }
0xb7: {  	s23 =	simm.s32 $0x17C00  }
0xb8: {  	[tilespmem:s23], [sflag:$0x2] =	stream.indirect_vreg.gather [hbm4b:s7+s3], $0x80, v3, vm0, $0xb8;
	[tilespmem:$0x18400] =	vst v63  }
0xb9: {  	_ =	swait.ge [sflag:s31], $0xC000  }
0xba: {  	[sflag:s31] =	ssyncset.done $0x0  }
0xbb: {  	s26 =	simm.s32 $0x400;
	[sflag:s31] =	ssyncadd.s32 $0xFFFF4000  }
0xbc: {  	[hbm4b:s6+s24] =	stream.strided.scatter [tilespmem:s26], [sflag:$0x3], $0x400, s29, s24, $0x38;
	[tilespmem:$0x18400] =	vst v63  }
0xbd: {  	s9 =	simm.s32 $0x800;
	s23 =	sadd.s32 $0x40, s6  }
0xbe: {  	[hbm4b:s23+s24] =	stream.strided.scatter [tilespmem:s9], [sflag:$0x3], $0x400, s29, s24, $0x38;
	[tilespmem:$0x18400] =	vst v63  }
0xbf: {  	s26 =	simm.s32 $0xC00;
	s9 =	sadd.s32 $0x80, s6  }
0xc0: {  	[hbm4b:s9+s24] =	stream.strided.scatter [tilespmem:s26], [sflag:$0x3], $0x400, s29, s24, $0x38;
	[tilespmem:$0x18400] =	vst v63  }
0xc1: {  	s28 =	simm.s32 $0xC000;
	s26 =	simm.s32 $0x1000;
	s9 =	sadd.s32 $0xC0, s6  }
0xc2: {  	[hbm4b:s9+s24] =	stream.strided.scatter [tilespmem:s26], [sflag:$0x3], $0x400, s29, s24, $0x38;
	[tilespmem:$0x18400] =	vst v63  }
0xc3: {  	s30 =	simm.s32 $0x1800;
	s23 =	simm.s32 $0x1400;
	s26 =	sadd.s32 $0x100, s6  }
0xc4: {  	[hbm4b:s26+s24] =	stream.strided.scatter [tilespmem:s23], [sflag:$0x3], $0x400, s29, s24, $0x38;
	[tilespmem:$0x18400] =	vst v63  }
0xc5: {  	s8 =	sadd.s32 $0x140, s6;
	s23 =	simm.s32 $0x1800;
	s26 =	sadd.s32 $0xC00, s6  }
.LBB2_2:
0xc6: {  	[hbm4b:s8+s24] =	stream.strided.scatter [tilespmem:s30], [sflag:$0x3], $0x400, s29, s24, $0x38;
	[tilespmem:$0x18400] =	vst v63  }
0xc7: {  	s8 =	smov.u32 s23;
	s23 =	smov.u32 s28  }
0xc8: {  	s9 =	sadd.s32 $0x6000, s28;
	s23 =	sshra.s32 s23, $0x2;
	s30 =	sadd.s32 $0x400, s8  }
0xc9: {  	[hbm4b:s26+s24] =	stream.strided.scatter [tilespmem:s30], [sflag:$0x3], $0x400, s29, s24, $0x38;
	[tilespmem:$0x18400] =	vst v63  }
0xca: {  	p0 =	sne.s32 s28, $0x2A000;
	s28 =	sadd.s32 $0x800, s8;
	s30 =	sadd.s32 $0x40, s26  }
0xcb: {  	[hbm4b:s30+s24] =	stream.strided.scatter [tilespmem:s28], [sflag:$0x3], $0x400, s29, s24, $0x38;
	[tilespmem:$0x18400] =	vst v63  }
0xcc: {  	s28 =	sadd.s32 $0xC00, s8;
	s30 =	sadd.s32 $0x80, s26  }
0xcd: {  	[hbm4b:s30+s24] =	stream.strided.scatter [tilespmem:s28], [sflag:$0x3], $0x400, s29, s24, $0x38;
	[tilespmem:$0x18400] =	vst v63  }
0xce: {  	s28 =	sadd.s32 $0x1000, s8;
	s30 =	sadd.s32 $0xC0, s26  }
0xcf: {  	[hbm4b:s30+s24] =	stream.strided.scatter [tilespmem:s28], [sflag:$0x3], $0x400, s29, s24, $0x38;
	[tilespmem:$0x18400] =	vst v63  }
.Ltmp0:
0xd0: {  	_ = 	snop;
	(pc) =	sbr.rel @p0 .LBB2_2-.Ltmp0, $4  }
0xd1: {  	s28 =	sadd.s32 $0x1400, s8;
	s30 =	sadd.s32 $0x100, s26  }
0xd2: {  	[hbm4b:s30+s24] =	stream.strided.scatter [tilespmem:s28], [sflag:$0x3], $0x400, s29, s24, $0x38;
	[tilespmem:$0x18400] =	vst v63  }
0xd3: {  	s30 =	sadd.s32 $0x1800, s8  }
0xd4: {  	s8 =	sadd.s32 $0x140, s26;
	s26 =	sadd.s32 $0xC00, s26;
	s28 =	smov.u32 s9  }
0xd5: {  	[hbm4b:s8+s24] =	stream.strided.scatter [tilespmem:s30], [sflag:$0x3], $0x400, s29, s24, $0x38;
	[tilespmem:$0x18400] =	vst v63  }
0xd6: {  	s9 =	sadd.s32 $0x400, s23  }
0xd7: {  	[hbm4b:s26+s24] =	stream.strided.scatter [tilespmem:s9], [sflag:$0x3], $0x400, s29, s24, $0x38;
	[tilespmem:$0x18400] =	vst v63  }
0xd8: {  	s8 =	sadd.s32 $0x800, s23;
	s9 =	sadd.s32 $0x40, s26  }
0xd9: {  	[hbm4b:s9+s24] =	stream.strided.scatter [tilespmem:s8], [sflag:$0x3], $0x400, s29, s24, $0x38;
	[tilespmem:$0x18400] =	vst v63  }
0xda: {  	s8 =	sadd.s32 $0xC00, s23;
	s9 =	sadd.s32 $0x80, s26  }
0xdb: {  	[hbm4b:s9+s24] =	stream.strided.scatter [tilespmem:s8], [sflag:$0x3], $0x400, s29, s24, $0x38;
	[tilespmem:$0x18400] =	vst v63  }
0xdc: {  	s8 =	sadd.s32 $0x1000, s23;
	s9 =	sadd.s32 $0xC0, s26  }
0xdd: {  	[hbm4b:s9+s24] =	stream.strided.scatter [tilespmem:s8], [sflag:$0x3], $0x400, s29, s24, $0x38;
	[tilespmem:$0x18400] =	vst v63  }
0xde: {  	s8 =	sadd.s32 $0x1400, s23;
	s9 =	sadd.s32 $0x100, s26  }
0xdf: {  	[hbm4b:s9+s24] =	stream.strided.scatter [tilespmem:s8], [sflag:$0x3], $0x400, s29, s24, $0x38;
	[tilespmem:$0x18400] =	vst v63  }
0xe0: {  	s9 =	sadd.s32 $0x1800, s23;
	s23 =	sadd.s32 $0x140, s26  }
0xe1: {  	[hbm4b:s23+s24] =	stream.strided.scatter [tilespmem:s9], [sflag:$0x3], $0x400, s29, s24, $0x38;
	[tilespmem:$0x18400] =	vst v63  }
0xe2: {  	_ =	swait.ge [sflag:s0], $0xC000  }
0xe3: {  	[sflag:s0] =	ssyncset.done $0x0  }
0xe4: {  	[sflag:s0] =	ssyncadd.s32 $0xFFFF4000  }
0xe5: {  	v3 =	vld [tilespmem:$0x80];
	_ =	sdelay $0x4  }
0xe6: {  	v4 =	vshrl.u32 v3, $0x3  }
0xe7: {  	v4 =	vmul.u32 $0x30, v4  }
0xe8: {  	v3 =	vand.u32 $0x7, v3  }
0xe9: {  	v3 =	vor.u32 v3, v4  }
0xea: {  	v4 =	vperm.xlane v3, v0;
	_ =	sdelay $0x1  }
0xeb: {  	v4 =	vadd.s32 v1, v4;
	_ =	sdelay $0x3  }
0xec: {  	s8 =	simm.s32 $0x0;
	s26 =	simm.s32 $0x400;
	v3 =	vperm.xlane v3, v2  }
0xed: {  	[tilespmem:s26], [sflag:$0x1] =	stream.indirect_vreg.gather [hbm4b:s2+s8], $0x80, v4, vm0, $0xb8;
	[tilespmem:$0x18400] =	vst v63  }
0xee: {  	v3 =	vadd.s32 v1, v3  }
0xef: {  	[tilespmem:s29], [sflag:$0x1] =	stream.indirect_vreg.gather [hbm4b:s5+s8], $0x80, v4, vm0, $0xb8;
	[tilespmem:$0x18400] =	vst v63  }
0xf0: {  	s23 =	simm.s32 $0x1400  }
0xf1: {  	[tilespmem:s23], [sflag:$0x1] =	stream.indirect_vreg.gather [hbm4b:s7+s8], $0x80, v4, vm0, $0xb8;
	[tilespmem:$0x18400] =	vst v63  }
0xf2: {  	s26 =	simm.s32 $0x1C00  }
0xf3: {  	[tilespmem:s26], [sflag:$0x1] =	stream.indirect_vreg.gather [hbm4b:s2+s8], $0x80, v3, vm0, $0xb8;
	[tilespmem:$0x18400] =	vst v63  }
0xf4: {  	s23 =	simm.s32 $0x2400  }
0xf5: {  	[tilespmem:s23], [sflag:$0x1] =	stream.indirect_vreg.gather [hbm4b:s5+s8], $0x80, v3, vm0, $0xb8;
	[tilespmem:$0x18400] =	vst v63  }
0xf6: {  	s26 =	simm.s32 $0x2C00  }
0xf7: {  	[tilespmem:s26], [sflag:$0x1] =	stream.indirect_vreg.gather [hbm4b:s7+s8], $0x80, v3, vm0, $0xb8;
	[tilespmem:$0x18400] =	vst v63  }
0xf8: {  	v3 =	vld [tilespmem:$0x90];
	_ =	sdelay $0x4  }
0xf9: {  	v61 =	vshrl.u32 v3, $0x3  }
0xfa: {  	v4 =	vmul.u32 $0x30, v61  }
0xfb: {  	v3 =	vand.u32 $0x7, v3  }
0xfc: {  	v3 =	vor.u32 v3, v4  }
0xfd: {  	v4 =	vperm.xlane v3, v0;
	_ =	sdelay $0x1  }
0xfe: {  	v4 =	vadd.s32 v1, v4;
	_ =	sdelay $0x3  }
0xff: {  	s23 =	simm.s32 $0x3400;
	v3 =	vperm.xlane v3, v2  }
0x100: {  	[tilespmem:s23], [sflag:$0x1] =	stream.indirect_vreg.gather [hbm4b:s2+s8], $0x80, v4, vm0, $0xb8;
	[tilespmem:$0x18400] =	vst v63  }
0x101: {  	s26 =	simm.s32 $0x3C00;
	v3 =	vadd.s32 v1, v3  }
0x102: {  	[tilespmem:s26], [sflag:$0x1] =	stream.indirect_vreg.gather [hbm4b:s5+s8], $0x80, v4, vm0, $0xb8;
	[tilespmem:$0x18400] =	vst v63  }
0x103: {  	s23 =	simm.s32 $0x4400  }
0x104: {  	[tilespmem:s23], [sflag:$0x1] =	stream.indirect_vreg.gather [hbm4b:s7+s8], $0x80, v4, vm0, $0xb8;
	[tilespmem:$0x18400] =	vst v63  }
0x105: {  	s26 =	simm.s32 $0x4C00  }
0x106: {  	[tilespmem:s26], [sflag:$0x1] =	stream.indirect_vreg.gather [hbm4b:s2+s8], $0x80, v3, vm0, $0xb8;
	[tilespmem:$0x18400] =	vst v63  }
0x107: {  	s23 =	simm.s32 $0x5400  }
0x108: {  	[tilespmem:s23], [sflag:$0x1] =	stream.indirect_vreg.gather [hbm4b:s5+s8], $0x80, v3, vm0, $0xb8;
	[tilespmem:$0x18400] =	vst v63  }
0x109: {  	s26 =	simm.s32 $0x5C00  }
0x10a: {  	[tilespmem:s26], [sflag:$0x1] =	stream.indirect_vreg.gather [hbm4b:s7+s8], $0x80, v3, vm0, $0xb8;
	[tilespmem:$0x18400] =	vst v63  }
0x10b: {  	v3 =	vld [tilespmem:$0xA0];
	_ =	sdelay $0x4  }
0x10c: {  	v62 =	vshrl.u32 v3, $0x3  }
0x10d: {  	v4 =	vmul.u32 $0x30, v62  }
0x10e: {  	v3 =	vand.u32 $0x7, v3  }
0x10f: {  	v3 =	vor.u32 v3, v4  }
0x110: {  	v4 =	vperm.xlane v3, v0;
	_ =	sdelay $0x1  }
0x111: {  	v4 =	vadd.s32 v1, v4;
	_ =	sdelay $0x3  }
0x112: {  	s23 =	simm.s32 $0x6400;
	v3 =	vperm.xlane v3, v2  }
0x113: {  	[tilespmem:s23], [sflag:$0x1] =	stream.indirect_vreg.gather [hbm4b:s2+s8], $0x80, v4, vm0, $0xb8;
	[tilespmem:$0x18400] =	vst v63  }
0x114: {  	s26 =	simm.s32 $0x6C00;
	v3 =	vadd.s32 v1, v3  }
0x115: {  	[tilespmem:s26], [sflag:$0x1] =	stream.indirect_vreg.gather [hbm4b:s5+s8], $0x80, v4, vm0, $0xb8;
	[tilespmem:$0x18400] =	vst v63  }
0x116: {  	s23 =	simm.s32 $0x7400  }
0x117: {  	[tilespmem:s23], [sflag:$0x1] =	stream.indirect_vreg.gather [hbm4b:s7+s8], $0x80, v4, vm0, $0xb8;
	[tilespmem:$0x18400] =	vst v63  }
0x118: {  	s26 =	simm.s32 $0x7C00  }
0x119: {  	[tilespmem:s26], [sflag:$0x1] =	stream.indirect_vreg.gather [hbm4b:s2+s8], $0x80, v3, vm0, $0xb8;
	[tilespmem:$0x18400] =	vst v63  }
0x11a: {  	s23 =	simm.s32 $0x8400  }
0x11b: {  	[tilespmem:s23], [sflag:$0x1] =	stream.indirect_vreg.gather [hbm4b:s5+s8], $0x80, v3, vm0, $0xb8;
	[tilespmem:$0x18400] =	vst v63  }
0x11c: {  	s26 =	simm.s32 $0x8C00  }
0x11d: {  	[tilespmem:s26], [sflag:$0x1] =	stream.indirect_vreg.gather [hbm4b:s7+s8], $0x80, v3, vm0, $0xb8;
	[tilespmem:$0x18400] =	vst v63  }
0x11e: {  	v3 =	vld [tilespmem:$0xB0];
	_ =	sdelay $0x4  }
0x11f: {  	v63 =	vshrl.u32 v3, $0x3  }
0x120: {  	v4 =	vmul.u32 $0x30, v63  }
0x121: {  	v3 =	vand.u32 $0x7, v3  }
0x122: {  	v3 =	vor.u32 v3, v4  }
0x123: {  	v4 =	vperm.xlane v3, v0;
	_ =	sdelay $0x1  }
0x124: {  	v4 =	vadd.s32 v1, v4;
	_ =	sdelay $0x3  }
0x125: {  	s23 =	simm.s32 $0x9400;
	v3 =	vperm.xlane v3, v2  }
0x126: {  	[tilespmem:s23], [sflag:$0x1] =	stream.indirect_vreg.gather [hbm4b:s2+s8], $0x80, v4, vm0, $0xb8;
	[tilespmem:$0x18400] =	vst v63  }
0x127: {  	s26 =	simm.s32 $0x9C00;
	v3 =	vadd.s32 v1, v3  }
0x128: {  	[tilespmem:s26], [sflag:$0x1] =	stream.indirect_vreg.gather [hbm4b:s5+s8], $0x80, v4, vm0, $0xb8;
	[tilespmem:$0x18400] =	vst v63  }
0x129: {  	s23 =	simm.s32 $0xA400  }
0x12a: {  	[tilespmem:s23], [sflag:$0x1] =	stream.indirect_vreg.gather [hbm4b:s7+s8], $0x80, v4, vm0, $0xb8;
	[tilespmem:$0x18400] =	vst v63  }
0x12b: {  	s26 =	simm.s32 $0xAC00  }
0x12c: {  	[tilespmem:s26], [sflag:$0x1] =	stream.indirect_vreg.gather [hbm4b:s2+s8], $0x80, v3, vm0, $0xb8;
	[tilespmem:$0x18400] =	vst v63  }
0x12d: {  	s23 =	simm.s32 $0xB400  }
0x12e: {  	[tilespmem:s23], [sflag:$0x1] =	stream.indirect_vreg.gather [hbm4b:s5+s8], $0x80, v3, vm0, $0xb8;
	[tilespmem:$0x18400] =	vst v63  }
0x12f: {  	s26 =	simm.s32 $0xBC00  }
0x130: {  	[tilespmem:s26], [sflag:$0x1] =	stream.indirect_vreg.gather [hbm4b:s7+s8], $0x80, v3, vm0, $0xb8;
	[tilespmem:$0x18400] =	vst v63  }
0x131: {  	_ =	swait.ge [sflag:s1], $0xC000  }
0x132: {  	[sflag:s1] =	ssyncset.done $0x0  }
0x133: {  	s23 =	simm.s32 $0xC400;
	s26 =	rddreg [dreg:$0x5];
	[sflag:s1] =	ssyncadd.s32 $0xFFFF4000  }
0x134: {  	[hbm4b:s26+s24] =	stream.strided.scatter [tilespmem:s23], [sflag:$0x4], $0x400, s29, s24, $0x38;
	[tilespmem:$0x18400] =	vst v63  }
0x135: {  	s9 =	simm.s32 $0xC800;
	s23 =	sadd.s32 $0x40, s26  }
0x136: {  	[hbm4b:s23+s24] =	stream.strided.scatter [tilespmem:s9], [sflag:$0x4], $0x400, s29, s24, $0x38;
	[tilespmem:$0x18400] =	vst v63  }
0x137: {  	s9 =	simm.s32 $0xCC00;
	s23 =	sadd.s32 $0x80, s26  }
0x138: {  	[hbm4b:s23+s24] =	stream.strided.scatter [tilespmem:s9], [sflag:$0x4], $0x400, s29, s24, $0x38;
	[tilespmem:$0x18400] =	vst v63  }
0x139: {  	s28 =	simm.s32 $0xC000;
	s9 =	simm.s32 $0xD000;
	s23 =	sadd.s32 $0xC0, s26  }
0x13a: {  	[hbm4b:s23+s24] =	stream.strided.scatter [tilespmem:s9], [sflag:$0x4], $0x400, s29, s24, $0x38;
	[tilespmem:$0x18400] =	vst v63  }
0x13b: {  	s30 =	simm.s32 $0xD800;
	s9 =	simm.s32 $0xD400;
	s23 =	sadd.s32 $0x100, s26  }
0x13c: {  	[hbm4b:s23+s24] =	stream.strided.scatter [tilespmem:s9], [sflag:$0x4], $0x400, s29, s24, $0x38;
	[tilespmem:$0x18400] =	vst v63  }
0x13d: {  	s8 =	sadd.s32 $0x140, s26;
	s26 =	sadd.s32 $0xC00, s26;
	s23 =	simm.s32 $0x1800  }
.LBB2_4:
0x13e: {  	[hbm4b:s8+s24] =	stream.strided.scatter [tilespmem:s30], [sflag:$0x4], $0x400, s29, s24, $0x38;
	[tilespmem:$0x18400] =	vst v63  }
0x13f: {  	s8 =	smov.u32 s23;
	s9 =	smov.u32 s28  }
0x140: {  	s23 =	sshra.s32 s9, $0x2;
	s9 =	sadd.s32 $0x6000, s28;
	s30 =	sadd.s32 $0xC400, s8  }
0x141: {  	[hbm4b:s26+s24] =	stream.strided.scatter [tilespmem:s30], [sflag:$0x4], $0x400, s29, s24, $0x38;
	[tilespmem:$0x18400] =	vst v63  }
0x142: {  	p0 =	sne.s32 s28, $0x2A000;
	s28 =	sadd.s32 $0xC800, s8;
	s30 =	sadd.s32 $0x40, s26  }
0x143: {  	[hbm4b:s30+s24] =	stream.strided.scatter [tilespmem:s28], [sflag:$0x4], $0x400, s29, s24, $0x38;
	[tilespmem:$0x18400] =	vst v63  }
0x144: {  	s28 =	sadd.s32 $0xCC00, s8;
	s30 =	sadd.s32 $0x80, s26  }
0x145: {  	[hbm4b:s30+s24] =	stream.strided.scatter [tilespmem:s28], [sflag:$0x4], $0x400, s29, s24, $0x38;
	[tilespmem:$0x18400] =	vst v63  }
0x146: {  	s28 =	sadd.s32 $0xD000, s8;
	s30 =	sadd.s32 $0xC0, s26  }
0x147: {  	[hbm4b:s30+s24] =	stream.strided.scatter [tilespmem:s28], [sflag:$0x4], $0x400, s29, s24, $0x38;
	[tilespmem:$0x18400] =	vst v63  }
.Ltmp1:
0x148: {  	_ = 	snop;
	(pc) =	sbr.rel @p0 .LBB2_4-.Ltmp1, $4  }
0x149: {  	s28 =	sadd.s32 $0xD400, s8;
	s30 =	sadd.s32 $0x100, s26  }
0x14a: {  	[hbm4b:s30+s24] =	stream.strided.scatter [tilespmem:s28], [sflag:$0x4], $0x400, s29, s24, $0x38;
	[tilespmem:$0x18400] =	vst v63  }
0x14b: {  	s30 =	sadd.s32 $0xD800, s8  }
0x14c: {  	s8 =	sadd.s32 $0x140, s26;
	s26 =	sadd.s32 $0xC00, s26;
	s28 =	smov.u32 s9  }
0x14d: {  	[hbm4b:s8+s24] =	stream.strided.scatter [tilespmem:s30], [sflag:$0x4], $0x400, s29, s24, $0x38;
	[tilespmem:$0x18400] =	vst v63  }
0x14e: {  	s9 =	sadd.s32 $0xC400, s23  }
0x14f: {  	[hbm4b:s26+s24] =	stream.strided.scatter [tilespmem:s9], [sflag:$0x4], $0x400, s29, s24, $0x38;
	[tilespmem:$0x18400] =	vst v63  }
0x150: {  	s8 =	sadd.s32 $0xC800, s23;
	s9 =	sadd.s32 $0x40, s26  }
0x151: {  	[hbm4b:s9+s24] =	stream.strided.scatter [tilespmem:s8], [sflag:$0x4], $0x400, s29, s24, $0x38;
	[tilespmem:$0x18400] =	vst v63  }
0x152: {  	s8 =	sadd.s32 $0xCC00, s23;
	s9 =	sadd.s32 $0x80, s26  }
0x153: {  	[hbm4b:s9+s24] =	stream.strided.scatter [tilespmem:s8], [sflag:$0x4], $0x400, s29, s24, $0x38;
	[tilespmem:$0x18400] =	vst v63  }
0x154: {  	s8 =	sadd.s32 $0xD000, s23;
	s9 =	sadd.s32 $0xC0, s26  }
0x155: {  	[hbm4b:s9+s24] =	stream.strided.scatter [tilespmem:s8], [sflag:$0x4], $0x400, s29, s24, $0x38;
	[tilespmem:$0x18400] =	vst v63  }
0x156: {  	s8 =	sadd.s32 $0xD400, s23;
	s9 =	sadd.s32 $0x100, s26  }
0x157: {  	[hbm4b:s9+s24] =	stream.strided.scatter [tilespmem:s8], [sflag:$0x4], $0x400, s29, s24, $0x38;
	[tilespmem:$0x18400] =	vst v63  }
0x158: {  	s23 =	sadd.s32 $0xD800, s23;
	s26 =	sadd.s32 $0x140, s26  }
0x159: {  	[hbm4b:s26+s24] =	stream.strided.scatter [tilespmem:s23], [sflag:$0x4], $0x400, s29, s24, $0x38;
	[tilespmem:$0x18400] =	vst v63  }
0x15a: {  	_ =	swait.ge [sflag:s25], $0xC000  }
0x15b: {  	[sflag:s25] =	ssyncset.done $0x0  }
0x15c: {  	[sflag:s25] =	ssyncadd.s32 $0xFFFF4000  }
0x15d: {  	v3 =	vld [tilespmem:$0xC0];
	_ =	sdelay $0x4  }
0x15e: {  	v4 =	vshrl.u32 v3, $0x3  }
0x15f: {  	v4 =	vmul.u32 $0x30, v4  }
0x160: {  	v3 =	vand.u32 $0x7, v3  }
0x161: {  	v3 =	vor.u32 v3, v4  }
0x162: {  	v4 =	vperm.xlane v3, v0;
	_ =	sdelay $0x1  }
0x163: {  	v4 =	vadd.s32 v1, v4;
	_ =	sdelay $0x3  }
0x164: {  	s8 =	simm.s32 $0x0;
	s23 =	simm.s32 $0xC400;
	v3 =	vperm.xlane v3, v2  }
0x165: {  	[tilespmem:s23], [sflag:$0x2] =	stream.indirect_vreg.gather [hbm4b:s2+s8], $0x80, v4, vm0, $0xb8;
	[tilespmem:$0x18400] =	vst v63  }
0x166: {  	s26 =	simm.s32 $0xCC00;
	v3 =	vadd.s32 v1, v3  }
0x167: {  	[tilespmem:s26], [sflag:$0x2] =	stream.indirect_vreg.gather [hbm4b:s5+s8], $0x80, v4, vm0, $0xb8;
	[tilespmem:$0x18400] =	vst v63  }
0x168: {  	s23 =	simm.s32 $0xD400  }
0x169: {  	[tilespmem:s23], [sflag:$0x2] =	stream.indirect_vreg.gather [hbm4b:s7+s8], $0x80, v4, vm0, $0xb8;
	[tilespmem:$0x18400] =	vst v63  }
0x16a: {  	s26 =	simm.s32 $0xDC00  }
0x16b: {  	[tilespmem:s26], [sflag:$0x2] =	stream.indirect_vreg.gather [hbm4b:s2+s8], $0x80, v3, vm0, $0xb8;
	[tilespmem:$0x18400] =	vst v63  }
0x16c: {  	s23 =	simm.s32 $0xE400  }
0x16d: {  	[tilespmem:s23], [sflag:$0x2] =	stream.indirect_vreg.gather [hbm4b:s5+s8], $0x80, v3, vm0, $0xb8;
	[tilespmem:$0x18400] =	vst v63  }
0x16e: {  	s26 =	simm.s32 $0xEC00  }
0x16f: {  	[tilespmem:s26], [sflag:$0x2] =	stream.indirect_vreg.gather [hbm4b:s7+s8], $0x80, v3, vm0, $0xb8;
	[tilespmem:$0x18400] =	vst v63  }
0x170: {  	v3 =	vld [tilespmem:$0xD0];
	_ =	sdelay $0x4  }
0x171: {  	v61 =	vshrl.u32 v3, $0x3  }
0x172: {  	v4 =	vmul.u32 $0x30, v61  }
0x173: {  	v3 =	vand.u32 $0x7, v3  }
0x174: {  	v3 =	vor.u32 v3, v4  }
0x175: {  	v4 =	vperm.xlane v3, v0;
	_ =	sdelay $0x1  }
0x176: {  	v4 =	vadd.s32 v1, v4;
	_ =	sdelay $0x3  }
0x177: {  	s23 =	simm.s32 $0xF400;
	v3 =	vperm.xlane v3, v2  }
0x178: {  	[tilespmem:s23], [sflag:$0x2] =	stream.indirect_vreg.gather [hbm4b:s2+s8], $0x80, v4, vm0, $0xb8;
	[tilespmem:$0x18400] =	vst v63  }
0x179: {  	s26 =	simm.s32 $0xFC00;
	v3 =	vadd.s32 v1, v3  }
0x17a: {  	[tilespmem:s26], [sflag:$0x2] =	stream.indirect_vreg.gather [hbm4b:s5+s8], $0x80, v4, vm0, $0xb8;
	[tilespmem:$0x18400] =	vst v63  }
0x17b: {  	s23 =	simm.s32 $0x10400  }
0x17c: {  	[tilespmem:s23], [sflag:$0x2] =	stream.indirect_vreg.gather [hbm4b:s7+s8], $0x80, v4, vm0, $0xb8;
	[tilespmem:$0x18400] =	vst v63  }
0x17d: {  	s26 =	simm.s32 $0x10C00  }
0x17e: {  	[tilespmem:s26], [sflag:$0x2] =	stream.indirect_vreg.gather [hbm4b:s2+s8], $0x80, v3, vm0, $0xb8;
	[tilespmem:$0x18400] =	vst v63  }
0x17f: {  	s23 =	simm.s32 $0x11400  }
0x180: {  	[tilespmem:s23], [sflag:$0x2] =	stream.indirect_vreg.gather [hbm4b:s5+s8], $0x80, v3, vm0, $0xb8;
	[tilespmem:$0x18400] =	vst v63  }
0x181: {  	s26 =	simm.s32 $0x11C00  }
0x182: {  	[tilespmem:s26], [sflag:$0x2] =	stream.indirect_vreg.gather [hbm4b:s7+s8], $0x80, v3, vm0, $0xb8;
	[tilespmem:$0x18400] =	vst v63  }
0x183: {  	v3 =	vld [tilespmem:$0xE0];
	_ =	sdelay $0x4  }
0x184: {  	v62 =	vshrl.u32 v3, $0x3  }
0x185: {  	v4 =	vmul.u32 $0x30, v62  }
0x186: {  	v3 =	vand.u32 $0x7, v3  }
0x187: {  	v3 =	vor.u32 v3, v4  }
0x188: {  	v4 =	vperm.xlane v3, v0;
	_ =	sdelay $0x1  }
0x189: {  	v4 =	vadd.s32 v1, v4;
	_ =	sdelay $0x3  }
0x18a: {  	s23 =	simm.s32 $0x12400;
	v3 =	vperm.xlane v3, v2  }
0x18b: {  	[tilespmem:s23], [sflag:$0x2] =	stream.indirect_vreg.gather [hbm4b:s2+s8], $0x80, v4, vm0, $0xb8;
	[tilespmem:$0x18400] =	vst v63  }
0x18c: {  	s26 =	simm.s32 $0x12C00;
	v3 =	vadd.s32 v1, v3  }
0x18d: {  	[tilespmem:s26], [sflag:$0x2] =	stream.indirect_vreg.gather [hbm4b:s5+s8], $0x80, v4, vm0, $0xb8;
	[tilespmem:$0x18400] =	vst v63  }
0x18e: {  	s23 =	simm.s32 $0x13400  }
0x18f: {  	[tilespmem:s23], [sflag:$0x2] =	stream.indirect_vreg.gather [hbm4b:s7+s8], $0x80, v4, vm0, $0xb8;
	[tilespmem:$0x18400] =	vst v63  }
0x190: {  	s26 =	simm.s32 $0x13C00  }
0x191: {  	[tilespmem:s26], [sflag:$0x2] =	stream.indirect_vreg.gather [hbm4b:s2+s8], $0x80, v3, vm0, $0xb8;
	[tilespmem:$0x18400] =	vst v63  }
0x192: {  	s23 =	simm.s32 $0x14400  }
0x193: {  	[tilespmem:s23], [sflag:$0x2] =	stream.indirect_vreg.gather [hbm4b:s5+s8], $0x80, v3, vm0, $0xb8;
	[tilespmem:$0x18400] =	vst v63  }
0x194: {  	s26 =	simm.s32 $0x14C00  }
0x195: {  	[tilespmem:s26], [sflag:$0x2] =	stream.indirect_vreg.gather [hbm4b:s7+s8], $0x80, v3, vm0, $0xb8;
	[tilespmem:$0x18400] =	vst v63  }
0x196: {  	v3 =	vld [tilespmem:$0xF0];
	_ =	sdelay $0x4  }
0x197: {  	v63 =	vshrl.u32 v3, $0x3  }
0x198: {  	v4 =	vmul.u32 $0x30, v63  }
0x199: {  	v3 =	vand.u32 $0x7, v3  }
0x19a: {  	v3 =	vor.u32 v3, v4  }
0x19b: {  	v4 =	vperm.xlane v3, v0;
	_ =	sdelay $0x1  }
0x19c: {  	v4 =	vadd.s32 v1, v4;
	_ =	sdelay $0x3  }
0x19d: {  	s23 =	simm.s32 $0x15400;
	v3 =	vperm.xlane v3, v2  }
0x19e: {  	[tilespmem:s23], [sflag:$0x2] =	stream.indirect_vreg.gather [hbm4b:s2+s8], $0x80, v4, vm0, $0xb8;
	[tilespmem:$0x18400] =	vst v63  }
0x19f: {  	s26 =	simm.s32 $0x15C00;
	v3 =	vadd.s32 v1, v3  }
0x1a0: {  	[tilespmem:s26], [sflag:$0x2] =	stream.indirect_vreg.gather [hbm4b:s5+s8], $0x80, v4, vm0, $0xb8;
	[tilespmem:$0x18400] =	vst v63  }
0x1a1: {  	s23 =	simm.s32 $0x16400  }
0x1a2: {  	[tilespmem:s23], [sflag:$0x2] =	stream.indirect_vreg.gather [hbm4b:s7+s8], $0x80, v4, vm0, $0xb8;
	[tilespmem:$0x18400] =	vst v63  }
0x1a3: {  	s26 =	simm.s32 $0x16C00  }
0x1a4: {  	[tilespmem:s26], [sflag:$0x2] =	stream.indirect_vreg.gather [hbm4b:s2+s8], $0x80, v3, vm0, $0xb8;
	[tilespmem:$0x18400] =	vst v63  }
0x1a5: {  	s23 =	simm.s32 $0x17400  }
0x1a6: {  	[tilespmem:s23], [sflag:$0x2] =	stream.indirect_vreg.gather [hbm4b:s5+s8], $0x80, v3, vm0, $0xb8;
	[tilespmem:$0x18400] =	vst v63  }
0x1a7: {  	s26 =	simm.s32 $0x17C00  }
0x1a8: {  	[tilespmem:s26], [sflag:$0x2] =	stream.indirect_vreg.gather [hbm4b:s7+s8], $0x80, v3, vm0, $0xb8;
	[tilespmem:$0x18400] =	vst v63  }
0x1a9: {  	_ =	swait.ge [sflag:s31], $0xC000  }
0x1aa: {  	[sflag:s31] =	ssyncset.done $0x0  }
0x1ab: {  	s23 =	simm.s32 $0x400;
	s26 =	rddreg [dreg:$0x6];
	[sflag:s31] =	ssyncadd.s32 $0xFFFF4000  }
0x1ac: {  	[hbm4b:s26+s24] =	stream.strided.scatter [tilespmem:s23], [sflag:$0x3], $0x400, s29, s24, $0x38;
	[tilespmem:$0x18400] =	vst v63  }
0x1ad: {  	s9 =	simm.s32 $0x800;
	s23 =	sadd.s32 $0x40, s26  }
0x1ae: {  	[hbm4b:s23+s24] =	stream.strided.scatter [tilespmem:s9], [sflag:$0x3], $0x400, s29, s24, $0x38;
	[tilespmem:$0x18400] =	vst v63  }
0x1af: {  	s9 =	simm.s32 $0xC00;
	s23 =	sadd.s32 $0x80, s26  }
0x1b0: {  	[hbm4b:s23+s24] =	stream.strided.scatter [tilespmem:s9], [sflag:$0x3], $0x400, s29, s24, $0x38;
	[tilespmem:$0x18400] =	vst v63  }
0x1b1: {  	s28 =	simm.s32 $0xC000;
	s9 =	simm.s32 $0x1000;
	s23 =	sadd.s32 $0xC0, s26  }
0x1b2: {  	[hbm4b:s23+s24] =	stream.strided.scatter [tilespmem:s9], [sflag:$0x3], $0x400, s29, s24, $0x38;
	[tilespmem:$0x18400] =	vst v63  }
0x1b3: {  	s30 =	simm.s32 $0x1800;
	s9 =	simm.s32 $0x1400;
	s23 =	sadd.s32 $0x100, s26  }
0x1b4: {  	[hbm4b:s23+s24] =	stream.strided.scatter [tilespmem:s9], [sflag:$0x3], $0x400, s29, s24, $0x38;
	[tilespmem:$0x18400] =	vst v63  }
0x1b5: {  	s8 =	sadd.s32 $0x140, s26;
	s26 =	sadd.s32 $0xC00, s26;
	s23 =	simm.s32 $0x1800  }
.LBB2_6:
0x1b6: {  	[hbm4b:s8+s24] =	stream.strided.scatter [tilespmem:s30], [sflag:$0x3], $0x400, s29, s24, $0x38;
	[tilespmem:$0x18400] =	vst v63  }
0x1b7: {  	s8 =	smov.u32 s23;
	s9 =	smov.u32 s28  }
0x1b8: {  	s23 =	sshra.s32 s9, $0x2;
	s9 =	sadd.s32 $0x6000, s28;
	s30 =	sadd.s32 $0x400, s8  }
0x1b9: {  	[hbm4b:s26+s24] =	stream.strided.scatter [tilespmem:s30], [sflag:$0x3], $0x400, s29, s24, $0x38;
	[tilespmem:$0x18400] =	vst v63  }
0x1ba: {  	p0 =	sne.s32 s28, $0x2A000;
	s28 =	sadd.s32 $0x800, s8;
	s30 =	sadd.s32 $0x40, s26  }
0x1bb: {  	[hbm4b:s30+s24] =	stream.strided.scatter [tilespmem:s28], [sflag:$0x3], $0x400, s29, s24, $0x38;
	[tilespmem:$0x18400] =	vst v63  }
0x1bc: {  	s28 =	sadd.s32 $0xC00, s8;
	s30 =	sadd.s32 $0x80, s26  }
0x1bd: {  	[hbm4b:s30+s24] =	stream.strided.scatter [tilespmem:s28], [sflag:$0x3], $0x400, s29, s24, $0x38;
	[tilespmem:$0x18400] =	vst v63  }
0x1be: {  	s28 =	sadd.s32 $0x1000, s8;
	s30 =	sadd.s32 $0xC0, s26  }
0x1bf: {  	[hbm4b:s30+s24] =	stream.strided.scatter [tilespmem:s28], [sflag:$0x3], $0x400, s29, s24, $0x38;
	[tilespmem:$0x18400] =	vst v63  }
.Ltmp2:
0x1c0: {  	_ = 	snop;
	(pc) =	sbr.rel @p0 .LBB2_6-.Ltmp2, $4  }
0x1c1: {  	s28 =	sadd.s32 $0x1400, s8;
	s30 =	sadd.s32 $0x100, s26  }
0x1c2: {  	[hbm4b:s30+s24] =	stream.strided.scatter [tilespmem:s28], [sflag:$0x3], $0x400, s29, s24, $0x38;
	[tilespmem:$0x18400] =	vst v63  }
0x1c3: {  	s30 =	sadd.s32 $0x1800, s8  }
0x1c4: {  	s8 =	sadd.s32 $0x140, s26;
	s26 =	sadd.s32 $0xC00, s26;
	s28 =	smov.u32 s9  }
0x1c5: {  	[hbm4b:s8+s24] =	stream.strided.scatter [tilespmem:s30], [sflag:$0x3], $0x400, s29, s24, $0x38;
	[tilespmem:$0x18400] =	vst v63  }
0x1c6: {  	s9 =	sadd.s32 $0x400, s23  }
0x1c7: {  	[hbm4b:s26+s24] =	stream.strided.scatter [tilespmem:s9], [sflag:$0x3], $0x400, s29, s24, $0x38;
	[tilespmem:$0x18400] =	vst v63  }
0x1c8: {  	s8 =	sadd.s32 $0x800, s23;
	s9 =	sadd.s32 $0x40, s26  }
0x1c9: {  	[hbm4b:s9+s24] =	stream.strided.scatter [tilespmem:s8], [sflag:$0x3], $0x400, s29, s24, $0x38;
	[tilespmem:$0x18400] =	vst v63  }
0x1ca: {  	s8 =	sadd.s32 $0xC00, s23;
	s9 =	sadd.s32 $0x80, s26  }
0x1cb: {  	[hbm4b:s9+s24] =	stream.strided.scatter [tilespmem:s8], [sflag:$0x3], $0x400, s29, s24, $0x38;
	[tilespmem:$0x18400] =	vst v63  }
0x1cc: {  	s8 =	sadd.s32 $0x1000, s23;
	s9 =	sadd.s32 $0xC0, s26  }
0x1cd: {  	[hbm4b:s9+s24] =	stream.strided.scatter [tilespmem:s8], [sflag:$0x3], $0x400, s29, s24, $0x38;
	[tilespmem:$0x18400] =	vst v63  }
0x1ce: {  	s8 =	sadd.s32 $0x1400, s23;
	s9 =	sadd.s32 $0x100, s26  }
0x1cf: {  	[hbm4b:s9+s24] =	stream.strided.scatter [tilespmem:s8], [sflag:$0x3], $0x400, s29, s24, $0x38;
	[tilespmem:$0x18400] =	vst v63  }
0x1d0: {  	s9 =	sadd.s32 $0x1800, s23;
	s23 =	sadd.s32 $0x140, s26  }
0x1d1: {  	[hbm4b:s23+s24] =	stream.strided.scatter [tilespmem:s9], [sflag:$0x3], $0x400, s29, s24, $0x38;
	[tilespmem:$0x18400] =	vst v63  }
0x1d2: {  	_ =	swait.ge [sflag:s0], $0xC000  }
0x1d3: {  	[sflag:s0] =	ssyncset.done $0x0  }
0x1d4: {  	[sflag:s0] =	ssyncadd.s32 $0xFFFF4000  }
0x1d5: {  	v3 =	vld [tilespmem:$0x100];
	_ =	sdelay $0x4  }
0x1d6: {  	v4 =	vshrl.u32 v3, $0x3  }
0x1d7: {  	v4 =	vmul.u32 $0x30, v4  }
0x1d8: {  	v3 =	vand.u32 $0x7, v3  }
0x1d9: {  	v3 =	vor.u32 v3, v4  }
0x1da: {  	v4 =	vperm.xlane v3, v0;
	_ =	sdelay $0x1  }
0x1db: {  	v4 =	vadd.s32 v1, v4;
	_ =	sdelay $0x3  }
0x1dc: {  	s8 =	simm.s32 $0x0;
	s26 =	simm.s32 $0x400;
	v3 =	vperm.xlane v3, v2  }
0x1dd: {  	[tilespmem:s26], [sflag:$0x1] =	stream.indirect_vreg.gather [hbm4b:s2+s8], $0x80, v4, vm0, $0xb8;
	[tilespmem:$0x18400] =	vst v63  }
0x1de: {  	v3 =	vadd.s32 v1, v3  }
0x1df: {  	[tilespmem:s29], [sflag:$0x1] =	stream.indirect_vreg.gather [hbm4b:s5+s8], $0x80, v4, vm0, $0xb8;
	[tilespmem:$0x18400] =	vst v63  }
0x1e0: {  	s23 =	simm.s32 $0x1400  }
0x1e1: {  	[tilespmem:s23], [sflag:$0x1] =	stream.indirect_vreg.gather [hbm4b:s7+s8], $0x80, v4, vm0, $0xb8;
	[tilespmem:$0x18400] =	vst v63  }
0x1e2: {  	s26 =	simm.s32 $0x1C00  }
0x1e3: {  	[tilespmem:s26], [sflag:$0x1] =	stream.indirect_vreg.gather [hbm4b:s2+s8], $0x80, v3, vm0, $0xb8;
	[tilespmem:$0x18400] =	vst v63  }
0x1e4: {  	s23 =	simm.s32 $0x2400  }
0x1e5: {  	[tilespmem:s23], [sflag:$0x1] =	stream.indirect_vreg.gather [hbm4b:s5+s8], $0x80, v3, vm0, $0xb8;
	[tilespmem:$0x18400] =	vst v63  }
0x1e6: {  	s26 =	simm.s32 $0x2C00  }
0x1e7: {  	[tilespmem:s26], [sflag:$0x1] =	stream.indirect_vreg.gather [hbm4b:s7+s8], $0x80, v3, vm0, $0xb8;
	[tilespmem:$0x18400] =	vst v63  }
0x1e8: {  	v3 =	vld [tilespmem:$0x110];
	_ =	sdelay $0x4  }
0x1e9: {  	v61 =	vshrl.u32 v3, $0x3  }
0x1ea: {  	v4 =	vmul.u32 $0x30, v61  }
0x1eb: {  	v3 =	vand.u32 $0x7, v3  }
0x1ec: {  	v3 =	vor.u32 v3, v4  }
0x1ed: {  	v4 =	vperm.xlane v3, v0;
	_ =	sdelay $0x1  }
0x1ee: {  	v4 =	vadd.s32 v1, v4;
	_ =	sdelay $0x3  }
0x1ef: {  	s23 =	simm.s32 $0x3400;
	v3 =	vperm.xlane v3, v2  }
0x1f0: {  	[tilespmem:s23], [sflag:$0x1] =	stream.indirect_vreg.gather [hbm4b:s2+s8], $0x80, v4, vm0, $0xb8;
	[tilespmem:$0x18400] =	vst v63  }
0x1f1: {  	s26 =	simm.s32 $0x3C00;
	v3 =	vadd.s32 v1, v3  }
0x1f2: {  	[tilespmem:s26], [sflag:$0x1] =	stream.indirect_vreg.gather [hbm4b:s5+s8], $0x80, v4, vm0, $0xb8;
	[tilespmem:$0x18400] =	vst v63  }
0x1f3: {  	s23 =	simm.s32 $0x4400  }
0x1f4: {  	[tilespmem:s23], [sflag:$0x1] =	stream.indirect_vreg.gather [hbm4b:s7+s8], $0x80, v4, vm0, $0xb8;
	[tilespmem:$0x18400] =	vst v63  }
0x1f5: {  	s26 =	simm.s32 $0x4C00  }
0x1f6: {  	[tilespmem:s26], [sflag:$0x1] =	stream.indirect_vreg.gather [hbm4b:s2+s8], $0x80, v3, vm0, $0xb8;
	[tilespmem:$0x18400] =	vst v63  }
0x1f7: {  	s23 =	simm.s32 $0x5400  }
0x1f8: {  	[tilespmem:s23], [sflag:$0x1] =	stream.indirect_vreg.gather [hbm4b:s5+s8], $0x80, v3, vm0, $0xb8;
	[tilespmem:$0x18400] =	vst v63  }
0x1f9: {  	s26 =	simm.s32 $0x5C00  }
0x1fa: {  	[tilespmem:s26], [sflag:$0x1] =	stream.indirect_vreg.gather [hbm4b:s7+s8], $0x80, v3, vm0, $0xb8;
	[tilespmem:$0x18400] =	vst v63  }
0x1fb: {  	v3 =	vld [tilespmem:$0x120];
	_ =	sdelay $0x4  }
0x1fc: {  	v62 =	vshrl.u32 v3, $0x3  }
0x1fd: {  	v4 =	vmul.u32 $0x30, v62  }
0x1fe: {  	v3 =	vand.u32 $0x7, v3  }
0x1ff: {  	v3 =	vor.u32 v3, v4  }
0x200: {  	v4 =	vperm.xlane v3, v0;
	_ =	sdelay $0x1  }
0x201: {  	v4 =	vadd.s32 v1, v4;
	_ =	sdelay $0x3  }
0x202: {  	s23 =	simm.s32 $0x6400;
	v3 =	vperm.xlane v3, v2  }
0x203: {  	[tilespmem:s23], [sflag:$0x1] =	stream.indirect_vreg.gather [hbm4b:s2+s8], $0x80, v4, vm0, $0xb8;
	[tilespmem:$0x18400] =	vst v63  }
0x204: {  	s26 =	simm.s32 $0x6C00;
	v3 =	vadd.s32 v1, v3  }
0x205: {  	[tilespmem:s26], [sflag:$0x1] =	stream.indirect_vreg.gather [hbm4b:s5+s8], $0x80, v4, vm0, $0xb8;
	[tilespmem:$0x18400] =	vst v63  }
0x206: {  	s23 =	simm.s32 $0x7400  }
0x207: {  	[tilespmem:s23], [sflag:$0x1] =	stream.indirect_vreg.gather [hbm4b:s7+s8], $0x80, v4, vm0, $0xb8;
	[tilespmem:$0x18400] =	vst v63  }
0x208: {  	s26 =	simm.s32 $0x7C00  }
0x209: {  	[tilespmem:s26], [sflag:$0x1] =	stream.indirect_vreg.gather [hbm4b:s2+s8], $0x80, v3, vm0, $0xb8;
	[tilespmem:$0x18400] =	vst v63  }
0x20a: {  	s23 =	simm.s32 $0x8400  }
0x20b: {  	[tilespmem:s23], [sflag:$0x1] =	stream.indirect_vreg.gather [hbm4b:s5+s8], $0x80, v3, vm0, $0xb8;
	[tilespmem:$0x18400] =	vst v63  }
0x20c: {  	s26 =	simm.s32 $0x8C00  }
0x20d: {  	[tilespmem:s26], [sflag:$0x1] =	stream.indirect_vreg.gather [hbm4b:s7+s8], $0x80, v3, vm0, $0xb8;
	[tilespmem:$0x18400] =	vst v63  }
0x20e: {  	v3 =	vld [tilespmem:$0x130];
	_ =	sdelay $0x4  }
0x20f: {  	v63 =	vshrl.u32 v3, $0x3  }
0x210: {  	v4 =	vmul.u32 $0x30, v63  }
0x211: {  	v3 =	vand.u32 $0x7, v3  }
0x212: {  	v3 =	vor.u32 v3, v4  }
0x213: {  	v4 =	vperm.xlane v3, v0;
	_ =	sdelay $0x1  }
0x214: {  	v4 =	vadd.s32 v1, v4;
	_ =	sdelay $0x3  }
0x215: {  	s23 =	simm.s32 $0x9400;
	v3 =	vperm.xlane v3, v2  }
0x216: {  	[tilespmem:s23], [sflag:$0x1] =	stream.indirect_vreg.gather [hbm4b:s2+s8], $0x80, v4, vm0, $0xb8;
	[tilespmem:$0x18400] =	vst v63  }
0x217: {  	s26 =	simm.s32 $0x9C00;
	v3 =	vadd.s32 v1, v3  }
0x218: {  	[tilespmem:s26], [sflag:$0x1] =	stream.indirect_vreg.gather [hbm4b:s5+s8], $0x80, v4, vm0, $0xb8;
	[tilespmem:$0x18400] =	vst v63  }
0x219: {  	s23 =	simm.s32 $0xA400  }
0x21a: {  	[tilespmem:s23], [sflag:$0x1] =	stream.indirect_vreg.gather [hbm4b:s7+s8], $0x80, v4, vm0, $0xb8;
	[tilespmem:$0x18400] =	vst v63  }
0x21b: {  	s26 =	simm.s32 $0xAC00  }
0x21c: {  	[tilespmem:s26], [sflag:$0x1] =	stream.indirect_vreg.gather [hbm4b:s2+s8], $0x80, v3, vm0, $0xb8;
	[tilespmem:$0x18400] =	vst v63  }
0x21d: {  	s23 =	simm.s32 $0xB400  }
0x21e: {  	[tilespmem:s23], [sflag:$0x1] =	stream.indirect_vreg.gather [hbm4b:s5+s8], $0x80, v3, vm0, $0xb8;
	[tilespmem:$0x18400] =	vst v63  }
0x21f: {  	s26 =	simm.s32 $0xBC00  }
0x220: {  	[tilespmem:s26], [sflag:$0x1] =	stream.indirect_vreg.gather [hbm4b:s7+s8], $0x80, v3, vm0, $0xb8;
	[tilespmem:$0x18400] =	vst v63  }
0x221: {  	_ =	swait.ge [sflag:s1], $0xC000  }
0x222: {  	[sflag:s1] =	ssyncset.done $0x0  }
0x223: {  	s9 =	simm.s32 $0xC400;
	[sflag:s1] =	ssyncadd.s32 $0xFFFF4000  }
0x224: {  	[hbm4b:s10+s24] =	stream.strided.scatter [tilespmem:s9], [sflag:$0x4], $0x400, s29, s24, $0x38;
	[tilespmem:$0x18400] =	vst v63  }
0x225: {  	s23 =	simm.s32 $0xC800;
	s26 =	sadd.s32 $0x40, s10  }
0x226: {  	[hbm4b:s26+s24] =	stream.strided.scatter [tilespmem:s23], [sflag:$0x4], $0x400, s29, s24, $0x38;
	[tilespmem:$0x18400] =	vst v63  }
0x227: {  	s23 =	simm.s32 $0xCC00;
	s26 =	sadd.s32 $0x80, s10  }
0x228: {  	[hbm4b:s26+s24] =	stream.strided.scatter [tilespmem:s23], [sflag:$0x4], $0x400, s29, s24, $0x38;
	[tilespmem:$0x18400] =	vst v63  }
0x229: {  	s28 =	simm.s32 $0xC000;
	s23 =	simm.s32 $0xD000;
	s26 =	sadd.s32 $0xC0, s10  }
0x22a: {  	[hbm4b:s26+s24] =	stream.strided.scatter [tilespmem:s23], [sflag:$0x4], $0x400, s29, s24, $0x38;
	[tilespmem:$0x18400] =	vst v63  }
0x22b: {  	s30 =	simm.s32 $0xD800;
	s23 =	simm.s32 $0xD400;
	s26 =	sadd.s32 $0x100, s10  }
0x22c: {  	[hbm4b:s26+s24] =	stream.strided.scatter [tilespmem:s23], [sflag:$0x4], $0x400, s29, s24, $0x38;
	[tilespmem:$0x18400] =	vst v63  }
0x22d: {  	s8 =	sadd.s32 $0x140, s10;
	s23 =	simm.s32 $0x1800;
	s26 =	sadd.s32 $0xC00, s10  }
.LBB2_8:
0x22e: {  	[hbm4b:s8+s24] =	stream.strided.scatter [tilespmem:s30], [sflag:$0x4], $0x400, s29, s24, $0x38;
	[tilespmem:$0x18400] =	vst v63  }
0x22f: {  	s8 =	smov.u32 s23;
	s9 =	smov.u32 s28  }
0x230: {  	s23 =	sshra.s32 s9, $0x2;
	s9 =	sadd.s32 $0x6000, s28;
	s30 =	sadd.s32 $0xC400, s8  }
0x231: {  	[hbm4b:s26+s24] =	stream.strided.scatter [tilespmem:s30], [sflag:$0x4], $0x400, s29, s24, $0x38;
	[tilespmem:$0x18400] =	vst v63  }
0x232: {  	p0 =	sne.s32 s28, $0x2A000;
	s28 =	sadd.s32 $0xC800, s8;
	s30 =	sadd.s32 $0x40, s26  }
0x233: {  	[hbm4b:s30+s24] =	stream.strided.scatter [tilespmem:s28], [sflag:$0x4], $0x400, s29, s24, $0x38;
	[tilespmem:$0x18400] =	vst v63  }
0x234: {  	s28 =	sadd.s32 $0xCC00, s8;
	s30 =	sadd.s32 $0x80, s26  }
0x235: {  	[hbm4b:s30+s24] =	stream.strided.scatter [tilespmem:s28], [sflag:$0x4], $0x400, s29, s24, $0x38;
	[tilespmem:$0x18400] =	vst v63  }
0x236: {  	s28 =	sadd.s32 $0xD000, s8;
	s30 =	sadd.s32 $0xC0, s26  }
0x237: {  	[hbm4b:s30+s24] =	stream.strided.scatter [tilespmem:s28], [sflag:$0x4], $0x400, s29, s24, $0x38;
	[tilespmem:$0x18400] =	vst v63  }
.Ltmp3:
0x238: {  	_ = 	snop;
	(pc) =	sbr.rel @p0 .LBB2_8-.Ltmp3, $4  }
0x239: {  	s28 =	sadd.s32 $0xD400, s8;
	s30 =	sadd.s32 $0x100, s26  }
0x23a: {  	[hbm4b:s30+s24] =	stream.strided.scatter [tilespmem:s28], [sflag:$0x4], $0x400, s29, s24, $0x38;
	[tilespmem:$0x18400] =	vst v63  }
0x23b: {  	s30 =	sadd.s32 $0xD800, s8  }
0x23c: {  	s8 =	sadd.s32 $0x140, s26;
	s26 =	sadd.s32 $0xC00, s26;
	s28 =	smov.u32 s9  }
0x23d: {  	[hbm4b:s8+s24] =	stream.strided.scatter [tilespmem:s30], [sflag:$0x4], $0x400, s29, s24, $0x38;
	[tilespmem:$0x18400] =	vst v63  }
0x23e: {  	s9 =	sadd.s32 $0xC400, s23  }
0x23f: {  	[hbm4b:s26+s24] =	stream.strided.scatter [tilespmem:s9], [sflag:$0x4], $0x400, s29, s24, $0x38;
	[tilespmem:$0x18400] =	vst v63  }
0x240: {  	s8 =	sadd.s32 $0xC800, s23;
	s9 =	sadd.s32 $0x40, s26  }
0x241: {  	[hbm4b:s9+s24] =	stream.strided.scatter [tilespmem:s8], [sflag:$0x4], $0x400, s29, s24, $0x38;
	[tilespmem:$0x18400] =	vst v63  }
0x242: {  	s8 =	sadd.s32 $0xCC00, s23;
	s9 =	sadd.s32 $0x80, s26  }
0x243: {  	[hbm4b:s9+s24] =	stream.strided.scatter [tilespmem:s8], [sflag:$0x4], $0x400, s29, s24, $0x38;
	[tilespmem:$0x18400] =	vst v63  }
0x244: {  	s8 =	sadd.s32 $0xD000, s23;
	s9 =	sadd.s32 $0xC0, s26  }
0x245: {  	[hbm4b:s9+s24] =	stream.strided.scatter [tilespmem:s8], [sflag:$0x4], $0x400, s29, s24, $0x38;
	[tilespmem:$0x18400] =	vst v63  }
0x246: {  	s8 =	sadd.s32 $0xD400, s23;
	s9 =	sadd.s32 $0x100, s26  }
0x247: {  	[hbm4b:s9+s24] =	stream.strided.scatter [tilespmem:s8], [sflag:$0x4], $0x400, s29, s24, $0x38;
	[tilespmem:$0x18400] =	vst v63  }
0x248: {  	s23 =	sadd.s32 $0xD800, s23;
	s26 =	sadd.s32 $0x140, s26  }
0x249: {  	[hbm4b:s26+s24] =	stream.strided.scatter [tilespmem:s23], [sflag:$0x4], $0x400, s29, s24, $0x38;
	[tilespmem:$0x18400] =	vst v63  }
0x24a: {  	_ =	swait.ge [sflag:s25], $0xC000  }
0x24b: {  	[sflag:s25] =	ssyncset.done $0x0  }
0x24c: {  	[sflag:s25] =	ssyncadd.s32 $0xFFFF4000  }
0x24d: {  	v3 =	vld [tilespmem:$0x140];
	_ =	sdelay $0x4  }
0x24e: {  	v4 =	vshrl.u32 v3, $0x3  }
0x24f: {  	v4 =	vmul.u32 $0x30, v4  }
0x250: {  	v3 =	vand.u32 $0x7, v3  }
0x251: {  	v3 =	vor.u32 v3, v4  }
0x252: {  	v4 =	vperm.xlane v3, v0;
	_ =	sdelay $0x1  }
0x253: {  	v4 =	vadd.s32 v1, v4;
	_ =	sdelay $0x3  }
0x254: {  	s8 =	simm.s32 $0x0;
	s23 =	simm.s32 $0xC400;
	v3 =	vperm.xlane v3, v2  }
0x255: {  	[tilespmem:s23], [sflag:$0x2] =	stream.indirect_vreg.gather [hbm4b:s2+s8], $0x80, v4, vm0, $0xb8;
	[tilespmem:$0x18400] =	vst v63  }
0x256: {  	s26 =	simm.s32 $0xCC00;
	v3 =	vadd.s32 v1, v3  }
0x257: {  	[tilespmem:s26], [sflag:$0x2] =	stream.indirect_vreg.gather [hbm4b:s5+s8], $0x80, v4, vm0, $0xb8;
	[tilespmem:$0x18400] =	vst v63  }
0x258: {  	s23 =	simm.s32 $0xD400  }
0x259: {  	[tilespmem:s23], [sflag:$0x2] =	stream.indirect_vreg.gather [hbm4b:s7+s8], $0x80, v4, vm0, $0xb8;
	[tilespmem:$0x18400] =	vst v63  }
0x25a: {  	s26 =	simm.s32 $0xDC00  }
0x25b: {  	[tilespmem:s26], [sflag:$0x2] =	stream.indirect_vreg.gather [hbm4b:s2+s8], $0x80, v3, vm0, $0xb8;
	[tilespmem:$0x18400] =	vst v63  }
0x25c: {  	s23 =	simm.s32 $0xE400  }
0x25d: {  	[tilespmem:s23], [sflag:$0x2] =	stream.indirect_vreg.gather [hbm4b:s5+s8], $0x80, v3, vm0, $0xb8;
	[tilespmem:$0x18400] =	vst v63  }
0x25e: {  	s26 =	simm.s32 $0xEC00  }
0x25f: {  	[tilespmem:s26], [sflag:$0x2] =	stream.indirect_vreg.gather [hbm4b:s7+s8], $0x80, v3, vm0, $0xb8;
	[tilespmem:$0x18400] =	vst v63  }
0x260: {  	v3 =	vld [tilespmem:$0x150];
	_ =	sdelay $0x4  }
0x261: {  	v61 =	vshrl.u32 v3, $0x3  }
0x262: {  	v4 =	vmul.u32 $0x30, v61  }
0x263: {  	v3 =	vand.u32 $0x7, v3  }
0x264: {  	v3 =	vor.u32 v3, v4  }
0x265: {  	v4 =	vperm.xlane v3, v0;
	_ =	sdelay $0x1  }
0x266: {  	v4 =	vadd.s32 v1, v4;
	_ =	sdelay $0x3  }
0x267: {  	s23 =	simm.s32 $0xF400;
	v3 =	vperm.xlane v3, v2  }
0x268: {  	[tilespmem:s23], [sflag:$0x2] =	stream.indirect_vreg.gather [hbm4b:s2+s8], $0x80, v4, vm0, $0xb8;
	[tilespmem:$0x18400] =	vst v63  }
0x269: {  	s26 =	simm.s32 $0xFC00;
	v3 =	vadd.s32 v1, v3  }
0x26a: {  	[tilespmem:s26], [sflag:$0x2] =	stream.indirect_vreg.gather [hbm4b:s5+s8], $0x80, v4, vm0, $0xb8;
	[tilespmem:$0x18400] =	vst v63  }
0x26b: {  	s23 =	simm.s32 $0x10400  }
0x26c: {  	[tilespmem:s23], [sflag:$0x2] =	stream.indirect_vreg.gather [hbm4b:s7+s8], $0x80, v4, vm0, $0xb8;
	[tilespmem:$0x18400] =	vst v63  }
0x26d: {  	s26 =	simm.s32 $0x10C00  }
0x26e: {  	[tilespmem:s26], [sflag:$0x2] =	stream.indirect_vreg.gather [hbm4b:s2+s8], $0x80, v3, vm0, $0xb8;
	[tilespmem:$0x18400] =	vst v63  }
0x26f: {  	s23 =	simm.s32 $0x11400  }
0x270: {  	[tilespmem:s23], [sflag:$0x2] =	stream.indirect_vreg.gather [hbm4b:s5+s8], $0x80, v3, vm0, $0xb8;
	[tilespmem:$0x18400] =	vst v63  }
0x271: {  	s26 =	simm.s32 $0x11C00  }
0x272: {  	[tilespmem:s26], [sflag:$0x2] =	stream.indirect_vreg.gather [hbm4b:s7+s8], $0x80, v3, vm0, $0xb8;
	[tilespmem:$0x18400] =	vst v63  }
0x273: {  	v3 =	vld [tilespmem:$0x160];
	_ =	sdelay $0x4  }
0x274: {  	v62 =	vshrl.u32 v3, $0x3  }
0x275: {  	v4 =	vmul.u32 $0x30, v62  }
0x276: {  	v3 =	vand.u32 $0x7, v3  }
0x277: {  	v3 =	vor.u32 v3, v4  }
0x278: {  	v4 =	vperm.xlane v3, v0;
	_ =	sdelay $0x1  }
0x279: {  	v4 =	vadd.s32 v1, v4;
	_ =	sdelay $0x3  }
0x27a: {  	s23 =	simm.s32 $0x12400;
	v3 =	vperm.xlane v3, v2  }
0x27b: {  	[tilespmem:s23], [sflag:$0x2] =	stream.indirect_vreg.gather [hbm4b:s2+s8], $0x80, v4, vm0, $0xb8;
	[tilespmem:$0x18400] =	vst v63  }
0x27c: {  	s26 =	simm.s32 $0x12C00;
	v3 =	vadd.s32 v1, v3  }
0x27d: {  	[tilespmem:s26], [sflag:$0x2] =	stream.indirect_vreg.gather [hbm4b:s5+s8], $0x80, v4, vm0, $0xb8;
	[tilespmem:$0x18400] =	vst v63  }
0x27e: {  	s23 =	simm.s32 $0x13400  }
0x27f: {  	[tilespmem:s23], [sflag:$0x2] =	stream.indirect_vreg.gather [hbm4b:s7+s8], $0x80, v4, vm0, $0xb8;
	[tilespmem:$0x18400] =	vst v63  }
0x280: {  	s26 =	simm.s32 $0x13C00  }
0x281: {  	[tilespmem:s26], [sflag:$0x2] =	stream.indirect_vreg.gather [hbm4b:s2+s8], $0x80, v3, vm0, $0xb8;
	[tilespmem:$0x18400] =	vst v63  }
0x282: {  	s23 =	simm.s32 $0x14400  }
0x283: {  	[tilespmem:s23], [sflag:$0x2] =	stream.indirect_vreg.gather [hbm4b:s5+s8], $0x80, v3, vm0, $0xb8;
	[tilespmem:$0x18400] =	vst v63  }
0x284: {  	s26 =	simm.s32 $0x14C00  }
0x285: {  	[tilespmem:s26], [sflag:$0x2] =	stream.indirect_vreg.gather [hbm4b:s7+s8], $0x80, v3, vm0, $0xb8;
	[tilespmem:$0x18400] =	vst v63  }
0x286: {  	v3 =	vld [tilespmem:$0x170];
	_ =	sdelay $0x4  }
0x287: {  	v63 =	vshrl.u32 v3, $0x3  }
0x288: {  	v4 =	vmul.u32 $0x30, v63  }
0x289: {  	v3 =	vand.u32 $0x7, v3  }
0x28a: {  	v3 =	vor.u32 v3, v4  }
0x28b: {  	v4 =	vperm.xlane v3, v0;
	_ =	sdelay $0x1  }
0x28c: {  	v4 =	vadd.s32 v1, v4;
	_ =	sdelay $0x3  }
0x28d: {  	s23 =	simm.s32 $0x15400;
	v3 =	vperm.xlane v3, v2  }
0x28e: {  	[tilespmem:s23], [sflag:$0x2] =	stream.indirect_vreg.gather [hbm4b:s2+s8], $0x80, v4, vm0, $0xb8;
	[tilespmem:$0x18400] =	vst v63  }
0x28f: {  	s26 =	simm.s32 $0x15C00;
	v3 =	vadd.s32 v1, v3  }
0x290: {  	[tilespmem:s26], [sflag:$0x2] =	stream.indirect_vreg.gather [hbm4b:s5+s8], $0x80, v4, vm0, $0xb8;
	[tilespmem:$0x18400] =	vst v63  }
0x291: {  	s23 =	simm.s32 $0x16400  }
0x292: {  	[tilespmem:s23], [sflag:$0x2] =	stream.indirect_vreg.gather [hbm4b:s7+s8], $0x80, v4, vm0, $0xb8;
	[tilespmem:$0x18400] =	vst v63  }
0x293: {  	s26 =	simm.s32 $0x16C00  }
0x294: {  	[tilespmem:s26], [sflag:$0x2] =	stream.indirect_vreg.gather [hbm4b:s2+s8], $0x80, v3, vm0, $0xb8;
	[tilespmem:$0x18400] =	vst v63  }
0x295: {  	s23 =	simm.s32 $0x17400  }
0x296: {  	[tilespmem:s23], [sflag:$0x2] =	stream.indirect_vreg.gather [hbm4b:s5+s8], $0x80, v3, vm0, $0xb8;
	[tilespmem:$0x18400] =	vst v63  }
0x297: {  	s26 =	simm.s32 $0x17C00  }
0x298: {  	[tilespmem:s26], [sflag:$0x2] =	stream.indirect_vreg.gather [hbm4b:s7+s8], $0x80, v3, vm0, $0xb8;
	[tilespmem:$0x18400] =	vst v63  }
0x299: {  	_ =	swait.ge [sflag:s31], $0xC000  }
0x29a: {  	[sflag:s31] =	ssyncset.done $0x0  }
0x29b: {  	s9 =	simm.s32 $0x400;
	[sflag:s31] =	ssyncadd.s32 $0xFFFF4000  }
0x29c: {  	[hbm4b:s11+s24] =	stream.strided.scatter [tilespmem:s9], [sflag:$0x3], $0x400, s29, s24, $0x38;
	[tilespmem:$0x18400] =	vst v63  }
0x29d: {  	s23 =	simm.s32 $0x800;
	s26 =	sadd.s32 $0x40, s11  }
0x29e: {  	[hbm4b:s26+s24] =	stream.strided.scatter [tilespmem:s23], [sflag:$0x3], $0x400, s29, s24, $0x38;
	[tilespmem:$0x18400] =	vst v63  }
0x29f: {  	s23 =	simm.s32 $0xC00;
	s26 =	sadd.s32 $0x80, s11  }
0x2a0: {  	[hbm4b:s26+s24] =	stream.strided.scatter [tilespmem:s23], [sflag:$0x3], $0x400, s29, s24, $0x38;
	[tilespmem:$0x18400] =	vst v63  }
0x2a1: {  	s28 =	simm.s32 $0xC000;
	s23 =	simm.s32 $0x1000;
	s26 =	sadd.s32 $0xC0, s11  }
0x2a2: {  	[hbm4b:s26+s24] =	stream.strided.scatter [tilespmem:s23], [sflag:$0x3], $0x400, s29, s24, $0x38;
	[tilespmem:$0x18400] =	vst v63  }
0x2a3: {  	s30 =	simm.s32 $0x1800;
	s23 =	simm.s32 $0x1400;
	s26 =	sadd.s32 $0x100, s11  }
0x2a4: {  	[hbm4b:s26+s24] =	stream.strided.scatter [tilespmem:s23], [sflag:$0x3], $0x400, s29, s24, $0x38;
	[tilespmem:$0x18400] =	vst v63  }
0x2a5: {  	s8 =	sadd.s32 $0x140, s11;
	s23 =	simm.s32 $0x1800;
	s26 =	sadd.s32 $0xC00, s11  }
.LBB2_10:
0x2a6: {  	[hbm4b:s8+s24] =	stream.strided.scatter [tilespmem:s30], [sflag:$0x3], $0x400, s29, s24, $0x38;
	[tilespmem:$0x18400] =	vst v63  }
0x2a7: {  	s8 =	smov.u32 s23;
	s9 =	smov.u32 s28  }
0x2a8: {  	s23 =	sshra.s32 s9, $0x2;
	s9 =	sadd.s32 $0x6000, s28;
	s30 =	sadd.s32 $0x400, s8  }
0x2a9: {  	[hbm4b:s26+s24] =	stream.strided.scatter [tilespmem:s30], [sflag:$0x3], $0x400, s29, s24, $0x38;
	[tilespmem:$0x18400] =	vst v63  }
0x2aa: {  	p0 =	sne.s32 s28, $0x2A000;
	s28 =	sadd.s32 $0x800, s8;
	s30 =	sadd.s32 $0x40, s26  }
0x2ab: {  	[hbm4b:s30+s24] =	stream.strided.scatter [tilespmem:s28], [sflag:$0x3], $0x400, s29, s24, $0x38;
	[tilespmem:$0x18400] =	vst v63  }
0x2ac: {  	s28 =	sadd.s32 $0xC00, s8;
	s30 =	sadd.s32 $0x80, s26  }
0x2ad: {  	[hbm4b:s30+s24] =	stream.strided.scatter [tilespmem:s28], [sflag:$0x3], $0x400, s29, s24, $0x38;
	[tilespmem:$0x18400] =	vst v63  }
0x2ae: {  	s28 =	sadd.s32 $0x1000, s8;
	s30 =	sadd.s32 $0xC0, s26  }
0x2af: {  	[hbm4b:s30+s24] =	stream.strided.scatter [tilespmem:s28], [sflag:$0x3], $0x400, s29, s24, $0x38;
	[tilespmem:$0x18400] =	vst v63  }
.Ltmp4:
0x2b0: {  	_ = 	snop;
	(pc) =	sbr.rel @p0 .LBB2_10-.Ltmp4, $4  }
0x2b1: {  	s28 =	sadd.s32 $0x1400, s8;
	s30 =	sadd.s32 $0x100, s26  }
0x2b2: {  	[hbm4b:s30+s24] =	stream.strided.scatter [tilespmem:s28], [sflag:$0x3], $0x400, s29, s24, $0x38;
	[tilespmem:$0x18400] =	vst v63  }
0x2b3: {  	s30 =	sadd.s32 $0x1800, s8  }
0x2b4: {  	s8 =	sadd.s32 $0x140, s26;
	s26 =	sadd.s32 $0xC00, s26;
	s28 =	smov.u32 s9  }
0x2b5: {  	[hbm4b:s8+s24] =	stream.strided.scatter [tilespmem:s30], [sflag:$0x3], $0x400, s29, s24, $0x38;
	[tilespmem:$0x18400] =	vst v63  }
0x2b6: {  	s9 =	sadd.s32 $0x400, s23  }
0x2b7: {  	[hbm4b:s26+s24] =	stream.strided.scatter [tilespmem:s9], [sflag:$0x3], $0x400, s29, s24, $0x38;
	[tilespmem:$0x18400] =	vst v63  }
0x2b8: {  	s8 =	sadd.s32 $0x800, s23;
	s9 =	sadd.s32 $0x40, s26  }
0x2b9: {  	[hbm4b:s9+s24] =	stream.strided.scatter [tilespmem:s8], [sflag:$0x3], $0x400, s29, s24, $0x38;
	[tilespmem:$0x18400] =	vst v63  }
0x2ba: {  	s8 =	sadd.s32 $0xC00, s23;
	s9 =	sadd.s32 $0x80, s26  }
0x2bb: {  	[hbm4b:s9+s24] =	stream.strided.scatter [tilespmem:s8], [sflag:$0x3], $0x400, s29, s24, $0x38;
	[tilespmem:$0x18400] =	vst v63  }
0x2bc: {  	s8 =	sadd.s32 $0x1000, s23;
	s9 =	sadd.s32 $0xC0, s26  }
0x2bd: {  	[hbm4b:s9+s24] =	stream.strided.scatter [tilespmem:s8], [sflag:$0x3], $0x400, s29, s24, $0x38;
	[tilespmem:$0x18400] =	vst v63  }
0x2be: {  	s8 =	sadd.s32 $0x1400, s23;
	s9 =	sadd.s32 $0x100, s26  }
0x2bf: {  	[hbm4b:s9+s24] =	stream.strided.scatter [tilespmem:s8], [sflag:$0x3], $0x400, s29, s24, $0x38;
	[tilespmem:$0x18400] =	vst v63  }
0x2c0: {  	s9 =	sadd.s32 $0x1800, s23;
	s23 =	sadd.s32 $0x140, s26  }
0x2c1: {  	[hbm4b:s23+s24] =	stream.strided.scatter [tilespmem:s9], [sflag:$0x3], $0x400, s29, s24, $0x38;
	[tilespmem:$0x18400] =	vst v63  }
0x2c2: {  	_ =	swait.ge [sflag:s0], $0xC000  }
0x2c3: {  	[sflag:s0] =	ssyncset.done $0x0  }
0x2c4: {  	[sflag:s0] =	ssyncadd.s32 $0xFFFF4000  }
0x2c5: {  	v3 =	vld [tilespmem:$0x180];
	_ =	sdelay $0x4  }
0x2c6: {  	v4 =	vshrl.u32 v3, $0x3  }
0x2c7: {  	v4 =	vmul.u32 $0x30, v4  }
0x2c8: {  	v3 =	vand.u32 $0x7, v3  }
0x2c9: {  	v3 =	vor.u32 v3, v4  }
0x2ca: {  	v4 =	vperm.xlane v3, v0;
	_ =	sdelay $0x1  }
0x2cb: {  	v4 =	vadd.s32 v1, v4;
	_ =	sdelay $0x3  }
0x2cc: {  	s8 =	simm.s32 $0x0;
	s26 =	simm.s32 $0x400;
	v3 =	vperm.xlane v3, v2  }
0x2cd: {  	[tilespmem:s26], [sflag:$0x1] =	stream.indirect_vreg.gather [hbm4b:s2+s8], $0x80, v4, vm0, $0xb8;
	[tilespmem:$0x18400] =	vst v63  }
0x2ce: {  	v3 =	vadd.s32 v1, v3  }
0x2cf: {  	[tilespmem:s29], [sflag:$0x1] =	stream.indirect_vreg.gather [hbm4b:s5+s8], $0x80, v4, vm0, $0xb8;
	[tilespmem:$0x18400] =	vst v63  }
0x2d0: {  	s23 =	simm.s32 $0x1400  }
0x2d1: {  	[tilespmem:s23], [sflag:$0x1] =	stream.indirect_vreg.gather [hbm4b:s7+s8], $0x80, v4, vm0, $0xb8;
	[tilespmem:$0x18400] =	vst v63  }
0x2d2: {  	s26 =	simm.s32 $0x1C00  }
0x2d3: {  	[tilespmem:s26], [sflag:$0x1] =	stream.indirect_vreg.gather [hbm4b:s2+s8], $0x80, v3, vm0, $0xb8;
	[tilespmem:$0x18400] =	vst v63  }
0x2d4: {  	s23 =	simm.s32 $0x2400  }
0x2d5: {  	[tilespmem:s23], [sflag:$0x1] =	stream.indirect_vreg.gather [hbm4b:s5+s8], $0x80, v3, vm0, $0xb8;
	[tilespmem:$0x18400] =	vst v63  }
0x2d6: {  	s26 =	simm.s32 $0x2C00  }
0x2d7: {  	[tilespmem:s26], [sflag:$0x1] =	stream.indirect_vreg.gather [hbm4b:s7+s8], $0x80, v3, vm0, $0xb8;
	[tilespmem:$0x18400] =	vst v63  }
0x2d8: {  	v3 =	vld [tilespmem:$0x190];
	_ =	sdelay $0x4  }
0x2d9: {  	v61 =	vshrl.u32 v3, $0x3  }
0x2da: {  	v4 =	vmul.u32 $0x30, v61  }
0x2db: {  	v3 =	vand.u32 $0x7, v3  }
0x2dc: {  	v3 =	vor.u32 v3, v4  }
0x2dd: {  	v4 =	vperm.xlane v3, v0;
	_ =	sdelay $0x1  }
0x2de: {  	v4 =	vadd.s32 v1, v4;
	_ =	sdelay $0x3  }
0x2df: {  	s23 =	simm.s32 $0x3400;
	v3 =	vperm.xlane v3, v2  }
0x2e0: {  	[tilespmem:s23], [sflag:$0x1] =	stream.indirect_vreg.gather [hbm4b:s2+s8], $0x80, v4, vm0, $0xb8;
	[tilespmem:$0x18400] =	vst v63  }
0x2e1: {  	s26 =	simm.s32 $0x3C00;
	v3 =	vadd.s32 v1, v3  }
0x2e2: {  	[tilespmem:s26], [sflag:$0x1] =	stream.indirect_vreg.gather [hbm4b:s5+s8], $0x80, v4, vm0, $0xb8;
	[tilespmem:$0x18400] =	vst v63  }
0x2e3: {  	s23 =	simm.s32 $0x4400  }
0x2e4: {  	[tilespmem:s23], [sflag:$0x1] =	stream.indirect_vreg.gather [hbm4b:s7+s8], $0x80, v4, vm0, $0xb8;
	[tilespmem:$0x18400] =	vst v63  }
0x2e5: {  	s26 =	simm.s32 $0x4C00  }
0x2e6: {  	[tilespmem:s26], [sflag:$0x1] =	stream.indirect_vreg.gather [hbm4b:s2+s8], $0x80, v3, vm0, $0xb8;
	[tilespmem:$0x18400] =	vst v63  }
0x2e7: {  	s23 =	simm.s32 $0x5400  }
0x2e8: {  	[tilespmem:s23], [sflag:$0x1] =	stream.indirect_vreg.gather [hbm4b:s5+s8], $0x80, v3, vm0, $0xb8;
	[tilespmem:$0x18400] =	vst v63  }
0x2e9: {  	s26 =	simm.s32 $0x5C00  }
0x2ea: {  	[tilespmem:s26], [sflag:$0x1] =	stream.indirect_vreg.gather [hbm4b:s7+s8], $0x80, v3, vm0, $0xb8;
	[tilespmem:$0x18400] =	vst v63  }
0x2eb: {  	v3 =	vld [tilespmem:$0x1A0];
	_ =	sdelay $0x4  }
0x2ec: {  	v62 =	vshrl.u32 v3, $0x3  }
0x2ed: {  	v4 =	vmul.u32 $0x30, v62  }
0x2ee: {  	v3 =	vand.u32 $0x7, v3  }
0x2ef: {  	v3 =	vor.u32 v3, v4  }
0x2f0: {  	v4 =	vperm.xlane v3, v0;
	_ =	sdelay $0x1  }
0x2f1: {  	v4 =	vadd.s32 v1, v4;
	_ =	sdelay $0x3  }
0x2f2: {  	s23 =	simm.s32 $0x6400;
	v3 =	vperm.xlane v3, v2  }
0x2f3: {  	[tilespmem:s23], [sflag:$0x1] =	stream.indirect_vreg.gather [hbm4b:s2+s8], $0x80, v4, vm0, $0xb8;
	[tilespmem:$0x18400] =	vst v63  }
0x2f4: {  	s26 =	simm.s32 $0x6C00;
	v3 =	vadd.s32 v1, v3  }
0x2f5: {  	[tilespmem:s26], [sflag:$0x1] =	stream.indirect_vreg.gather [hbm4b:s5+s8], $0x80, v4, vm0, $0xb8;
	[tilespmem:$0x18400] =	vst v63  }
0x2f6: {  	s23 =	simm.s32 $0x7400  }
0x2f7: {  	[tilespmem:s23], [sflag:$0x1] =	stream.indirect_vreg.gather [hbm4b:s7+s8], $0x80, v4, vm0, $0xb8;
	[tilespmem:$0x18400] =	vst v63  }
0x2f8: {  	s26 =	simm.s32 $0x7C00  }
0x2f9: {  	[tilespmem:s26], [sflag:$0x1] =	stream.indirect_vreg.gather [hbm4b:s2+s8], $0x80, v3, vm0, $0xb8;
	[tilespmem:$0x18400] =	vst v63  }
0x2fa: {  	s23 =	simm.s32 $0x8400  }
0x2fb: {  	[tilespmem:s23], [sflag:$0x1] =	stream.indirect_vreg.gather [hbm4b:s5+s8], $0x80, v3, vm0, $0xb8;
	[tilespmem:$0x18400] =	vst v63  }
0x2fc: {  	s26 =	simm.s32 $0x8C00  }
0x2fd: {  	[tilespmem:s26], [sflag:$0x1] =	stream.indirect_vreg.gather [hbm4b:s7+s8], $0x80, v3, vm0, $0xb8;
	[tilespmem:$0x18400] =	vst v63  }
0x2fe: {  	v3 =	vld [tilespmem:$0x1B0];
	_ =	sdelay $0x4  }
0x2ff: {  	v63 =	vshrl.u32 v3, $0x3  }
0x300: {  	v4 =	vmul.u32 $0x30, v63  }
0x301: {  	v3 =	vand.u32 $0x7, v3  }
0x302: {  	v3 =	vor.u32 v3, v4  }
0x303: {  	v4 =	vperm.xlane v3, v0;
	_ =	sdelay $0x1  }
0x304: {  	v4 =	vadd.s32 v1, v4;
	_ =	sdelay $0x3  }
0x305: {  	s23 =	simm.s32 $0x9400;
	v3 =	vperm.xlane v3, v2  }
0x306: {  	[tilespmem:s23], [sflag:$0x1] =	stream.indirect_vreg.gather [hbm4b:s2+s8], $0x80, v4, vm0, $0xb8;
	[tilespmem:$0x18400] =	vst v63  }
0x307: {  	s26 =	simm.s32 $0x9C00;
	v3 =	vadd.s32 v1, v3  }
0x308: {  	[tilespmem:s26], [sflag:$0x1] =	stream.indirect_vreg.gather [hbm4b:s5+s8], $0x80, v4, vm0, $0xb8;
	[tilespmem:$0x18400] =	vst v63  }
0x309: {  	s23 =	simm.s32 $0xA400  }
0x30a: {  	[tilespmem:s23], [sflag:$0x1] =	stream.indirect_vreg.gather [hbm4b:s7+s8], $0x80, v4, vm0, $0xb8;
	[tilespmem:$0x18400] =	vst v63  }
0x30b: {  	s26 =	simm.s32 $0xAC00  }
0x30c: {  	[tilespmem:s26], [sflag:$0x1] =	stream.indirect_vreg.gather [hbm4b:s2+s8], $0x80, v3, vm0, $0xb8;
	[tilespmem:$0x18400] =	vst v63  }
0x30d: {  	s23 =	simm.s32 $0xB400  }
0x30e: {  	[tilespmem:s23], [sflag:$0x1] =	stream.indirect_vreg.gather [hbm4b:s5+s8], $0x80, v3, vm0, $0xb8;
	[tilespmem:$0x18400] =	vst v63  }
0x30f: {  	s26 =	simm.s32 $0xBC00  }
0x310: {  	[tilespmem:s26], [sflag:$0x1] =	stream.indirect_vreg.gather [hbm4b:s7+s8], $0x80, v3, vm0, $0xb8;
	[tilespmem:$0x18400] =	vst v63  }
0x311: {  	_ =	swait.ge [sflag:s1], $0xC000  }
0x312: {  	[sflag:s1] =	ssyncset.done $0x0  }
0x313: {  	s9 =	simm.s32 $0xC400;
	[sflag:s1] =	ssyncadd.s32 $0xFFFF4000  }
0x314: {  	[hbm4b:s12+s24] =	stream.strided.scatter [tilespmem:s9], [sflag:$0x4], $0x400, s29, s24, $0x38;
	[tilespmem:$0x18400] =	vst v63  }
0x315: {  	s23 =	simm.s32 $0xC800;
	s26 =	sadd.s32 $0x40, s12  }
0x316: {  	[hbm4b:s26+s24] =	stream.strided.scatter [tilespmem:s23], [sflag:$0x4], $0x400, s29, s24, $0x38;
	[tilespmem:$0x18400] =	vst v63  }
0x317: {  	s23 =	simm.s32 $0xCC00;
	s26 =	sadd.s32 $0x80, s12  }
0x318: {  	[hbm4b:s26+s24] =	stream.strided.scatter [tilespmem:s23], [sflag:$0x4], $0x400, s29, s24, $0x38;
	[tilespmem:$0x18400] =	vst v63  }
0x319: {  	s28 =	simm.s32 $0xC000;
	s23 =	simm.s32 $0xD000;
	s26 =	sadd.s32 $0xC0, s12  }
0x31a: {  	[hbm4b:s26+s24] =	stream.strided.scatter [tilespmem:s23], [sflag:$0x4], $0x400, s29, s24, $0x38;
	[tilespmem:$0x18400] =	vst v63  }
0x31b: {  	s30 =	simm.s32 $0xD800;
	s23 =	simm.s32 $0xD400;
	s26 =	sadd.s32 $0x100, s12  }
0x31c: {  	[hbm4b:s26+s24] =	stream.strided.scatter [tilespmem:s23], [sflag:$0x4], $0x400, s29, s24, $0x38;
	[tilespmem:$0x18400] =	vst v63  }
0x31d: {  	s8 =	sadd.s32 $0x140, s12;
	s23 =	simm.s32 $0x1800;
	s26 =	sadd.s32 $0xC00, s12  }
.LBB2_12:
0x31e: {  	[hbm4b:s8+s24] =	stream.strided.scatter [tilespmem:s30], [sflag:$0x4], $0x400, s29, s24, $0x38;
	[tilespmem:$0x18400] =	vst v63  }
0x31f: {  	s8 =	smov.u32 s23;
	s9 =	smov.u32 s28  }
0x320: {  	s23 =	sshra.s32 s9, $0x2;
	s9 =	sadd.s32 $0x6000, s28;
	s30 =	sadd.s32 $0xC400, s8  }
0x321: {  	[hbm4b:s26+s24] =	stream.strided.scatter [tilespmem:s30], [sflag:$0x4], $0x400, s29, s24, $0x38;
	[tilespmem:$0x18400] =	vst v63  }
0x322: {  	p0 =	sne.s32 s28, $0x2A000;
	s28 =	sadd.s32 $0xC800, s8;
	s30 =	sadd.s32 $0x40, s26  }
0x323: {  	[hbm4b:s30+s24] =	stream.strided.scatter [tilespmem:s28], [sflag:$0x4], $0x400, s29, s24, $0x38;
	[tilespmem:$0x18400] =	vst v63  }
0x324: {  	s28 =	sadd.s32 $0xCC00, s8;
	s30 =	sadd.s32 $0x80, s26  }
0x325: {  	[hbm4b:s30+s24] =	stream.strided.scatter [tilespmem:s28], [sflag:$0x4], $0x400, s29, s24, $0x38;
	[tilespmem:$0x18400] =	vst v63  }
0x326: {  	s28 =	sadd.s32 $0xD000, s8;
	s30 =	sadd.s32 $0xC0, s26  }
0x327: {  	[hbm4b:s30+s24] =	stream.strided.scatter [tilespmem:s28], [sflag:$0x4], $0x400, s29, s24, $0x38;
	[tilespmem:$0x18400] =	vst v63  }
.Ltmp5:
0x328: {  	_ = 	snop;
	(pc) =	sbr.rel @p0 .LBB2_12-.Ltmp5, $4  }
0x329: {  	s28 =	sadd.s32 $0xD400, s8;
	s30 =	sadd.s32 $0x100, s26  }
0x32a: {  	[hbm4b:s30+s24] =	stream.strided.scatter [tilespmem:s28], [sflag:$0x4], $0x400, s29, s24, $0x38;
	[tilespmem:$0x18400] =	vst v63  }
0x32b: {  	s30 =	sadd.s32 $0xD800, s8  }
0x32c: {  	s8 =	sadd.s32 $0x140, s26;
	s26 =	sadd.s32 $0xC00, s26;
	s28 =	smov.u32 s9  }
0x32d: {  	[hbm4b:s8+s24] =	stream.strided.scatter [tilespmem:s30], [sflag:$0x4], $0x400, s29, s24, $0x38;
	[tilespmem:$0x18400] =	vst v63  }
0x32e: {  	s9 =	sadd.s32 $0xC400, s23  }
0x32f: {  	[hbm4b:s26+s24] =	stream.strided.scatter [tilespmem:s9], [sflag:$0x4], $0x400, s29, s24, $0x38;
	[tilespmem:$0x18400] =	vst v63  }
0x330: {  	s8 =	sadd.s32 $0xC800, s23;
	s9 =	sadd.s32 $0x40, s26  }
0x331: {  	[hbm4b:s9+s24] =	stream.strided.scatter [tilespmem:s8], [sflag:$0x4], $0x400, s29, s24, $0x38;
	[tilespmem:$0x18400] =	vst v63  }
0x332: {  	s8 =	sadd.s32 $0xCC00, s23;
	s9 =	sadd.s32 $0x80, s26  }
0x333: {  	[hbm4b:s9+s24] =	stream.strided.scatter [tilespmem:s8], [sflag:$0x4], $0x400, s29, s24, $0x38;
	[tilespmem:$0x18400] =	vst v63  }
0x334: {  	s8 =	sadd.s32 $0xD000, s23;
	s9 =	sadd.s32 $0xC0, s26  }
0x335: {  	[hbm4b:s9+s24] =	stream.strided.scatter [tilespmem:s8], [sflag:$0x4], $0x400, s29, s24, $0x38;
	[tilespmem:$0x18400] =	vst v63  }
0x336: {  	s8 =	sadd.s32 $0xD400, s23;
	s9 =	sadd.s32 $0x100, s26  }
0x337: {  	[hbm4b:s9+s24] =	stream.strided.scatter [tilespmem:s8], [sflag:$0x4], $0x400, s29, s24, $0x38;
	[tilespmem:$0x18400] =	vst v63  }
0x338: {  	s23 =	sadd.s32 $0xD800, s23;
	s26 =	sadd.s32 $0x140, s26  }
0x339: {  	[hbm4b:s26+s24] =	stream.strided.scatter [tilespmem:s23], [sflag:$0x4], $0x400, s29, s24, $0x38;
	[tilespmem:$0x18400] =	vst v63  }
0x33a: {  	_ =	swait.ge [sflag:s25], $0xC000  }
0x33b: {  	[sflag:s25] =	ssyncset.done $0x0  }
0x33c: {  	[sflag:s25] =	ssyncadd.s32 $0xFFFF4000  }
0x33d: {  	v3 =	vld [tilespmem:$0x1C0];
	_ =	sdelay $0x4  }
0x33e: {  	v4 =	vshrl.u32 v3, $0x3  }
0x33f: {  	v4 =	vmul.u32 $0x30, v4  }
0x340: {  	v3 =	vand.u32 $0x7, v3  }
0x341: {  	v3 =	vor.u32 v3, v4  }
0x342: {  	v4 =	vperm.xlane v3, v0;
	_ =	sdelay $0x1  }
0x343: {  	v4 =	vadd.s32 v1, v4;
	_ =	sdelay $0x3  }
0x344: {  	s8 =	simm.s32 $0x0;
	s23 =	simm.s32 $0xC400;
	v3 =	vperm.xlane v3, v2  }
0x345: {  	[tilespmem:s23], [sflag:$0x2] =	stream.indirect_vreg.gather [hbm4b:s2+s8], $0x80, v4, vm0, $0xb8;
	[tilespmem:$0x18400] =	vst v63  }
0x346: {  	s26 =	simm.s32 $0xCC00;
	v3 =	vadd.s32 v1, v3  }
0x347: {  	[tilespmem:s26], [sflag:$0x2] =	stream.indirect_vreg.gather [hbm4b:s5+s8], $0x80, v4, vm0, $0xb8;
	[tilespmem:$0x18400] =	vst v63  }
0x348: {  	s23 =	simm.s32 $0xD400  }
0x349: {  	[tilespmem:s23], [sflag:$0x2] =	stream.indirect_vreg.gather [hbm4b:s7+s8], $0x80, v4, vm0, $0xb8;
	[tilespmem:$0x18400] =	vst v63  }
0x34a: {  	s26 =	simm.s32 $0xDC00  }
0x34b: {  	[tilespmem:s26], [sflag:$0x2] =	stream.indirect_vreg.gather [hbm4b:s2+s8], $0x80, v3, vm0, $0xb8;
	[tilespmem:$0x18400] =	vst v63  }
0x34c: {  	s23 =	simm.s32 $0xE400  }
0x34d: {  	[tilespmem:s23], [sflag:$0x2] =	stream.indirect_vreg.gather [hbm4b:s5+s8], $0x80, v3, vm0, $0xb8;
	[tilespmem:$0x18400] =	vst v63  }
0x34e: {  	s26 =	simm.s32 $0xEC00  }
0x34f: {  	[tilespmem:s26], [sflag:$0x2] =	stream.indirect_vreg.gather [hbm4b:s7+s8], $0x80, v3, vm0, $0xb8;
	[tilespmem:$0x18400] =	vst v63  }
0x350: {  	v3 =	vld [tilespmem:$0x1D0];
	_ =	sdelay $0x4  }
0x351: {  	v61 =	vshrl.u32 v3, $0x3  }
0x352: {  	v4 =	vmul.u32 $0x30, v61  }
0x353: {  	v3 =	vand.u32 $0x7, v3  }
0x354: {  	v3 =	vor.u32 v3, v4  }
0x355: {  	v4 =	vperm.xlane v3, v0;
	_ =	sdelay $0x1  }
0x356: {  	v4 =	vadd.s32 v1, v4;
	_ =	sdelay $0x3  }
0x357: {  	s23 =	simm.s32 $0xF400;
	v3 =	vperm.xlane v3, v2  }
0x358: {  	[tilespmem:s23], [sflag:$0x2] =	stream.indirect_vreg.gather [hbm4b:s2+s8], $0x80, v4, vm0, $0xb8;
	[tilespmem:$0x18400] =	vst v63  }
0x359: {  	s26 =	simm.s32 $0xFC00;
	v3 =	vadd.s32 v1, v3  }
0x35a: {  	[tilespmem:s26], [sflag:$0x2] =	stream.indirect_vreg.gather [hbm4b:s5+s8], $0x80, v4, vm0, $0xb8;
	[tilespmem:$0x18400] =	vst v63  }
0x35b: {  	s23 =	simm.s32 $0x10400  }
0x35c: {  	[tilespmem:s23], [sflag:$0x2] =	stream.indirect_vreg.gather [hbm4b:s7+s8], $0x80, v4, vm0, $0xb8;
	[tilespmem:$0x18400] =	vst v63  }
0x35d: {  	s26 =	simm.s32 $0x10C00  }
0x35e: {  	[tilespmem:s26], [sflag:$0x2] =	stream.indirect_vreg.gather [hbm4b:s2+s8], $0x80, v3, vm0, $0xb8;
	[tilespmem:$0x18400] =	vst v63  }
0x35f: {  	s23 =	simm.s32 $0x11400  }
0x360: {  	[tilespmem:s23], [sflag:$0x2] =	stream.indirect_vreg.gather [hbm4b:s5+s8], $0x80, v3, vm0, $0xb8;
	[tilespmem:$0x18400] =	vst v63  }
0x361: {  	s26 =	simm.s32 $0x11C00  }
0x362: {  	[tilespmem:s26], [sflag:$0x2] =	stream.indirect_vreg.gather [hbm4b:s7+s8], $0x80, v3, vm0, $0xb8;
	[tilespmem:$0x18400] =	vst v63  }
0x363: {  	v3 =	vld [tilespmem:$0x1E0];
	_ =	sdelay $0x4  }
0x364: {  	v62 =	vshrl.u32 v3, $0x3  }
0x365: {  	v4 =	vmul.u32 $0x30, v62  }
0x366: {  	v3 =	vand.u32 $0x7, v3  }
0x367: {  	v3 =	vor.u32 v3, v4  }
0x368: {  	v4 =	vperm.xlane v3, v0;
	_ =	sdelay $0x1  }
0x369: {  	v4 =	vadd.s32 v1, v4;
	_ =	sdelay $0x3  }
0x36a: {  	s23 =	simm.s32 $0x12400;
	v3 =	vperm.xlane v3, v2  }
0x36b: {  	[tilespmem:s23], [sflag:$0x2] =	stream.indirect_vreg.gather [hbm4b:s2+s8], $0x80, v4, vm0, $0xb8;
	[tilespmem:$0x18400] =	vst v63  }
0x36c: {  	s26 =	simm.s32 $0x12C00;
	v3 =	vadd.s32 v1, v3  }
0x36d: {  	[tilespmem:s26], [sflag:$0x2] =	stream.indirect_vreg.gather [hbm4b:s5+s8], $0x80, v4, vm0, $0xb8;
	[tilespmem:$0x18400] =	vst v63  }
0x36e: {  	s23 =	simm.s32 $0x13400  }
0x36f: {  	[tilespmem:s23], [sflag:$0x2] =	stream.indirect_vreg.gather [hbm4b:s7+s8], $0x80, v4, vm0, $0xb8;
	[tilespmem:$0x18400] =	vst v63  }
0x370: {  	s26 =	simm.s32 $0x13C00  }
0x371: {  	[tilespmem:s26], [sflag:$0x2] =	stream.indirect_vreg.gather [hbm4b:s2+s8], $0x80, v3, vm0, $0xb8;
	[tilespmem:$0x18400] =	vst v63  }
0x372: {  	s23 =	simm.s32 $0x14400  }
0x373: {  	[tilespmem:s23], [sflag:$0x2] =	stream.indirect_vreg.gather [hbm4b:s5+s8], $0x80, v3, vm0, $0xb8;
	[tilespmem:$0x18400] =	vst v63  }
0x374: {  	s26 =	simm.s32 $0x14C00  }
0x375: {  	[tilespmem:s26], [sflag:$0x2] =	stream.indirect_vreg.gather [hbm4b:s7+s8], $0x80, v3, vm0, $0xb8;
	[tilespmem:$0x18400] =	vst v63  }
0x376: {  	v3 =	vld [tilespmem:$0x1F0];
	_ =	sdelay $0x4  }
0x377: {  	v63 =	vshrl.u32 v3, $0x3  }
0x378: {  	v4 =	vmul.u32 $0x30, v63  }
0x379: {  	v3 =	vand.u32 $0x7, v3  }
0x37a: {  	v3 =	vor.u32 v3, v4  }
0x37b: {  	v4 =	vperm.xlane v3, v0;
	_ =	sdelay $0x1  }
0x37c: {  	v4 =	vadd.s32 v1, v4;
	_ =	sdelay $0x3  }
0x37d: {  	s23 =	simm.s32 $0x15400;
	v3 =	vperm.xlane v3, v2  }
0x37e: {  	[tilespmem:s23], [sflag:$0x2] =	stream.indirect_vreg.gather [hbm4b:s2+s8], $0x80, v4, vm0, $0xb8;
	[tilespmem:$0x18400] =	vst v63  }
0x37f: {  	s26 =	simm.s32 $0x15C00;
	v3 =	vadd.s32 v1, v3  }
0x380: {  	[tilespmem:s26], [sflag:$0x2] =	stream.indirect_vreg.gather [hbm4b:s5+s8], $0x80, v4, vm0, $0xb8;
	[tilespmem:$0x18400] =	vst v63  }
0x381: {  	s23 =	simm.s32 $0x16400  }
0x382: {  	[tilespmem:s23], [sflag:$0x2] =	stream.indirect_vreg.gather [hbm4b:s7+s8], $0x80, v4, vm0, $0xb8;
	[tilespmem:$0x18400] =	vst v63  }
0x383: {  	s26 =	simm.s32 $0x16C00  }
0x384: {  	[tilespmem:s26], [sflag:$0x2] =	stream.indirect_vreg.gather [hbm4b:s2+s8], $0x80, v3, vm0, $0xb8;
	[tilespmem:$0x18400] =	vst v63  }
0x385: {  	s23 =	simm.s32 $0x17400  }
0x386: {  	[tilespmem:s23], [sflag:$0x2] =	stream.indirect_vreg.gather [hbm4b:s5+s8], $0x80, v3, vm0, $0xb8;
	[tilespmem:$0x18400] =	vst v63  }
0x387: {  	s26 =	simm.s32 $0x17C00  }
0x388: {  	[tilespmem:s26], [sflag:$0x2] =	stream.indirect_vreg.gather [hbm4b:s7+s8], $0x80, v3, vm0, $0xb8;
	[tilespmem:$0x18400] =	vst v63  }
0x389: {  	_ =	swait.ge [sflag:s31], $0xC000  }
0x38a: {  	[sflag:s31] =	ssyncset.done $0x0  }
0x38b: {  	s9 =	simm.s32 $0x400;
	[sflag:s31] =	ssyncadd.s32 $0xFFFF4000  }
0x38c: {  	[hbm4b:s13+s24] =	stream.strided.scatter [tilespmem:s9], [sflag:$0x3], $0x400, s29, s24, $0x38;
	[tilespmem:$0x18400] =	vst v63  }
0x38d: {  	s23 =	simm.s32 $0x800;
	s26 =	sadd.s32 $0x40, s13  }
0x38e: {  	[hbm4b:s26+s24] =	stream.strided.scatter [tilespmem:s23], [sflag:$0x3], $0x400, s29, s24, $0x38;
	[tilespmem:$0x18400] =	vst v63  }
0x38f: {  	s23 =	simm.s32 $0xC00;
	s26 =	sadd.s32 $0x80, s13  }
0x390: {  	[hbm4b:s26+s24] =	stream.strided.scatter [tilespmem:s23], [sflag:$0x3], $0x400, s29, s24, $0x38;
	[tilespmem:$0x18400] =	vst v63  }
0x391: {  	s28 =	simm.s32 $0xC000;
	s23 =	simm.s32 $0x1000;
	s26 =	sadd.s32 $0xC0, s13  }
0x392: {  	[hbm4b:s26+s24] =	stream.strided.scatter [tilespmem:s23], [sflag:$0x3], $0x400, s29, s24, $0x38;
	[tilespmem:$0x18400] =	vst v63  }
0x393: {  	s30 =	simm.s32 $0x1800;
	s23 =	simm.s32 $0x1400;
	s26 =	sadd.s32 $0x100, s13  }
0x394: {  	[hbm4b:s26+s24] =	stream.strided.scatter [tilespmem:s23], [sflag:$0x3], $0x400, s29, s24, $0x38;
	[tilespmem:$0x18400] =	vst v63  }
0x395: {  	s8 =	sadd.s32 $0x140, s13;
	s23 =	simm.s32 $0x1800;
	s26 =	sadd.s32 $0xC00, s13  }
.LBB2_14:
0x396: {  	[hbm4b:s8+s24] =	stream.strided.scatter [tilespmem:s30], [sflag:$0x3], $0x400, s29, s24, $0x38;
	[tilespmem:$0x18400] =	vst v63  }
0x397: {  	s8 =	smov.u32 s23;
	s9 =	smov.u32 s28  }
0x398: {  	s23 =	sshra.s32 s9, $0x2;
	s9 =	sadd.s32 $0x6000, s28;
	s30 =	sadd.s32 $0x400, s8  }
0x399: {  	[hbm4b:s26+s24] =	stream.strided.scatter [tilespmem:s30], [sflag:$0x3], $0x400, s29, s24, $0x38;
	[tilespmem:$0x18400] =	vst v63  }
0x39a: {  	p0 =	sne.s32 s28, $0x2A000;
	s28 =	sadd.s32 $0x800, s8;
	s30 =	sadd.s32 $0x40, s26  }
0x39b: {  	[hbm4b:s30+s24] =	stream.strided.scatter [tilespmem:s28], [sflag:$0x3], $0x400, s29, s24, $0x38;
	[tilespmem:$0x18400] =	vst v63  }
0x39c: {  	s28 =	sadd.s32 $0xC00, s8;
	s30 =	sadd.s32 $0x80, s26  }
0x39d: {  	[hbm4b:s30+s24] =	stream.strided.scatter [tilespmem:s28], [sflag:$0x3], $0x400, s29, s24, $0x38;
	[tilespmem:$0x18400] =	vst v63  }
0x39e: {  	s28 =	sadd.s32 $0x1000, s8;
	s30 =	sadd.s32 $0xC0, s26  }
0x39f: {  	[hbm4b:s30+s24] =	stream.strided.scatter [tilespmem:s28], [sflag:$0x3], $0x400, s29, s24, $0x38;
	[tilespmem:$0x18400] =	vst v63  }
.Ltmp6:
0x3a0: {  	_ = 	snop;
	(pc) =	sbr.rel @p0 .LBB2_14-.Ltmp6, $4  }
0x3a1: {  	s28 =	sadd.s32 $0x1400, s8;
	s30 =	sadd.s32 $0x100, s26  }
0x3a2: {  	[hbm4b:s30+s24] =	stream.strided.scatter [tilespmem:s28], [sflag:$0x3], $0x400, s29, s24, $0x38;
	[tilespmem:$0x18400] =	vst v63  }
0x3a3: {  	s30 =	sadd.s32 $0x1800, s8  }
0x3a4: {  	s8 =	sadd.s32 $0x140, s26;
	s26 =	sadd.s32 $0xC00, s26;
	s28 =	smov.u32 s9  }
0x3a5: {  	[hbm4b:s8+s24] =	stream.strided.scatter [tilespmem:s30], [sflag:$0x3], $0x400, s29, s24, $0x38;
	[tilespmem:$0x18400] =	vst v63  }
0x3a6: {  	s9 =	sadd.s32 $0x400, s23  }
0x3a7: {  	[hbm4b:s26+s24] =	stream.strided.scatter [tilespmem:s9], [sflag:$0x3], $0x400, s29, s24, $0x38;
	[tilespmem:$0x18400] =	vst v63  }
0x3a8: {  	s8 =	sadd.s32 $0x800, s23;
	s9 =	sadd.s32 $0x40, s26  }
0x3a9: {  	[hbm4b:s9+s24] =	stream.strided.scatter [tilespmem:s8], [sflag:$0x3], $0x400, s29, s24, $0x38;
	[tilespmem:$0x18400] =	vst v63  }
0x3aa: {  	s8 =	sadd.s32 $0xC00, s23;
	s9 =	sadd.s32 $0x80, s26  }
0x3ab: {  	[hbm4b:s9+s24] =	stream.strided.scatter [tilespmem:s8], [sflag:$0x3], $0x400, s29, s24, $0x38;
	[tilespmem:$0x18400] =	vst v63  }
0x3ac: {  	s8 =	sadd.s32 $0x1000, s23;
	s9 =	sadd.s32 $0xC0, s26  }
0x3ad: {  	[hbm4b:s9+s24] =	stream.strided.scatter [tilespmem:s8], [sflag:$0x3], $0x400, s29, s24, $0x38;
	[tilespmem:$0x18400] =	vst v63  }
0x3ae: {  	s8 =	sadd.s32 $0x1400, s23;
	s9 =	sadd.s32 $0x100, s26  }
0x3af: {  	[hbm4b:s9+s24] =	stream.strided.scatter [tilespmem:s8], [sflag:$0x3], $0x400, s29, s24, $0x38;
	[tilespmem:$0x18400] =	vst v63  }
0x3b0: {  	s9 =	sadd.s32 $0x1800, s23;
	s23 =	sadd.s32 $0x140, s26  }
0x3b1: {  	[hbm4b:s23+s24] =	stream.strided.scatter [tilespmem:s9], [sflag:$0x3], $0x400, s29, s24, $0x38;
	[tilespmem:$0x18400] =	vst v63  }
0x3b2: {  	_ =	swait.ge [sflag:s0], $0xC000  }
0x3b3: {  	[sflag:s0] =	ssyncset.done $0x0  }
0x3b4: {  	[sflag:s0] =	ssyncadd.s32 $0xFFFF4000  }
0x3b5: {  	v3 =	vld [tilespmem:$0x200];
	_ =	sdelay $0x4  }
0x3b6: {  	v4 =	vshrl.u32 v3, $0x3  }
0x3b7: {  	v4 =	vmul.u32 $0x30, v4  }
0x3b8: {  	v3 =	vand.u32 $0x7, v3  }
0x3b9: {  	v3 =	vor.u32 v3, v4  }
0x3ba: {  	v4 =	vperm.xlane v3, v0;
	_ =	sdelay $0x1  }
0x3bb: {  	v4 =	vadd.s32 v1, v4;
	_ =	sdelay $0x3  }
0x3bc: {  	s8 =	simm.s32 $0x0;
	s26 =	simm.s32 $0x400;
	v3 =	vperm.xlane v3, v2  }
0x3bd: {  	[tilespmem:s26], [sflag:$0x1] =	stream.indirect_vreg.gather [hbm4b:s2+s8], $0x80, v4, vm0, $0xb8;
	[tilespmem:$0x18400] =	vst v63  }
0x3be: {  	v3 =	vadd.s32 v1, v3  }
0x3bf: {  	[tilespmem:s29], [sflag:$0x1] =	stream.indirect_vreg.gather [hbm4b:s5+s8], $0x80, v4, vm0, $0xb8;
	[tilespmem:$0x18400] =	vst v63  }
0x3c0: {  	s23 =	simm.s32 $0x1400  }
0x3c1: {  	[tilespmem:s23], [sflag:$0x1] =	stream.indirect_vreg.gather [hbm4b:s7+s8], $0x80, v4, vm0, $0xb8;
	[tilespmem:$0x18400] =	vst v63  }
0x3c2: {  	s26 =	simm.s32 $0x1C00  }
0x3c3: {  	[tilespmem:s26], [sflag:$0x1] =	stream.indirect_vreg.gather [hbm4b:s2+s8], $0x80, v3, vm0, $0xb8;
	[tilespmem:$0x18400] =	vst v63  }
0x3c4: {  	s23 =	simm.s32 $0x2400  }
0x3c5: {  	[tilespmem:s23], [sflag:$0x1] =	stream.indirect_vreg.gather [hbm4b:s5+s8], $0x80, v3, vm0, $0xb8;
	[tilespmem:$0x18400] =	vst v63  }
0x3c6: {  	s26 =	simm.s32 $0x2C00  }
0x3c7: {  	[tilespmem:s26], [sflag:$0x1] =	stream.indirect_vreg.gather [hbm4b:s7+s8], $0x80, v3, vm0, $0xb8;
	[tilespmem:$0x18400] =	vst v63  }
0x3c8: {  	v3 =	vld [tilespmem:$0x210];
	_ =	sdelay $0x4  }
0x3c9: {  	v61 =	vshrl.u32 v3, $0x3  }
0x3ca: {  	v4 =	vmul.u32 $0x30, v61  }
0x3cb: {  	v3 =	vand.u32 $0x7, v3  }
0x3cc: {  	v3 =	vor.u32 v3, v4  }
0x3cd: {  	v4 =	vperm.xlane v3, v0;
	_ =	sdelay $0x1  }
0x3ce: {  	v4 =	vadd.s32 v1, v4;
	_ =	sdelay $0x3  }
0x3cf: {  	s23 =	simm.s32 $0x3400;
	v3 =	vperm.xlane v3, v2  }
0x3d0: {  	[tilespmem:s23], [sflag:$0x1] =	stream.indirect_vreg.gather [hbm4b:s2+s8], $0x80, v4, vm0, $0xb8;
	[tilespmem:$0x18400] =	vst v63  }
0x3d1: {  	s26 =	simm.s32 $0x3C00;
	v3 =	vadd.s32 v1, v3  }
0x3d2: {  	[tilespmem:s26], [sflag:$0x1] =	stream.indirect_vreg.gather [hbm4b:s5+s8], $0x80, v4, vm0, $0xb8;
	[tilespmem:$0x18400] =	vst v63  }
0x3d3: {  	s23 =	simm.s32 $0x4400  }
0x3d4: {  	[tilespmem:s23], [sflag:$0x1] =	stream.indirect_vreg.gather [hbm4b:s7+s8], $0x80, v4, vm0, $0xb8;
	[tilespmem:$0x18400] =	vst v63  }
0x3d5: {  	s26 =	simm.s32 $0x4C00  }
0x3d6: {  	[tilespmem:s26], [sflag:$0x1] =	stream.indirect_vreg.gather [hbm4b:s2+s8], $0x80, v3, vm0, $0xb8;
	[tilespmem:$0x18400] =	vst v63  }
0x3d7: {  	s23 =	simm.s32 $0x5400  }
0x3d8: {  	[tilespmem:s23], [sflag:$0x1] =	stream.indirect_vreg.gather [hbm4b:s5+s8], $0x80, v3, vm0, $0xb8;
	[tilespmem:$0x18400] =	vst v63  }
0x3d9: {  	s26 =	simm.s32 $0x5C00  }
0x3da: {  	[tilespmem:s26], [sflag:$0x1] =	stream.indirect_vreg.gather [hbm4b:s7+s8], $0x80, v3, vm0, $0xb8;
	[tilespmem:$0x18400] =	vst v63  }
0x3db: {  	v3 =	vld [tilespmem:$0x220];
	_ =	sdelay $0x4  }
0x3dc: {  	v62 =	vshrl.u32 v3, $0x3  }
0x3dd: {  	v4 =	vmul.u32 $0x30, v62  }
0x3de: {  	v3 =	vand.u32 $0x7, v3  }
0x3df: {  	v3 =	vor.u32 v3, v4  }
0x3e0: {  	v4 =	vperm.xlane v3, v0;
	_ =	sdelay $0x1  }
0x3e1: {  	v4 =	vadd.s32 v1, v4;
	_ =	sdelay $0x3  }
0x3e2: {  	s23 =	simm.s32 $0x6400;
	v3 =	vperm.xlane v3, v2  }
0x3e3: {  	[tilespmem:s23], [sflag:$0x1] =	stream.indirect_vreg.gather [hbm4b:s2+s8], $0x80, v4, vm0, $0xb8;
	[tilespmem:$0x18400] =	vst v63  }
0x3e4: {  	s26 =	simm.s32 $0x6C00;
	v3 =	vadd.s32 v1, v3  }
0x3e5: {  	[tilespmem:s26], [sflag:$0x1] =	stream.indirect_vreg.gather [hbm4b:s5+s8], $0x80, v4, vm0, $0xb8;
	[tilespmem:$0x18400] =	vst v63  }
0x3e6: {  	s23 =	simm.s32 $0x7400  }
0x3e7: {  	[tilespmem:s23], [sflag:$0x1] =	stream.indirect_vreg.gather [hbm4b:s7+s8], $0x80, v4, vm0, $0xb8;
	[tilespmem:$0x18400] =	vst v63  }
0x3e8: {  	s26 =	simm.s32 $0x7C00  }
0x3e9: {  	[tilespmem:s26], [sflag:$0x1] =	stream.indirect_vreg.gather [hbm4b:s2+s8], $0x80, v3, vm0, $0xb8;
	[tilespmem:$0x18400] =	vst v63  }
0x3ea: {  	s23 =	simm.s32 $0x8400  }
0x3eb: {  	[tilespmem:s23], [sflag:$0x1] =	stream.indirect_vreg.gather [hbm4b:s5+s8], $0x80, v3, vm0, $0xb8;
	[tilespmem:$0x18400] =	vst v63  }
0x3ec: {  	s26 =	simm.s32 $0x8C00  }
0x3ed: {  	[tilespmem:s26], [sflag:$0x1] =	stream.indirect_vreg.gather [hbm4b:s7+s8], $0x80, v3, vm0, $0xb8;
	[tilespmem:$0x18400] =	vst v63  }
0x3ee: {  	v3 =	vld [tilespmem:$0x230];
	_ =	sdelay $0x4  }
0x3ef: {  	v63 =	vshrl.u32 v3, $0x3  }
0x3f0: {  	v4 =	vmul.u32 $0x30, v63  }
0x3f1: {  	v3 =	vand.u32 $0x7, v3  }
0x3f2: {  	v3 =	vor.u32 v3, v4  }
0x3f3: {  	v4 =	vperm.xlane v3, v0;
	_ =	sdelay $0x1  }
0x3f4: {  	v4 =	vadd.s32 v1, v4;
	_ =	sdelay $0x3  }
0x3f5: {  	s23 =	simm.s32 $0x9400;
	v3 =	vperm.xlane v3, v2  }
0x3f6: {  	[tilespmem:s23], [sflag:$0x1] =	stream.indirect_vreg.gather [hbm4b:s2+s8], $0x80, v4, vm0, $0xb8;
	[tilespmem:$0x18400] =	vst v63  }
0x3f7: {  	s26 =	simm.s32 $0x9C00;
	v3 =	vadd.s32 v1, v3  }
0x3f8: {  	[tilespmem:s26], [sflag:$0x1] =	stream.indirect_vreg.gather [hbm4b:s5+s8], $0x80, v4, vm0, $0xb8;
	[tilespmem:$0x18400] =	vst v63  }
0x3f9: {  	s23 =	simm.s32 $0xA400  }
0x3fa: {  	[tilespmem:s23], [sflag:$0x1] =	stream.indirect_vreg.gather [hbm4b:s7+s8], $0x80, v4, vm0, $0xb8;
	[tilespmem:$0x18400] =	vst v63  }
0x3fb: {  	s26 =	simm.s32 $0xAC00  }
0x3fc: {  	[tilespmem:s26], [sflag:$0x1] =	stream.indirect_vreg.gather [hbm4b:s2+s8], $0x80, v3, vm0, $0xb8;
	[tilespmem:$0x18400] =	vst v63  }
0x3fd: {  	s23 =	simm.s32 $0xB400  }
0x3fe: {  	[tilespmem:s23], [sflag:$0x1] =	stream.indirect_vreg.gather [hbm4b:s5+s8], $0x80, v3, vm0, $0xb8;
	[tilespmem:$0x18400] =	vst v63  }
0x3ff: {  	s26 =	simm.s32 $0xBC00  }
0x400: {  	[tilespmem:s26], [sflag:$0x1] =	stream.indirect_vreg.gather [hbm4b:s7+s8], $0x80, v3, vm0, $0xb8;
	[tilespmem:$0x18400] =	vst v63  }
0x401: {  	_ =	swait.ge [sflag:s1], $0xC000  }
0x402: {  	[sflag:s1] =	ssyncset.done $0x0  }
0x403: {  	s9 =	simm.s32 $0xC400;
	[sflag:s1] =	ssyncadd.s32 $0xFFFF4000  }
0x404: {  	[hbm4b:s14+s24] =	stream.strided.scatter [tilespmem:s9], [sflag:$0x4], $0x400, s29, s24, $0x38;
	[tilespmem:$0x18400] =	vst v63  }
0x405: {  	s23 =	simm.s32 $0xC800;
	s26 =	sadd.s32 $0x40, s14  }
0x406: {  	[hbm4b:s26+s24] =	stream.strided.scatter [tilespmem:s23], [sflag:$0x4], $0x400, s29, s24, $0x38;
	[tilespmem:$0x18400] =	vst v63  }
0x407: {  	s23 =	simm.s32 $0xCC00;
	s26 =	sadd.s32 $0x80, s14  }
0x408: {  	[hbm4b:s26+s24] =	stream.strided.scatter [tilespmem:s23], [sflag:$0x4], $0x400, s29, s24, $0x38;
	[tilespmem:$0x18400] =	vst v63  }
0x409: {  	s28 =	simm.s32 $0xC000;
	s23 =	simm.s32 $0xD000;
	s26 =	sadd.s32 $0xC0, s14  }
0x40a: {  	[hbm4b:s26+s24] =	stream.strided.scatter [tilespmem:s23], [sflag:$0x4], $0x400, s29, s24, $0x38;
	[tilespmem:$0x18400] =	vst v63  }
0x40b: {  	s30 =	simm.s32 $0xD800;
	s23 =	simm.s32 $0xD400;
	s26 =	sadd.s32 $0x100, s14  }
0x40c: {  	[hbm4b:s26+s24] =	stream.strided.scatter [tilespmem:s23], [sflag:$0x4], $0x400, s29, s24, $0x38;
	[tilespmem:$0x18400] =	vst v63  }
0x40d: {  	s8 =	sadd.s32 $0x140, s14;
	s23 =	simm.s32 $0x1800;
	s26 =	sadd.s32 $0xC00, s14  }
.LBB2_16:
0x40e: {  	[hbm4b:s8+s24] =	stream.strided.scatter [tilespmem:s30], [sflag:$0x4], $0x400, s29, s24, $0x38;
	[tilespmem:$0x18400] =	vst v63  }
0x40f: {  	s8 =	smov.u32 s23;
	s9 =	smov.u32 s28  }
0x410: {  	s23 =	sshra.s32 s9, $0x2;
	s9 =	sadd.s32 $0x6000, s28;
	s30 =	sadd.s32 $0xC400, s8  }
0x411: {  	[hbm4b:s26+s24] =	stream.strided.scatter [tilespmem:s30], [sflag:$0x4], $0x400, s29, s24, $0x38;
	[tilespmem:$0x18400] =	vst v63  }
0x412: {  	p0 =	sne.s32 s28, $0x2A000;
	s28 =	sadd.s32 $0xC800, s8;
	s30 =	sadd.s32 $0x40, s26  }
0x413: {  	[hbm4b:s30+s24] =	stream.strided.scatter [tilespmem:s28], [sflag:$0x4], $0x400, s29, s24, $0x38;
	[tilespmem:$0x18400] =	vst v63  }
0x414: {  	s28 =	sadd.s32 $0xCC00, s8;
	s30 =	sadd.s32 $0x80, s26  }
0x415: {  	[hbm4b:s30+s24] =	stream.strided.scatter [tilespmem:s28], [sflag:$0x4], $0x400, s29, s24, $0x38;
	[tilespmem:$0x18400] =	vst v63  }
0x416: {  	s28 =	sadd.s32 $0xD000, s8;
	s30 =	sadd.s32 $0xC0, s26  }
0x417: {  	[hbm4b:s30+s24] =	stream.strided.scatter [tilespmem:s28], [sflag:$0x4], $0x400, s29, s24, $0x38;
	[tilespmem:$0x18400] =	vst v63  }
.Ltmp7:
0x418: {  	_ = 	snop;
	(pc) =	sbr.rel @p0 .LBB2_16-.Ltmp7, $4  }
0x419: {  	s28 =	sadd.s32 $0xD400, s8;
	s30 =	sadd.s32 $0x100, s26  }
0x41a: {  	[hbm4b:s30+s24] =	stream.strided.scatter [tilespmem:s28], [sflag:$0x4], $0x400, s29, s24, $0x38;
	[tilespmem:$0x18400] =	vst v63  }
0x41b: {  	s30 =	sadd.s32 $0xD800, s8  }
0x41c: {  	s8 =	sadd.s32 $0x140, s26;
	s26 =	sadd.s32 $0xC00, s26;
	s28 =	smov.u32 s9  }
0x41d: {  	[hbm4b:s8+s24] =	stream.strided.scatter [tilespmem:s30], [sflag:$0x4], $0x400, s29, s24, $0x38;
	[tilespmem:$0x18400] =	vst v63  }
0x41e: {  	s9 =	sadd.s32 $0xC400, s23  }
0x41f: {  	[hbm4b:s26+s24] =	stream.strided.scatter [tilespmem:s9], [sflag:$0x4], $0x400, s29, s24, $0x38;
	[tilespmem:$0x18400] =	vst v63  }
0x420: {  	s8 =	sadd.s32 $0xC800, s23;
	s9 =	sadd.s32 $0x40, s26  }
0x421: {  	[hbm4b:s9+s24] =	stream.strided.scatter [tilespmem:s8], [sflag:$0x4], $0x400, s29, s24, $0x38;
	[tilespmem:$0x18400] =	vst v63  }
0x422: {  	s8 =	sadd.s32 $0xCC00, s23;
	s9 =	sadd.s32 $0x80, s26  }
0x423: {  	[hbm4b:s9+s24] =	stream.strided.scatter [tilespmem:s8], [sflag:$0x4], $0x400, s29, s24, $0x38;
	[tilespmem:$0x18400] =	vst v63  }
0x424: {  	s8 =	sadd.s32 $0xD000, s23;
	s9 =	sadd.s32 $0xC0, s26  }
0x425: {  	[hbm4b:s9+s24] =	stream.strided.scatter [tilespmem:s8], [sflag:$0x4], $0x400, s29, s24, $0x38;
	[tilespmem:$0x18400] =	vst v63  }
0x426: {  	s8 =	sadd.s32 $0xD400, s23;
	s9 =	sadd.s32 $0x100, s26  }
0x427: {  	[hbm4b:s9+s24] =	stream.strided.scatter [tilespmem:s8], [sflag:$0x4], $0x400, s29, s24, $0x38;
	[tilespmem:$0x18400] =	vst v63  }
0x428: {  	s23 =	sadd.s32 $0xD800, s23;
	s26 =	sadd.s32 $0x140, s26  }
0x429: {  	[hbm4b:s26+s24] =	stream.strided.scatter [tilespmem:s23], [sflag:$0x4], $0x400, s29, s24, $0x38;
	[tilespmem:$0x18400] =	vst v63  }
0x42a: {  	_ =	swait.ge [sflag:s25], $0xC000  }
0x42b: {  	[sflag:s25] =	ssyncset.done $0x0  }
0x42c: {  	[sflag:s25] =	ssyncadd.s32 $0xFFFF4000  }
0x42d: {  	v3 =	vld [tilespmem:$0x240];
	_ =	sdelay $0x4  }
0x42e: {  	v4 =	vshrl.u32 v3, $0x3  }
0x42f: {  	v4 =	vmul.u32 $0x30, v4  }
0x430: {  	v3 =	vand.u32 $0x7, v3  }
0x431: {  	v3 =	vor.u32 v3, v4  }
0x432: {  	v4 =	vperm.xlane v3, v0;
	_ =	sdelay $0x1  }
0x433: {  	v4 =	vadd.s32 v1, v4;
	_ =	sdelay $0x3  }
0x434: {  	s8 =	simm.s32 $0x0;
	s23 =	simm.s32 $0xC400;
	v3 =	vperm.xlane v3, v2  }
0x435: {  	[tilespmem:s23], [sflag:$0x2] =	stream.indirect_vreg.gather [hbm4b:s2+s8], $0x80, v4, vm0, $0xb8;
	[tilespmem:$0x18400] =	vst v63  }
0x436: {  	s26 =	simm.s32 $0xCC00;
	v3 =	vadd.s32 v1, v3  }
0x437: {  	[tilespmem:s26], [sflag:$0x2] =	stream.indirect_vreg.gather [hbm4b:s5+s8], $0x80, v4, vm0, $0xb8;
	[tilespmem:$0x18400] =	vst v63  }
0x438: {  	s23 =	simm.s32 $0xD400  }
0x439: {  	[tilespmem:s23], [sflag:$0x2] =	stream.indirect_vreg.gather [hbm4b:s7+s8], $0x80, v4, vm0, $0xb8;
	[tilespmem:$0x18400] =	vst v63  }
0x43a: {  	s26 =	simm.s32 $0xDC00  }
0x43b: {  	[tilespmem:s26], [sflag:$0x2] =	stream.indirect_vreg.gather [hbm4b:s2+s8], $0x80, v3, vm0, $0xb8;
	[tilespmem:$0x18400] =	vst v63  }
0x43c: {  	s23 =	simm.s32 $0xE400  }
0x43d: {  	[tilespmem:s23], [sflag:$0x2] =	stream.indirect_vreg.gather [hbm4b:s5+s8], $0x80, v3, vm0, $0xb8;
	[tilespmem:$0x18400] =	vst v63  }
0x43e: {  	s26 =	simm.s32 $0xEC00  }
0x43f: {  	[tilespmem:s26], [sflag:$0x2] =	stream.indirect_vreg.gather [hbm4b:s7+s8], $0x80, v3, vm0, $0xb8;
	[tilespmem:$0x18400] =	vst v63  }
0x440: {  	v3 =	vld [tilespmem:$0x250];
	_ =	sdelay $0x4  }
0x441: {  	v61 =	vshrl.u32 v3, $0x3  }
0x442: {  	v4 =	vmul.u32 $0x30, v61  }
0x443: {  	v3 =	vand.u32 $0x7, v3  }
0x444: {  	v3 =	vor.u32 v3, v4  }
0x445: {  	v4 =	vperm.xlane v3, v0;
	_ =	sdelay $0x1  }
0x446: {  	v4 =	vadd.s32 v1, v4;
	_ =	sdelay $0x3  }
0x447: {  	s23 =	simm.s32 $0xF400;
	v3 =	vperm.xlane v3, v2  }
0x448: {  	[tilespmem:s23], [sflag:$0x2] =	stream.indirect_vreg.gather [hbm4b:s2+s8], $0x80, v4, vm0, $0xb8;
	[tilespmem:$0x18400] =	vst v63  }
0x449: {  	s26 =	simm.s32 $0xFC00;
	v3 =	vadd.s32 v1, v3  }
0x44a: {  	[tilespmem:s26], [sflag:$0x2] =	stream.indirect_vreg.gather [hbm4b:s5+s8], $0x80, v4, vm0, $0xb8;
	[tilespmem:$0x18400] =	vst v63  }
0x44b: {  	s23 =	simm.s32 $0x10400  }
0x44c: {  	[tilespmem:s23], [sflag:$0x2] =	stream.indirect_vreg.gather [hbm4b:s7+s8], $0x80, v4, vm0, $0xb8;
	[tilespmem:$0x18400] =	vst v63  }
0x44d: {  	s26 =	simm.s32 $0x10C00  }
0x44e: {  	[tilespmem:s26], [sflag:$0x2] =	stream.indirect_vreg.gather [hbm4b:s2+s8], $0x80, v3, vm0, $0xb8;
	[tilespmem:$0x18400] =	vst v63  }
0x44f: {  	s23 =	simm.s32 $0x11400  }
0x450: {  	[tilespmem:s23], [sflag:$0x2] =	stream.indirect_vreg.gather [hbm4b:s5+s8], $0x80, v3, vm0, $0xb8;
	[tilespmem:$0x18400] =	vst v63  }
0x451: {  	s26 =	simm.s32 $0x11C00  }
0x452: {  	[tilespmem:s26], [sflag:$0x2] =	stream.indirect_vreg.gather [hbm4b:s7+s8], $0x80, v3, vm0, $0xb8;
	[tilespmem:$0x18400] =	vst v63  }
0x453: {  	v3 =	vld [tilespmem:$0x260];
	_ =	sdelay $0x4  }
0x454: {  	v62 =	vshrl.u32 v3, $0x3  }
0x455: {  	v4 =	vmul.u32 $0x30, v62  }
0x456: {  	v3 =	vand.u32 $0x7, v3  }
0x457: {  	v3 =	vor.u32 v3, v4  }
0x458: {  	v4 =	vperm.xlane v3, v0;
	_ =	sdelay $0x1  }
0x459: {  	v4 =	vadd.s32 v1, v4;
	_ =	sdelay $0x3  }
0x45a: {  	s23 =	simm.s32 $0x12400;
	v3 =	vperm.xlane v3, v2  }
0x45b: {  	[tilespmem:s23], [sflag:$0x2] =	stream.indirect_vreg.gather [hbm4b:s2+s8], $0x80, v4, vm0, $0xb8;
	[tilespmem:$0x18400] =	vst v63  }
0x45c: {  	s26 =	simm.s32 $0x12C00;
	v3 =	vadd.s32 v1, v3  }
0x45d: {  	[tilespmem:s26], [sflag:$0x2] =	stream.indirect_vreg.gather [hbm4b:s5+s8], $0x80, v4, vm0, $0xb8;
	[tilespmem:$0x18400] =	vst v63  }
0x45e: {  	s23 =	simm.s32 $0x13400  }
0x45f: {  	[tilespmem:s23], [sflag:$0x2] =	stream.indirect_vreg.gather [hbm4b:s7+s8], $0x80, v4, vm0, $0xb8;
	[tilespmem:$0x18400] =	vst v63  }
0x460: {  	s26 =	simm.s32 $0x13C00  }
0x461: {  	[tilespmem:s26], [sflag:$0x2] =	stream.indirect_vreg.gather [hbm4b:s2+s8], $0x80, v3, vm0, $0xb8;
	[tilespmem:$0x18400] =	vst v63  }
0x462: {  	s23 =	simm.s32 $0x14400  }
0x463: {  	[tilespmem:s23], [sflag:$0x2] =	stream.indirect_vreg.gather [hbm4b:s5+s8], $0x80, v3, vm0, $0xb8;
	[tilespmem:$0x18400] =	vst v63  }
0x464: {  	s26 =	simm.s32 $0x14C00  }
0x465: {  	[tilespmem:s26], [sflag:$0x2] =	stream.indirect_vreg.gather [hbm4b:s7+s8], $0x80, v3, vm0, $0xb8;
	[tilespmem:$0x18400] =	vst v63  }
0x466: {  	v3 =	vld [tilespmem:$0x270];
	_ =	sdelay $0x4  }
0x467: {  	v63 =	vshrl.u32 v3, $0x3  }
0x468: {  	v4 =	vmul.u32 $0x30, v63  }
0x469: {  	v3 =	vand.u32 $0x7, v3  }
0x46a: {  	v3 =	vor.u32 v3, v4  }
0x46b: {  	v4 =	vperm.xlane v3, v0;
	_ =	sdelay $0x1  }
0x46c: {  	v4 =	vadd.s32 v1, v4;
	_ =	sdelay $0x3  }
0x46d: {  	s23 =	simm.s32 $0x15400;
	v3 =	vperm.xlane v3, v2  }
0x46e: {  	[tilespmem:s23], [sflag:$0x2] =	stream.indirect_vreg.gather [hbm4b:s2+s8], $0x80, v4, vm0, $0xb8;
	[tilespmem:$0x18400] =	vst v63  }
0x46f: {  	s26 =	simm.s32 $0x15C00;
	v3 =	vadd.s32 v1, v3  }
0x470: {  	[tilespmem:s26], [sflag:$0x2] =	stream.indirect_vreg.gather [hbm4b:s5+s8], $0x80, v4, vm0, $0xb8;
	[tilespmem:$0x18400] =	vst v63  }
0x471: {  	s23 =	simm.s32 $0x16400  }
0x472: {  	[tilespmem:s23], [sflag:$0x2] =	stream.indirect_vreg.gather [hbm4b:s7+s8], $0x80, v4, vm0, $0xb8;
	[tilespmem:$0x18400] =	vst v63  }
0x473: {  	s26 =	simm.s32 $0x16C00  }
0x474: {  	[tilespmem:s26], [sflag:$0x2] =	stream.indirect_vreg.gather [hbm4b:s2+s8], $0x80, v3, vm0, $0xb8;
	[tilespmem:$0x18400] =	vst v63  }
0x475: {  	s23 =	simm.s32 $0x17400  }
0x476: {  	[tilespmem:s23], [sflag:$0x2] =	stream.indirect_vreg.gather [hbm4b:s5+s8], $0x80, v3, vm0, $0xb8;
	[tilespmem:$0x18400] =	vst v63  }
0x477: {  	s26 =	simm.s32 $0x17C00  }
0x478: {  	[tilespmem:s26], [sflag:$0x2] =	stream.indirect_vreg.gather [hbm4b:s7+s8], $0x80, v3, vm0, $0xb8;
	[tilespmem:$0x18400] =	vst v63  }
0x479: {  	_ =	swait.ge [sflag:s31], $0xC000  }
0x47a: {  	[sflag:s31] =	ssyncset.done $0x0  }
0x47b: {  	s9 =	simm.s32 $0x400;
	[sflag:s31] =	ssyncadd.s32 $0xFFFF4000  }
0x47c: {  	[hbm4b:s15+s24] =	stream.strided.scatter [tilespmem:s9], [sflag:$0x3], $0x400, s29, s24, $0x38;
	[tilespmem:$0x18400] =	vst v63  }
0x47d: {  	s23 =	simm.s32 $0x800;
	s26 =	sadd.s32 $0x40, s15  }
0x47e: {  	[hbm4b:s26+s24] =	stream.strided.scatter [tilespmem:s23], [sflag:$0x3], $0x400, s29, s24, $0x38;
	[tilespmem:$0x18400] =	vst v63  }
0x47f: {  	s23 =	simm.s32 $0xC00;
	s26 =	sadd.s32 $0x80, s15  }
0x480: {  	[hbm4b:s26+s24] =	stream.strided.scatter [tilespmem:s23], [sflag:$0x3], $0x400, s29, s24, $0x38;
	[tilespmem:$0x18400] =	vst v63  }
0x481: {  	s28 =	simm.s32 $0xC000;
	s23 =	simm.s32 $0x1000;
	s26 =	sadd.s32 $0xC0, s15  }
0x482: {  	[hbm4b:s26+s24] =	stream.strided.scatter [tilespmem:s23], [sflag:$0x3], $0x400, s29, s24, $0x38;
	[tilespmem:$0x18400] =	vst v63  }
0x483: {  	s30 =	simm.s32 $0x1800;
	s23 =	simm.s32 $0x1400;
	s26 =	sadd.s32 $0x100, s15  }
0x484: {  	[hbm4b:s26+s24] =	stream.strided.scatter [tilespmem:s23], [sflag:$0x3], $0x400, s29, s24, $0x38;
	[tilespmem:$0x18400] =	vst v63  }
0x485: {  	s8 =	sadd.s32 $0x140, s15;
	s23 =	simm.s32 $0x1800;
	s26 =	sadd.s32 $0xC00, s15  }
.LBB2_18:
0x486: {  	[hbm4b:s8+s24] =	stream.strided.scatter [tilespmem:s30], [sflag:$0x3], $0x400, s29, s24, $0x38;
	[tilespmem:$0x18400] =	vst v63  }
0x487: {  	s8 =	smov.u32 s23;
	s9 =	smov.u32 s28  }
0x488: {  	s23 =	sshra.s32 s9, $0x2;
	s9 =	sadd.s32 $0x6000, s28;
	s30 =	sadd.s32 $0x400, s8  }
0x489: {  	[hbm4b:s26+s24] =	stream.strided.scatter [tilespmem:s30], [sflag:$0x3], $0x400, s29, s24, $0x38;
	[tilespmem:$0x18400] =	vst v63  }
0x48a: {  	p0 =	sne.s32 s28, $0x2A000;
	s28 =	sadd.s32 $0x800, s8;
	s30 =	sadd.s32 $0x40, s26  }
0x48b: {  	[hbm4b:s30+s24] =	stream.strided.scatter [tilespmem:s28], [sflag:$0x3], $0x400, s29, s24, $0x38;
	[tilespmem:$0x18400] =	vst v63  }
0x48c: {  	s28 =	sadd.s32 $0xC00, s8;
	s30 =	sadd.s32 $0x80, s26  }
0x48d: {  	[hbm4b:s30+s24] =	stream.strided.scatter [tilespmem:s28], [sflag:$0x3], $0x400, s29, s24, $0x38;
	[tilespmem:$0x18400] =	vst v63  }
0x48e: {  	s28 =	sadd.s32 $0x1000, s8;
	s30 =	sadd.s32 $0xC0, s26  }
0x48f: {  	[hbm4b:s30+s24] =	stream.strided.scatter [tilespmem:s28], [sflag:$0x3], $0x400, s29, s24, $0x38;
	[tilespmem:$0x18400] =	vst v63  }
.Ltmp8:
0x490: {  	_ = 	snop;
	(pc) =	sbr.rel @p0 .LBB2_18-.Ltmp8, $4  }
0x491: {  	s28 =	sadd.s32 $0x1400, s8;
	s30 =	sadd.s32 $0x100, s26  }
0x492: {  	[hbm4b:s30+s24] =	stream.strided.scatter [tilespmem:s28], [sflag:$0x3], $0x400, s29, s24, $0x38;
	[tilespmem:$0x18400] =	vst v63  }
0x493: {  	s30 =	sadd.s32 $0x1800, s8  }
0x494: {  	s8 =	sadd.s32 $0x140, s26;
	s26 =	sadd.s32 $0xC00, s26;
	s28 =	smov.u32 s9  }
0x495: {  	[hbm4b:s8+s24] =	stream.strided.scatter [tilespmem:s30], [sflag:$0x3], $0x400, s29, s24, $0x38;
	[tilespmem:$0x18400] =	vst v63  }
0x496: {  	s9 =	sadd.s32 $0x400, s23  }
0x497: {  	[hbm4b:s26+s24] =	stream.strided.scatter [tilespmem:s9], [sflag:$0x3], $0x400, s29, s24, $0x38;
	[tilespmem:$0x18400] =	vst v63  }
0x498: {  	s8 =	sadd.s32 $0x800, s23;
	s9 =	sadd.s32 $0x40, s26  }
0x499: {  	[hbm4b:s9+s24] =	stream.strided.scatter [tilespmem:s8], [sflag:$0x3], $0x400, s29, s24, $0x38;
	[tilespmem:$0x18400] =	vst v63  }
0x49a: {  	s8 =	sadd.s32 $0xC00, s23;
	s9 =	sadd.s32 $0x80, s26  }
0x49b: {  	[hbm4b:s9+s24] =	stream.strided.scatter [tilespmem:s8], [sflag:$0x3], $0x400, s29, s24, $0x38;
	[tilespmem:$0x18400] =	vst v63  }
0x49c: {  	s8 =	sadd.s32 $0x1000, s23;
	s9 =	sadd.s32 $0xC0, s26  }
0x49d: {  	[hbm4b:s9+s24] =	stream.strided.scatter [tilespmem:s8], [sflag:$0x3], $0x400, s29, s24, $0x38;
	[tilespmem:$0x18400] =	vst v63  }
0x49e: {  	s8 =	sadd.s32 $0x1400, s23;
	s9 =	sadd.s32 $0x100, s26  }
0x49f: {  	[hbm4b:s9+s24] =	stream.strided.scatter [tilespmem:s8], [sflag:$0x3], $0x400, s29, s24, $0x38;
	[tilespmem:$0x18400] =	vst v63  }
0x4a0: {  	s9 =	sadd.s32 $0x1800, s23;
	s23 =	sadd.s32 $0x140, s26  }
0x4a1: {  	[hbm4b:s23+s24] =	stream.strided.scatter [tilespmem:s9], [sflag:$0x3], $0x400, s29, s24, $0x38;
	[tilespmem:$0x18400] =	vst v63  }
0x4a2: {  	_ =	swait.ge [sflag:s0], $0xC000  }
0x4a3: {  	[sflag:s0] =	ssyncset.done $0x0  }
0x4a4: {  	[sflag:s0] =	ssyncadd.s32 $0xFFFF4000  }
0x4a5: {  	v3 =	vld [tilespmem:$0x280];
	_ =	sdelay $0x4  }
0x4a6: {  	v4 =	vshrl.u32 v3, $0x3  }
0x4a7: {  	v4 =	vmul.u32 $0x30, v4  }
0x4a8: {  	v3 =	vand.u32 $0x7, v3  }
0x4a9: {  	v3 =	vor.u32 v3, v4  }
0x4aa: {  	v4 =	vperm.xlane v3, v0;
	_ =	sdelay $0x1  }
0x4ab: {  	v4 =	vadd.s32 v1, v4;
	_ =	sdelay $0x3  }
0x4ac: {  	s8 =	simm.s32 $0x0;
	s26 =	simm.s32 $0x400;
	v3 =	vperm.xlane v3, v2  }
0x4ad: {  	[tilespmem:s26], [sflag:$0x1] =	stream.indirect_vreg.gather [hbm4b:s2+s8], $0x80, v4, vm0, $0xb8;
	[tilespmem:$0x18400] =	vst v63  }
0x4ae: {  	v3 =	vadd.s32 v1, v3  }
0x4af: {  	[tilespmem:s29], [sflag:$0x1] =	stream.indirect_vreg.gather [hbm4b:s5+s8], $0x80, v4, vm0, $0xb8;
	[tilespmem:$0x18400] =	vst v63  }
0x4b0: {  	s23 =	simm.s32 $0x1400  }
0x4b1: {  	[tilespmem:s23], [sflag:$0x1] =	stream.indirect_vreg.gather [hbm4b:s7+s8], $0x80, v4, vm0, $0xb8;
	[tilespmem:$0x18400] =	vst v63  }
0x4b2: {  	s26 =	simm.s32 $0x1C00  }
0x4b3: {  	[tilespmem:s26], [sflag:$0x1] =	stream.indirect_vreg.gather [hbm4b:s2+s8], $0x80, v3, vm0, $0xb8;
	[tilespmem:$0x18400] =	vst v63  }
0x4b4: {  	s23 =	simm.s32 $0x2400  }
0x4b5: {  	[tilespmem:s23], [sflag:$0x1] =	stream.indirect_vreg.gather [hbm4b:s5+s8], $0x80, v3, vm0, $0xb8;
	[tilespmem:$0x18400] =	vst v63  }
0x4b6: {  	s26 =	simm.s32 $0x2C00  }
0x4b7: {  	[tilespmem:s26], [sflag:$0x1] =	stream.indirect_vreg.gather [hbm4b:s7+s8], $0x80, v3, vm0, $0xb8;
	[tilespmem:$0x18400] =	vst v63  }
0x4b8: {  	v3 =	vld [tilespmem:$0x290];
	_ =	sdelay $0x4  }
0x4b9: {  	v61 =	vshrl.u32 v3, $0x3  }
0x4ba: {  	v4 =	vmul.u32 $0x30, v61  }
0x4bb: {  	v3 =	vand.u32 $0x7, v3  }
0x4bc: {  	v3 =	vor.u32 v3, v4  }
0x4bd: {  	v4 =	vperm.xlane v3, v0;
	_ =	sdelay $0x1  }
0x4be: {  	v4 =	vadd.s32 v1, v4;
	_ =	sdelay $0x3  }
0x4bf: {  	s23 =	simm.s32 $0x3400;
	v3 =	vperm.xlane v3, v2  }
0x4c0: {  	[tilespmem:s23], [sflag:$0x1] =	stream.indirect_vreg.gather [hbm4b:s2+s8], $0x80, v4, vm0, $0xb8;
	[tilespmem:$0x18400] =	vst v63  }
0x4c1: {  	s26 =	simm.s32 $0x3C00;
	v3 =	vadd.s32 v1, v3  }
0x4c2: {  	[tilespmem:s26], [sflag:$0x1] =	stream.indirect_vreg.gather [hbm4b:s5+s8], $0x80, v4, vm0, $0xb8;
	[tilespmem:$0x18400] =	vst v63  }
0x4c3: {  	s23 =	simm.s32 $0x4400  }
0x4c4: {  	[tilespmem:s23], [sflag:$0x1] =	stream.indirect_vreg.gather [hbm4b:s7+s8], $0x80, v4, vm0, $0xb8;
	[tilespmem:$0x18400] =	vst v63  }
0x4c5: {  	s26 =	simm.s32 $0x4C00  }
0x4c6: {  	[tilespmem:s26], [sflag:$0x1] =	stream.indirect_vreg.gather [hbm4b:s2+s8], $0x80, v3, vm0, $0xb8;
	[tilespmem:$0x18400] =	vst v63  }
0x4c7: {  	s23 =	simm.s32 $0x5400  }
0x4c8: {  	[tilespmem:s23], [sflag:$0x1] =	stream.indirect_vreg.gather [hbm4b:s5+s8], $0x80, v3, vm0, $0xb8;
	[tilespmem:$0x18400] =	vst v63  }
0x4c9: {  	s26 =	simm.s32 $0x5C00  }
0x4ca: {  	[tilespmem:s26], [sflag:$0x1] =	stream.indirect_vreg.gather [hbm4b:s7+s8], $0x80, v3, vm0, $0xb8;
	[tilespmem:$0x18400] =	vst v63  }
0x4cb: {  	v3 =	vld [tilespmem:$0x2A0];
	_ =	sdelay $0x4  }
0x4cc: {  	v62 =	vshrl.u32 v3, $0x3  }
0x4cd: {  	v4 =	vmul.u32 $0x30, v62  }
0x4ce: {  	v3 =	vand.u32 $0x7, v3  }
0x4cf: {  	v3 =	vor.u32 v3, v4  }
0x4d0: {  	v4 =	vperm.xlane v3, v0;
	_ =	sdelay $0x1  }
0x4d1: {  	v4 =	vadd.s32 v1, v4;
	_ =	sdelay $0x3  }
0x4d2: {  	s23 =	simm.s32 $0x6400;
	v3 =	vperm.xlane v3, v2  }
0x4d3: {  	[tilespmem:s23], [sflag:$0x1] =	stream.indirect_vreg.gather [hbm4b:s2+s8], $0x80, v4, vm0, $0xb8;
	[tilespmem:$0x18400] =	vst v63  }
0x4d4: {  	s26 =	simm.s32 $0x6C00;
	v3 =	vadd.s32 v1, v3  }
0x4d5: {  	[tilespmem:s26], [sflag:$0x1] =	stream.indirect_vreg.gather [hbm4b:s5+s8], $0x80, v4, vm0, $0xb8;
	[tilespmem:$0x18400] =	vst v63  }
0x4d6: {  	s23 =	simm.s32 $0x7400  }
0x4d7: {  	[tilespmem:s23], [sflag:$0x1] =	stream.indirect_vreg.gather [hbm4b:s7+s8], $0x80, v4, vm0, $0xb8;
	[tilespmem:$0x18400] =	vst v63  }
0x4d8: {  	s26 =	simm.s32 $0x7C00  }
0x4d9: {  	[tilespmem:s26], [sflag:$0x1] =	stream.indirect_vreg.gather [hbm4b:s2+s8], $0x80, v3, vm0, $0xb8;
	[tilespmem:$0x18400] =	vst v63  }
0x4da: {  	s23 =	simm.s32 $0x8400  }
0x4db: {  	[tilespmem:s23], [sflag:$0x1] =	stream.indirect_vreg.gather [hbm4b:s5+s8], $0x80, v3, vm0, $0xb8;
	[tilespmem:$0x18400] =	vst v63  }
0x4dc: {  	s26 =	simm.s32 $0x8C00  }
0x4dd: {  	[tilespmem:s26], [sflag:$0x1] =	stream.indirect_vreg.gather [hbm4b:s7+s8], $0x80, v3, vm0, $0xb8;
	[tilespmem:$0x18400] =	vst v63  }
0x4de: {  	v3 =	vld [tilespmem:$0x2B0];
	_ =	sdelay $0x4  }
0x4df: {  	v63 =	vshrl.u32 v3, $0x3  }
0x4e0: {  	v4 =	vmul.u32 $0x30, v63  }
0x4e1: {  	v3 =	vand.u32 $0x7, v3  }
0x4e2: {  	v3 =	vor.u32 v3, v4  }
0x4e3: {  	v4 =	vperm.xlane v3, v0;
	_ =	sdelay $0x1  }
0x4e4: {  	v4 =	vadd.s32 v1, v4;
	_ =	sdelay $0x3  }
0x4e5: {  	s23 =	simm.s32 $0x9400;
	v3 =	vperm.xlane v3, v2  }
0x4e6: {  	[tilespmem:s23], [sflag:$0x1] =	stream.indirect_vreg.gather [hbm4b:s2+s8], $0x80, v4, vm0, $0xb8;
	[tilespmem:$0x18400] =	vst v63  }
0x4e7: {  	s26 =	simm.s32 $0x9C00;
	v3 =	vadd.s32 v1, v3  }
0x4e8: {  	[tilespmem:s26], [sflag:$0x1] =	stream.indirect_vreg.gather [hbm4b:s5+s8], $0x80, v4, vm0, $0xb8;
	[tilespmem:$0x18400] =	vst v63  }
0x4e9: {  	s23 =	simm.s32 $0xA400  }
0x4ea: {  	[tilespmem:s23], [sflag:$0x1] =	stream.indirect_vreg.gather [hbm4b:s7+s8], $0x80, v4, vm0, $0xb8;
	[tilespmem:$0x18400] =	vst v63  }
0x4eb: {  	s26 =	simm.s32 $0xAC00  }
0x4ec: {  	[tilespmem:s26], [sflag:$0x1] =	stream.indirect_vreg.gather [hbm4b:s2+s8], $0x80, v3, vm0, $0xb8;
	[tilespmem:$0x18400] =	vst v63  }
0x4ed: {  	s23 =	simm.s32 $0xB400  }
0x4ee: {  	[tilespmem:s23], [sflag:$0x1] =	stream.indirect_vreg.gather [hbm4b:s5+s8], $0x80, v3, vm0, $0xb8;
	[tilespmem:$0x18400] =	vst v63  }
0x4ef: {  	s26 =	simm.s32 $0xBC00  }
0x4f0: {  	[tilespmem:s26], [sflag:$0x1] =	stream.indirect_vreg.gather [hbm4b:s7+s8], $0x80, v3, vm0, $0xb8;
	[tilespmem:$0x18400] =	vst v63  }
0x4f1: {  	_ =	swait.ge [sflag:s1], $0xC000  }
0x4f2: {  	[sflag:s1] =	ssyncset.done $0x0  }
0x4f3: {  	s9 =	simm.s32 $0xC400;
	[sflag:s1] =	ssyncadd.s32 $0xFFFF4000  }
0x4f4: {  	[hbm4b:s16+s24] =	stream.strided.scatter [tilespmem:s9], [sflag:$0x4], $0x400, s29, s24, $0x38;
	[tilespmem:$0x18400] =	vst v63  }
0x4f5: {  	s23 =	simm.s32 $0xC800;
	s26 =	sadd.s32 $0x40, s16  }
0x4f6: {  	[hbm4b:s26+s24] =	stream.strided.scatter [tilespmem:s23], [sflag:$0x4], $0x400, s29, s24, $0x38;
	[tilespmem:$0x18400] =	vst v63  }
0x4f7: {  	s23 =	simm.s32 $0xCC00;
	s26 =	sadd.s32 $0x80, s16  }
0x4f8: {  	[hbm4b:s26+s24] =	stream.strided.scatter [tilespmem:s23], [sflag:$0x4], $0x400, s29, s24, $0x38;
	[tilespmem:$0x18400] =	vst v63  }
0x4f9: {  	s28 =	simm.s32 $0xC000;
	s23 =	simm.s32 $0xD000;
	s26 =	sadd.s32 $0xC0, s16  }
0x4fa: {  	[hbm4b:s26+s24] =	stream.strided.scatter [tilespmem:s23], [sflag:$0x4], $0x400, s29, s24, $0x38;
	[tilespmem:$0x18400] =	vst v63  }
0x4fb: {  	s30 =	simm.s32 $0xD800;
	s23 =	simm.s32 $0xD400;
	s26 =	sadd.s32 $0x100, s16  }
0x4fc: {  	[hbm4b:s26+s24] =	stream.strided.scatter [tilespmem:s23], [sflag:$0x4], $0x400, s29, s24, $0x38;
	[tilespmem:$0x18400] =	vst v63  }
0x4fd: {  	s8 =	sadd.s32 $0x140, s16;
	s23 =	simm.s32 $0x1800;
	s26 =	sadd.s32 $0xC00, s16  }
.LBB2_20:
0x4fe: {  	[hbm4b:s8+s24] =	stream.strided.scatter [tilespmem:s30], [sflag:$0x4], $0x400, s29, s24, $0x38;
	[tilespmem:$0x18400] =	vst v63  }
0x4ff: {  	s8 =	smov.u32 s23;
	s9 =	smov.u32 s28  }
0x500: {  	s23 =	sshra.s32 s9, $0x2;
	s9 =	sadd.s32 $0x6000, s28;
	s30 =	sadd.s32 $0xC400, s8  }
0x501: {  	[hbm4b:s26+s24] =	stream.strided.scatter [tilespmem:s30], [sflag:$0x4], $0x400, s29, s24, $0x38;
	[tilespmem:$0x18400] =	vst v63  }
0x502: {  	p0 =	sne.s32 s28, $0x2A000;
	s28 =	sadd.s32 $0xC800, s8;
	s30 =	sadd.s32 $0x40, s26  }
0x503: {  	[hbm4b:s30+s24] =	stream.strided.scatter [tilespmem:s28], [sflag:$0x4], $0x400, s29, s24, $0x38;
	[tilespmem:$0x18400] =	vst v63  }
0x504: {  	s28 =	sadd.s32 $0xCC00, s8;
	s30 =	sadd.s32 $0x80, s26  }
0x505: {  	[hbm4b:s30+s24] =	stream.strided.scatter [tilespmem:s28], [sflag:$0x4], $0x400, s29, s24, $0x38;
	[tilespmem:$0x18400] =	vst v63  }
0x506: {  	s28 =	sadd.s32 $0xD000, s8;
	s30 =	sadd.s32 $0xC0, s26  }
0x507: {  	[hbm4b:s30+s24] =	stream.strided.scatter [tilespmem:s28], [sflag:$0x4], $0x400, s29, s24, $0x38;
	[tilespmem:$0x18400] =	vst v63  }
.Ltmp9:
0x508: {  	_ = 	snop;
	(pc) =	sbr.rel @p0 .LBB2_20-.Ltmp9, $4  }
0x509: {  	s28 =	sadd.s32 $0xD400, s8;
	s30 =	sadd.s32 $0x100, s26  }
0x50a: {  	[hbm4b:s30+s24] =	stream.strided.scatter [tilespmem:s28], [sflag:$0x4], $0x400, s29, s24, $0x38;
	[tilespmem:$0x18400] =	vst v63  }
0x50b: {  	s30 =	sadd.s32 $0xD800, s8  }
0x50c: {  	s8 =	sadd.s32 $0x140, s26;
	s26 =	sadd.s32 $0xC00, s26;
	s28 =	smov.u32 s9  }
0x50d: {  	[hbm4b:s8+s24] =	stream.strided.scatter [tilespmem:s30], [sflag:$0x4], $0x400, s29, s24, $0x38;
	[tilespmem:$0x18400] =	vst v63  }
0x50e: {  	s9 =	sadd.s32 $0xC400, s23  }
0x50f: {  	[hbm4b:s26+s24] =	stream.strided.scatter [tilespmem:s9], [sflag:$0x4], $0x400, s29, s24, $0x38;
	[tilespmem:$0x18400] =	vst v63  }
0x510: {  	s8 =	sadd.s32 $0xC800, s23;
	s9 =	sadd.s32 $0x40, s26  }
0x511: {  	[hbm4b:s9+s24] =	stream.strided.scatter [tilespmem:s8], [sflag:$0x4], $0x400, s29, s24, $0x38;
	[tilespmem:$0x18400] =	vst v63  }
0x512: {  	s8 =	sadd.s32 $0xCC00, s23;
	s9 =	sadd.s32 $0x80, s26  }
0x513: {  	[hbm4b:s9+s24] =	stream.strided.scatter [tilespmem:s8], [sflag:$0x4], $0x400, s29, s24, $0x38;
	[tilespmem:$0x18400] =	vst v63  }
0x514: {  	s8 =	sadd.s32 $0xD000, s23;
	s9 =	sadd.s32 $0xC0, s26  }
0x515: {  	[hbm4b:s9+s24] =	stream.strided.scatter [tilespmem:s8], [sflag:$0x4], $0x400, s29, s24, $0x38;
	[tilespmem:$0x18400] =	vst v63  }
0x516: {  	s8 =	sadd.s32 $0xD400, s23;
	s9 =	sadd.s32 $0x100, s26  }
0x517: {  	[hbm4b:s9+s24] =	stream.strided.scatter [tilespmem:s8], [sflag:$0x4], $0x400, s29, s24, $0x38;
	[tilespmem:$0x18400] =	vst v63  }
0x518: {  	s23 =	sadd.s32 $0xD800, s23;
	s26 =	sadd.s32 $0x140, s26  }
0x519: {  	[hbm4b:s26+s24] =	stream.strided.scatter [tilespmem:s23], [sflag:$0x4], $0x400, s29, s24, $0x38;
	[tilespmem:$0x18400] =	vst v63  }
0x51a: {  	_ =	swait.ge [sflag:s25], $0xC000  }
0x51b: {  	[sflag:s25] =	ssyncset.done $0x0  }
0x51c: {  	[sflag:s25] =	ssyncadd.s32 $0xFFFF4000  }
0x51d: {  	v3 =	vld [tilespmem:$0x2C0];
	_ =	sdelay $0x4  }
0x51e: {  	v4 =	vshrl.u32 v3, $0x3  }
0x51f: {  	v4 =	vmul.u32 $0x30, v4  }
0x520: {  	v3 =	vand.u32 $0x7, v3  }
0x521: {  	v3 =	vor.u32 v3, v4  }
0x522: {  	v4 =	vperm.xlane v3, v0;
	_ =	sdelay $0x1  }
0x523: {  	v4 =	vadd.s32 v1, v4;
	_ =	sdelay $0x3  }
0x524: {  	s8 =	simm.s32 $0x0;
	s23 =	simm.s32 $0xC400;
	v3 =	vperm.xlane v3, v2  }
0x525: {  	[tilespmem:s23], [sflag:$0x2] =	stream.indirect_vreg.gather [hbm4b:s2+s8], $0x80, v4, vm0, $0xb8;
	[tilespmem:$0x18400] =	vst v63  }
0x526: {  	s26 =	simm.s32 $0xCC00;
	v3 =	vadd.s32 v1, v3  }
0x527: {  	[tilespmem:s26], [sflag:$0x2] =	stream.indirect_vreg.gather [hbm4b:s5+s8], $0x80, v4, vm0, $0xb8;
	[tilespmem:$0x18400] =	vst v63  }
0x528: {  	s23 =	simm.s32 $0xD400  }
0x529: {  	[tilespmem:s23], [sflag:$0x2] =	stream.indirect_vreg.gather [hbm4b:s7+s8], $0x80, v4, vm0, $0xb8;
	[tilespmem:$0x18400] =	vst v63  }
0x52a: {  	s26 =	simm.s32 $0xDC00  }
0x52b: {  	[tilespmem:s26], [sflag:$0x2] =	stream.indirect_vreg.gather [hbm4b:s2+s8], $0x80, v3, vm0, $0xb8;
	[tilespmem:$0x18400] =	vst v63  }
0x52c: {  	s23 =	simm.s32 $0xE400  }
0x52d: {  	[tilespmem:s23], [sflag:$0x2] =	stream.indirect_vreg.gather [hbm4b:s5+s8], $0x80, v3, vm0, $0xb8;
	[tilespmem:$0x18400] =	vst v63  }
0x52e: {  	s26 =	simm.s32 $0xEC00  }
0x52f: {  	[tilespmem:s26], [sflag:$0x2] =	stream.indirect_vreg.gather [hbm4b:s7+s8], $0x80, v3, vm0, $0xb8;
	[tilespmem:$0x18400] =	vst v63  }
0x530: {  	v3 =	vld [tilespmem:$0x2D0];
	_ =	sdelay $0x4  }
0x531: {  	v61 =	vshrl.u32 v3, $0x3  }
0x532: {  	v4 =	vmul.u32 $0x30, v61  }
0x533: {  	v3 =	vand.u32 $0x7, v3  }
0x534: {  	v3 =	vor.u32 v3, v4  }
0x535: {  	v4 =	vperm.xlane v3, v0;
	_ =	sdelay $0x1  }
0x536: {  	v4 =	vadd.s32 v1, v4;
	_ =	sdelay $0x3  }
0x537: {  	s23 =	simm.s32 $0xF400;
	v3 =	vperm.xlane v3, v2  }
0x538: {  	[tilespmem:s23], [sflag:$0x2] =	stream.indirect_vreg.gather [hbm4b:s2+s8], $0x80, v4, vm0, $0xb8;
	[tilespmem:$0x18400] =	vst v63  }
0x539: {  	s26 =	simm.s32 $0xFC00;
	v3 =	vadd.s32 v1, v3  }
0x53a: {  	[tilespmem:s26], [sflag:$0x2] =	stream.indirect_vreg.gather [hbm4b:s5+s8], $0x80, v4, vm0, $0xb8;
	[tilespmem:$0x18400] =	vst v63  }
0x53b: {  	s23 =	simm.s32 $0x10400  }
0x53c: {  	[tilespmem:s23], [sflag:$0x2] =	stream.indirect_vreg.gather [hbm4b:s7+s8], $0x80, v4, vm0, $0xb8;
	[tilespmem:$0x18400] =	vst v63  }
0x53d: {  	s26 =	simm.s32 $0x10C00  }
0x53e: {  	[tilespmem:s26], [sflag:$0x2] =	stream.indirect_vreg.gather [hbm4b:s2+s8], $0x80, v3, vm0, $0xb8;
	[tilespmem:$0x18400] =	vst v63  }
0x53f: {  	s23 =	simm.s32 $0x11400  }
0x540: {  	[tilespmem:s23], [sflag:$0x2] =	stream.indirect_vreg.gather [hbm4b:s5+s8], $0x80, v3, vm0, $0xb8;
	[tilespmem:$0x18400] =	vst v63  }
0x541: {  	s26 =	simm.s32 $0x11C00  }
0x542: {  	[tilespmem:s26], [sflag:$0x2] =	stream.indirect_vreg.gather [hbm4b:s7+s8], $0x80, v3, vm0, $0xb8;
	[tilespmem:$0x18400] =	vst v63  }
0x543: {  	v3 =	vld [tilespmem:$0x2E0];
	_ =	sdelay $0x4  }
0x544: {  	v62 =	vshrl.u32 v3, $0x3  }
0x545: {  	v4 =	vmul.u32 $0x30, v62  }
0x546: {  	v3 =	vand.u32 $0x7, v3  }
0x547: {  	v3 =	vor.u32 v3, v4  }
0x548: {  	v4 =	vperm.xlane v3, v0;
	_ =	sdelay $0x1  }
0x549: {  	v4 =	vadd.s32 v1, v4;
	_ =	sdelay $0x3  }
0x54a: {  	s23 =	simm.s32 $0x12400;
	v3 =	vperm.xlane v3, v2  }
0x54b: {  	[tilespmem:s23], [sflag:$0x2] =	stream.indirect_vreg.gather [hbm4b:s2+s8], $0x80, v4, vm0, $0xb8;
	[tilespmem:$0x18400] =	vst v63  }
0x54c: {  	s26 =	simm.s32 $0x12C00;
	v3 =	vadd.s32 v1, v3  }
0x54d: {  	[tilespmem:s26], [sflag:$0x2] =	stream.indirect_vreg.gather [hbm4b:s5+s8], $0x80, v4, vm0, $0xb8;
	[tilespmem:$0x18400] =	vst v63  }
0x54e: {  	s23 =	simm.s32 $0x13400  }
0x54f: {  	[tilespmem:s23], [sflag:$0x2] =	stream.indirect_vreg.gather [hbm4b:s7+s8], $0x80, v4, vm0, $0xb8;
	[tilespmem:$0x18400] =	vst v63  }
0x550: {  	s26 =	simm.s32 $0x13C00  }
0x551: {  	[tilespmem:s26], [sflag:$0x2] =	stream.indirect_vreg.gather [hbm4b:s2+s8], $0x80, v3, vm0, $0xb8;
	[tilespmem:$0x18400] =	vst v63  }
0x552: {  	s23 =	simm.s32 $0x14400  }
0x553: {  	[tilespmem:s23], [sflag:$0x2] =	stream.indirect_vreg.gather [hbm4b:s5+s8], $0x80, v3, vm0, $0xb8;
	[tilespmem:$0x18400] =	vst v63  }
0x554: {  	s26 =	simm.s32 $0x14C00  }
0x555: {  	[tilespmem:s26], [sflag:$0x2] =	stream.indirect_vreg.gather [hbm4b:s7+s8], $0x80, v3, vm0, $0xb8;
	[tilespmem:$0x18400] =	vst v63  }
0x556: {  	v3 =	vld [tilespmem:$0x2F0];
	_ =	sdelay $0x4  }
0x557: {  	v63 =	vshrl.u32 v3, $0x3  }
0x558: {  	v4 =	vmul.u32 $0x30, v63  }
0x559: {  	v3 =	vand.u32 $0x7, v3  }
0x55a: {  	v3 =	vor.u32 v3, v4  }
0x55b: {  	v4 =	vperm.xlane v3, v0;
	_ =	sdelay $0x1  }
0x55c: {  	v4 =	vadd.s32 v1, v4;
	_ =	sdelay $0x3  }
0x55d: {  	s23 =	simm.s32 $0x15400;
	v3 =	vperm.xlane v3, v2  }
0x55e: {  	[tilespmem:s23], [sflag:$0x2] =	stream.indirect_vreg.gather [hbm4b:s2+s8], $0x80, v4, vm0, $0xb8;
	[tilespmem:$0x18400] =	vst v63  }
0x55f: {  	s26 =	simm.s32 $0x15C00;
	v3 =	vadd.s32 v1, v3  }
0x560: {  	[tilespmem:s26], [sflag:$0x2] =	stream.indirect_vreg.gather [hbm4b:s5+s8], $0x80, v4, vm0, $0xb8;
	[tilespmem:$0x18400] =	vst v63  }
0x561: {  	s23 =	simm.s32 $0x16400  }
0x562: {  	[tilespmem:s23], [sflag:$0x2] =	stream.indirect_vreg.gather [hbm4b:s7+s8], $0x80, v4, vm0, $0xb8;
	[tilespmem:$0x18400] =	vst v63  }
0x563: {  	s26 =	simm.s32 $0x16C00  }
0x564: {  	[tilespmem:s26], [sflag:$0x2] =	stream.indirect_vreg.gather [hbm4b:s2+s8], $0x80, v3, vm0, $0xb8;
	[tilespmem:$0x18400] =	vst v63  }
0x565: {  	s23 =	simm.s32 $0x17400  }
0x566: {  	[tilespmem:s23], [sflag:$0x2] =	stream.indirect_vreg.gather [hbm4b:s5+s8], $0x80, v3, vm0, $0xb8;
	[tilespmem:$0x18400] =	vst v63  }
0x567: {  	s26 =	simm.s32 $0x17C00  }
0x568: {  	[tilespmem:s26], [sflag:$0x2] =	stream.indirect_vreg.gather [hbm4b:s7+s8], $0x80, v3, vm0, $0xb8;
	[tilespmem:$0x18400] =	vst v63  }
0x569: {  	_ =	swait.ge [sflag:s31], $0xC000  }
0x56a: {  	[sflag:s31] =	ssyncset.done $0x0  }
0x56b: {  	s9 =	simm.s32 $0x400;
	[sflag:s31] =	ssyncadd.s32 $0xFFFF4000  }
0x56c: {  	[hbm4b:s17+s24] =	stream.strided.scatter [tilespmem:s9], [sflag:$0x3], $0x400, s29, s24, $0x38;
	[tilespmem:$0x18400] =	vst v63  }
0x56d: {  	s23 =	simm.s32 $0x800;
	s26 =	sadd.s32 $0x40, s17  }
0x56e: {  	[hbm4b:s26+s24] =	stream.strided.scatter [tilespmem:s23], [sflag:$0x3], $0x400, s29, s24, $0x38;
	[tilespmem:$0x18400] =	vst v63  }
0x56f: {  	s23 =	simm.s32 $0xC00;
	s26 =	sadd.s32 $0x80, s17  }
0x570: {  	[hbm4b:s26+s24] =	stream.strided.scatter [tilespmem:s23], [sflag:$0x3], $0x400, s29, s24, $0x38;
	[tilespmem:$0x18400] =	vst v63  }
0x571: {  	s28 =	simm.s32 $0xC000;
	s23 =	simm.s32 $0x1000;
	s26 =	sadd.s32 $0xC0, s17  }
0x572: {  	[hbm4b:s26+s24] =	stream.strided.scatter [tilespmem:s23], [sflag:$0x3], $0x400, s29, s24, $0x38;
	[tilespmem:$0x18400] =	vst v63  }
0x573: {  	s30 =	simm.s32 $0x1800;
	s23 =	simm.s32 $0x1400;
	s26 =	sadd.s32 $0x100, s17  }
0x574: {  	[hbm4b:s26+s24] =	stream.strided.scatter [tilespmem:s23], [sflag:$0x3], $0x400, s29, s24, $0x38;
	[tilespmem:$0x18400] =	vst v63  }
0x575: {  	s8 =	sadd.s32 $0x140, s17;
	s23 =	simm.s32 $0x1800;
	s26 =	sadd.s32 $0xC00, s17  }
.LBB2_22:
0x576: {  	[hbm4b:s8+s24] =	stream.strided.scatter [tilespmem:s30], [sflag:$0x3], $0x400, s29, s24, $0x38;
	[tilespmem:$0x18400] =	vst v63  }
0x577: {  	s8 =	smov.u32 s23;
	s9 =	smov.u32 s28  }
0x578: {  	s23 =	sshra.s32 s9, $0x2;
	s9 =	sadd.s32 $0x6000, s28;
	s30 =	sadd.s32 $0x400, s8  }
0x579: {  	[hbm4b:s26+s24] =	stream.strided.scatter [tilespmem:s30], [sflag:$0x3], $0x400, s29, s24, $0x38;
	[tilespmem:$0x18400] =	vst v63  }
0x57a: {  	p0 =	sne.s32 s28, $0x2A000;
	s28 =	sadd.s32 $0x800, s8;
	s30 =	sadd.s32 $0x40, s26  }
0x57b: {  	[hbm4b:s30+s24] =	stream.strided.scatter [tilespmem:s28], [sflag:$0x3], $0x400, s29, s24, $0x38;
	[tilespmem:$0x18400] =	vst v63  }
0x57c: {  	s28 =	sadd.s32 $0xC00, s8;
	s30 =	sadd.s32 $0x80, s26  }
0x57d: {  	[hbm4b:s30+s24] =	stream.strided.scatter [tilespmem:s28], [sflag:$0x3], $0x400, s29, s24, $0x38;
	[tilespmem:$0x18400] =	vst v63  }
0x57e: {  	s28 =	sadd.s32 $0x1000, s8;
	s30 =	sadd.s32 $0xC0, s26  }
0x57f: {  	[hbm4b:s30+s24] =	stream.strided.scatter [tilespmem:s28], [sflag:$0x3], $0x400, s29, s24, $0x38;
	[tilespmem:$0x18400] =	vst v63  }
.Ltmp10:
0x580: {  	_ = 	snop;
	(pc) =	sbr.rel @p0 .LBB2_22-.Ltmp10, $4  }
0x581: {  	s28 =	sadd.s32 $0x1400, s8;
	s30 =	sadd.s32 $0x100, s26  }
0x582: {  	[hbm4b:s30+s24] =	stream.strided.scatter [tilespmem:s28], [sflag:$0x3], $0x400, s29, s24, $0x38;
	[tilespmem:$0x18400] =	vst v63  }
0x583: {  	s30 =	sadd.s32 $0x1800, s8  }
0x584: {  	s8 =	sadd.s32 $0x140, s26;
	s26 =	sadd.s32 $0xC00, s26;
	s28 =	smov.u32 s9  }
0x585: {  	[hbm4b:s8+s24] =	stream.strided.scatter [tilespmem:s30], [sflag:$0x3], $0x400, s29, s24, $0x38;
	[tilespmem:$0x18400] =	vst v63  }
0x586: {  	s9 =	sadd.s32 $0x400, s23  }
0x587: {  	[hbm4b:s26+s24] =	stream.strided.scatter [tilespmem:s9], [sflag:$0x3], $0x400, s29, s24, $0x38;
	[tilespmem:$0x18400] =	vst v63  }
0x588: {  	s8 =	sadd.s32 $0x800, s23;
	s9 =	sadd.s32 $0x40, s26  }
0x589: {  	[hbm4b:s9+s24] =	stream.strided.scatter [tilespmem:s8], [sflag:$0x3], $0x400, s29, s24, $0x38;
	[tilespmem:$0x18400] =	vst v63  }
0x58a: {  	s8 =	sadd.s32 $0xC00, s23;
	s9 =	sadd.s32 $0x80, s26  }
0x58b: {  	[hbm4b:s9+s24] =	stream.strided.scatter [tilespmem:s8], [sflag:$0x3], $0x400, s29, s24, $0x38;
	[tilespmem:$0x18400] =	vst v63  }
0x58c: {  	s8 =	sadd.s32 $0x1000, s23;
	s9 =	sadd.s32 $0xC0, s26  }
0x58d: {  	[hbm4b:s9+s24] =	stream.strided.scatter [tilespmem:s8], [sflag:$0x3], $0x400, s29, s24, $0x38;
	[tilespmem:$0x18400] =	vst v63  }
0x58e: {  	s8 =	sadd.s32 $0x1400, s23;
	s9 =	sadd.s32 $0x100, s26  }
0x58f: {  	[hbm4b:s9+s24] =	stream.strided.scatter [tilespmem:s8], [sflag:$0x3], $0x400, s29, s24, $0x38;
	[tilespmem:$0x18400] =	vst v63  }
0x590: {  	s9 =	sadd.s32 $0x1800, s23;
	s23 =	sadd.s32 $0x140, s26  }
0x591: {  	[hbm4b:s23+s24] =	stream.strided.scatter [tilespmem:s9], [sflag:$0x3], $0x400, s29, s24, $0x38;
	[tilespmem:$0x18400] =	vst v63  }
0x592: {  	_ =	swait.ge [sflag:s0], $0xC000  }
0x593: {  	[sflag:s0] =	ssyncset.done $0x0  }
0x594: {  	[sflag:s0] =	ssyncadd.s32 $0xFFFF4000  }
0x595: {  	v3 =	vld [tilespmem:$0x300];
	_ =	sdelay $0x4  }
0x596: {  	v4 =	vshrl.u32 v3, $0x3  }
0x597: {  	v4 =	vmul.u32 $0x30, v4  }
0x598: {  	v3 =	vand.u32 $0x7, v3  }
0x599: {  	v3 =	vor.u32 v3, v4  }
0x59a: {  	v4 =	vperm.xlane v3, v0;
	_ =	sdelay $0x1  }
0x59b: {  	v4 =	vadd.s32 v1, v4;
	_ =	sdelay $0x3  }
0x59c: {  	s8 =	simm.s32 $0x0;
	s26 =	simm.s32 $0x400;
	v3 =	vperm.xlane v3, v2  }
0x59d: {  	[tilespmem:s26], [sflag:$0x1] =	stream.indirect_vreg.gather [hbm4b:s2+s8], $0x80, v4, vm0, $0xb8;
	[tilespmem:$0x18400] =	vst v63  }
0x59e: {  	v3 =	vadd.s32 v1, v3  }
0x59f: {  	[tilespmem:s29], [sflag:$0x1] =	stream.indirect_vreg.gather [hbm4b:s5+s8], $0x80, v4, vm0, $0xb8;
	[tilespmem:$0x18400] =	vst v63  }
0x5a0: {  	s23 =	simm.s32 $0x1400  }
0x5a1: {  	[tilespmem:s23], [sflag:$0x1] =	stream.indirect_vreg.gather [hbm4b:s7+s8], $0x80, v4, vm0, $0xb8;
	[tilespmem:$0x18400] =	vst v63  }
0x5a2: {  	s26 =	simm.s32 $0x1C00  }
0x5a3: {  	[tilespmem:s26], [sflag:$0x1] =	stream.indirect_vreg.gather [hbm4b:s2+s8], $0x80, v3, vm0, $0xb8;
	[tilespmem:$0x18400] =	vst v63  }
0x5a4: {  	s23 =	simm.s32 $0x2400  }
0x5a5: {  	[tilespmem:s23], [sflag:$0x1] =	stream.indirect_vreg.gather [hbm4b:s5+s8], $0x80, v3, vm0, $0xb8;
	[tilespmem:$0x18400] =	vst v63  }
0x5a6: {  	s26 =	simm.s32 $0x2C00  }
0x5a7: {  	[tilespmem:s26], [sflag:$0x1] =	stream.indirect_vreg.gather [hbm4b:s7+s8], $0x80, v3, vm0, $0xb8;
	[tilespmem:$0x18400] =	vst v63  }
0x5a8: {  	v3 =	vld [tilespmem:$0x310];
	_ =	sdelay $0x4  }
0x5a9: {  	v61 =	vshrl.u32 v3, $0x3  }
0x5aa: {  	v4 =	vmul.u32 $0x30, v61  }
0x5ab: {  	v3 =	vand.u32 $0x7, v3  }
0x5ac: {  	v3 =	vor.u32 v3, v4  }
0x5ad: {  	v4 =	vperm.xlane v3, v0;
	_ =	sdelay $0x1  }
0x5ae: {  	v4 =	vadd.s32 v1, v4;
	_ =	sdelay $0x3  }
0x5af: {  	s23 =	simm.s32 $0x3400;
	v3 =	vperm.xlane v3, v2  }
0x5b0: {  	[tilespmem:s23], [sflag:$0x1] =	stream.indirect_vreg.gather [hbm4b:s2+s8], $0x80, v4, vm0, $0xb8;
	[tilespmem:$0x18400] =	vst v63  }
0x5b1: {  	s26 =	simm.s32 $0x3C00;
	v3 =	vadd.s32 v1, v3  }
0x5b2: {  	[tilespmem:s26], [sflag:$0x1] =	stream.indirect_vreg.gather [hbm4b:s5+s8], $0x80, v4, vm0, $0xb8;
	[tilespmem:$0x18400] =	vst v63  }
0x5b3: {  	s23 =	simm.s32 $0x4400  }
0x5b4: {  	[tilespmem:s23], [sflag:$0x1] =	stream.indirect_vreg.gather [hbm4b:s7+s8], $0x80, v4, vm0, $0xb8;
	[tilespmem:$0x18400] =	vst v63  }
0x5b5: {  	s26 =	simm.s32 $0x4C00  }
0x5b6: {  	[tilespmem:s26], [sflag:$0x1] =	stream.indirect_vreg.gather [hbm4b:s2+s8], $0x80, v3, vm0, $0xb8;
	[tilespmem:$0x18400] =	vst v63  }
0x5b7: {  	s23 =	simm.s32 $0x5400  }
0x5b8: {  	[tilespmem:s23], [sflag:$0x1] =	stream.indirect_vreg.gather [hbm4b:s5+s8], $0x80, v3, vm0, $0xb8;
	[tilespmem:$0x18400] =	vst v63  }
0x5b9: {  	s26 =	simm.s32 $0x5C00  }
0x5ba: {  	[tilespmem:s26], [sflag:$0x1] =	stream.indirect_vreg.gather [hbm4b:s7+s8], $0x80, v3, vm0, $0xb8;
	[tilespmem:$0x18400] =	vst v63  }
0x5bb: {  	v3 =	vld [tilespmem:$0x320];
	_ =	sdelay $0x4  }
0x5bc: {  	v62 =	vshrl.u32 v3, $0x3  }
0x5bd: {  	v4 =	vmul.u32 $0x30, v62  }
0x5be: {  	v3 =	vand.u32 $0x7, v3  }
0x5bf: {  	v3 =	vor.u32 v3, v4  }
0x5c0: {  	v4 =	vperm.xlane v3, v0;
	_ =	sdelay $0x1  }
0x5c1: {  	v4 =	vadd.s32 v1, v4;
	_ =	sdelay $0x3  }
0x5c2: {  	s23 =	simm.s32 $0x6400;
	v3 =	vperm.xlane v3, v2  }
0x5c3: {  	[tilespmem:s23], [sflag:$0x1] =	stream.indirect_vreg.gather [hbm4b:s2+s8], $0x80, v4, vm0, $0xb8;
	[tilespmem:$0x18400] =	vst v63  }
0x5c4: {  	s26 =	simm.s32 $0x6C00;
	v3 =	vadd.s32 v1, v3  }
0x5c5: {  	[tilespmem:s26], [sflag:$0x1] =	stream.indirect_vreg.gather [hbm4b:s5+s8], $0x80, v4, vm0, $0xb8;
	[tilespmem:$0x18400] =	vst v63  }
0x5c6: {  	s23 =	simm.s32 $0x7400  }
0x5c7: {  	[tilespmem:s23], [sflag:$0x1] =	stream.indirect_vreg.gather [hbm4b:s7+s8], $0x80, v4, vm0, $0xb8;
	[tilespmem:$0x18400] =	vst v63  }
0x5c8: {  	s26 =	simm.s32 $0x7C00  }
0x5c9: {  	[tilespmem:s26], [sflag:$0x1] =	stream.indirect_vreg.gather [hbm4b:s2+s8], $0x80, v3, vm0, $0xb8;
	[tilespmem:$0x18400] =	vst v63  }
0x5ca: {  	s23 =	simm.s32 $0x8400  }
0x5cb: {  	[tilespmem:s23], [sflag:$0x1] =	stream.indirect_vreg.gather [hbm4b:s5+s8], $0x80, v3, vm0, $0xb8;
	[tilespmem:$0x18400] =	vst v63  }
0x5cc: {  	s26 =	simm.s32 $0x8C00  }
0x5cd: {  	[tilespmem:s26], [sflag:$0x1] =	stream.indirect_vreg.gather [hbm4b:s7+s8], $0x80, v3, vm0, $0xb8;
	[tilespmem:$0x18400] =	vst v63  }
0x5ce: {  	v3 =	vld [tilespmem:$0x330];
	_ =	sdelay $0x4  }
0x5cf: {  	v63 =	vshrl.u32 v3, $0x3  }
0x5d0: {  	v4 =	vmul.u32 $0x30, v63  }
0x5d1: {  	v3 =	vand.u32 $0x7, v3  }
0x5d2: {  	v3 =	vor.u32 v3, v4  }
0x5d3: {  	v4 =	vperm.xlane v3, v0;
	_ =	sdelay $0x1  }
0x5d4: {  	v4 =	vadd.s32 v1, v4;
	_ =	sdelay $0x3  }
0x5d5: {  	s23 =	simm.s32 $0x9400;
	v3 =	vperm.xlane v3, v2  }
0x5d6: {  	[tilespmem:s23], [sflag:$0x1] =	stream.indirect_vreg.gather [hbm4b:s2+s8], $0x80, v4, vm0, $0xb8;
	[tilespmem:$0x18400] =	vst v63  }
0x5d7: {  	s26 =	simm.s32 $0x9C00;
	v3 =	vadd.s32 v1, v3  }
0x5d8: {  	[tilespmem:s26], [sflag:$0x1] =	stream.indirect_vreg.gather [hbm4b:s5+s8], $0x80, v4, vm0, $0xb8;
	[tilespmem:$0x18400] =	vst v63  }
0x5d9: {  	s23 =	simm.s32 $0xA400  }
0x5da: {  	[tilespmem:s23], [sflag:$0x1] =	stream.indirect_vreg.gather [hbm4b:s7+s8], $0x80, v4, vm0, $0xb8;
	[tilespmem:$0x18400] =	vst v63  }
0x5db: {  	s26 =	simm.s32 $0xAC00  }
0x5dc: {  	[tilespmem:s26], [sflag:$0x1] =	stream.indirect_vreg.gather [hbm4b:s2+s8], $0x80, v3, vm0, $0xb8;
	[tilespmem:$0x18400] =	vst v63  }
0x5dd: {  	s23 =	simm.s32 $0xB400  }
0x5de: {  	[tilespmem:s23], [sflag:$0x1] =	stream.indirect_vreg.gather [hbm4b:s5+s8], $0x80, v3, vm0, $0xb8;
	[tilespmem:$0x18400] =	vst v63  }
0x5df: {  	s26 =	simm.s32 $0xBC00  }
0x5e0: {  	[tilespmem:s26], [sflag:$0x1] =	stream.indirect_vreg.gather [hbm4b:s7+s8], $0x80, v3, vm0, $0xb8;
	[tilespmem:$0x18400] =	vst v63  }
0x5e1: {  	_ =	swait.ge [sflag:s1], $0xC000  }
0x5e2: {  	[sflag:s1] =	ssyncset.done $0x0  }
0x5e3: {  	s9 =	simm.s32 $0xC400;
	[sflag:s1] =	ssyncadd.s32 $0xFFFF4000  }
0x5e4: {  	[hbm4b:s18+s24] =	stream.strided.scatter [tilespmem:s9], [sflag:$0x4], $0x400, s29, s24, $0x38;
	[tilespmem:$0x18400] =	vst v63  }
0x5e5: {  	s23 =	simm.s32 $0xC800;
	s26 =	sadd.s32 $0x40, s18  }
0x5e6: {  	[hbm4b:s26+s24] =	stream.strided.scatter [tilespmem:s23], [sflag:$0x4], $0x400, s29, s24, $0x38;
	[tilespmem:$0x18400] =	vst v63  }
0x5e7: {  	s23 =	simm.s32 $0xCC00;
	s26 =	sadd.s32 $0x80, s18  }
0x5e8: {  	[hbm4b:s26+s24] =	stream.strided.scatter [tilespmem:s23], [sflag:$0x4], $0x400, s29, s24, $0x38;
	[tilespmem:$0x18400] =	vst v63  }
0x5e9: {  	s28 =	simm.s32 $0xC000;
	s23 =	simm.s32 $0xD000;
	s26 =	sadd.s32 $0xC0, s18  }
0x5ea: {  	[hbm4b:s26+s24] =	stream.strided.scatter [tilespmem:s23], [sflag:$0x4], $0x400, s29, s24, $0x38;
	[tilespmem:$0x18400] =	vst v63  }
0x5eb: {  	s30 =	simm.s32 $0xD800;
	s23 =	simm.s32 $0xD400;
	s26 =	sadd.s32 $0x100, s18  }
0x5ec: {  	[hbm4b:s26+s24] =	stream.strided.scatter [tilespmem:s23], [sflag:$0x4], $0x400, s29, s24, $0x38;
	[tilespmem:$0x18400] =	vst v63  }
0x5ed: {  	s8 =	sadd.s32 $0x140, s18;
	s23 =	simm.s32 $0x1800;
	s26 =	sadd.s32 $0xC00, s18  }
.LBB2_24:
0x5ee: {  	[hbm4b:s8+s24] =	stream.strided.scatter [tilespmem:s30], [sflag:$0x4], $0x400, s29, s24, $0x38;
	[tilespmem:$0x18400] =	vst v63  }
0x5ef: {  	s8 =	smov.u32 s23;
	s9 =	smov.u32 s28  }
0x5f0: {  	s23 =	sshra.s32 s9, $0x2;
	s9 =	sadd.s32 $0x6000, s28;
	s30 =	sadd.s32 $0xC400, s8  }
0x5f1: {  	[hbm4b:s26+s24] =	stream.strided.scatter [tilespmem:s30], [sflag:$0x4], $0x400, s29, s24, $0x38;
	[tilespmem:$0x18400] =	vst v63  }
0x5f2: {  	p0 =	sne.s32 s28, $0x2A000;
	s28 =	sadd.s32 $0xC800, s8;
	s30 =	sadd.s32 $0x40, s26  }
0x5f3: {  	[hbm4b:s30+s24] =	stream.strided.scatter [tilespmem:s28], [sflag:$0x4], $0x400, s29, s24, $0x38;
	[tilespmem:$0x18400] =	vst v63  }
0x5f4: {  	s28 =	sadd.s32 $0xCC00, s8;
	s30 =	sadd.s32 $0x80, s26  }
0x5f5: {  	[hbm4b:s30+s24] =	stream.strided.scatter [tilespmem:s28], [sflag:$0x4], $0x400, s29, s24, $0x38;
	[tilespmem:$0x18400] =	vst v63  }
0x5f6: {  	s28 =	sadd.s32 $0xD000, s8;
	s30 =	sadd.s32 $0xC0, s26  }
0x5f7: {  	[hbm4b:s30+s24] =	stream.strided.scatter [tilespmem:s28], [sflag:$0x4], $0x400, s29, s24, $0x38;
	[tilespmem:$0x18400] =	vst v63  }
.Ltmp11:
0x5f8: {  	_ = 	snop;
	(pc) =	sbr.rel @p0 .LBB2_24-.Ltmp11, $4  }
0x5f9: {  	s28 =	sadd.s32 $0xD400, s8;
	s30 =	sadd.s32 $0x100, s26  }
0x5fa: {  	[hbm4b:s30+s24] =	stream.strided.scatter [tilespmem:s28], [sflag:$0x4], $0x400, s29, s24, $0x38;
	[tilespmem:$0x18400] =	vst v63  }
0x5fb: {  	s30 =	sadd.s32 $0xD800, s8  }
0x5fc: {  	s8 =	sadd.s32 $0x140, s26;
	s26 =	sadd.s32 $0xC00, s26;
	s28 =	smov.u32 s9  }
0x5fd: {  	[hbm4b:s8+s24] =	stream.strided.scatter [tilespmem:s30], [sflag:$0x4], $0x400, s29, s24, $0x38;
	[tilespmem:$0x18400] =	vst v63  }
0x5fe: {  	s9 =	sadd.s32 $0xC400, s23  }
0x5ff: {  	[hbm4b:s26+s24] =	stream.strided.scatter [tilespmem:s9], [sflag:$0x4], $0x400, s29, s24, $0x38;
	[tilespmem:$0x18400] =	vst v63  }
0x600: {  	s8 =	sadd.s32 $0xC800, s23;
	s9 =	sadd.s32 $0x40, s26  }
0x601: {  	[hbm4b:s9+s24] =	stream.strided.scatter [tilespmem:s8], [sflag:$0x4], $0x400, s29, s24, $0x38;
	[tilespmem:$0x18400] =	vst v63  }
0x602: {  	s8 =	sadd.s32 $0xCC00, s23;
	s9 =	sadd.s32 $0x80, s26  }
0x603: {  	[hbm4b:s9+s24] =	stream.strided.scatter [tilespmem:s8], [sflag:$0x4], $0x400, s29, s24, $0x38;
	[tilespmem:$0x18400] =	vst v63  }
0x604: {  	s8 =	sadd.s32 $0xD000, s23;
	s9 =	sadd.s32 $0xC0, s26  }
0x605: {  	[hbm4b:s9+s24] =	stream.strided.scatter [tilespmem:s8], [sflag:$0x4], $0x400, s29, s24, $0x38;
	[tilespmem:$0x18400] =	vst v63  }
0x606: {  	s8 =	sadd.s32 $0xD400, s23;
	s9 =	sadd.s32 $0x100, s26  }
0x607: {  	[hbm4b:s9+s24] =	stream.strided.scatter [tilespmem:s8], [sflag:$0x4], $0x400, s29, s24, $0x38;
	[tilespmem:$0x18400] =	vst v63  }
0x608: {  	s23 =	sadd.s32 $0xD800, s23;
	s26 =	sadd.s32 $0x140, s26  }
0x609: {  	[hbm4b:s26+s24] =	stream.strided.scatter [tilespmem:s23], [sflag:$0x4], $0x400, s29, s24, $0x38;
	[tilespmem:$0x18400] =	vst v63  }
0x60a: {  	_ =	swait.ge [sflag:s25], $0xC000  }
0x60b: {  	[sflag:s25] =	ssyncset.done $0x0  }
0x60c: {  	[sflag:s25] =	ssyncadd.s32 $0xFFFF4000  }
0x60d: {  	v3 =	vld [tilespmem:$0x340];
	_ =	sdelay $0x4  }
0x60e: {  	v4 =	vshrl.u32 v3, $0x3  }
0x60f: {  	v4 =	vmul.u32 $0x30, v4  }
0x610: {  	v3 =	vand.u32 $0x7, v3  }
0x611: {  	v3 =	vor.u32 v3, v4  }
0x612: {  	v4 =	vperm.xlane v3, v0;
	_ =	sdelay $0x1  }
0x613: {  	v4 =	vadd.s32 v1, v4;
	_ =	sdelay $0x3  }
0x614: {  	s8 =	simm.s32 $0x0;
	s23 =	simm.s32 $0xC400;
	v3 =	vperm.xlane v3, v2  }
0x615: {  	[tilespmem:s23], [sflag:$0x2] =	stream.indirect_vreg.gather [hbm4b:s2+s8], $0x80, v4, vm0, $0xb8;
	[tilespmem:$0x18400] =	vst v63  }
0x616: {  	s26 =	simm.s32 $0xCC00;
	v3 =	vadd.s32 v1, v3  }
0x617: {  	[tilespmem:s26], [sflag:$0x2] =	stream.indirect_vreg.gather [hbm4b:s5+s8], $0x80, v4, vm0, $0xb8;
	[tilespmem:$0x18400] =	vst v63  }
0x618: {  	s23 =	simm.s32 $0xD400  }
0x619: {  	[tilespmem:s23], [sflag:$0x2] =	stream.indirect_vreg.gather [hbm4b:s7+s8], $0x80, v4, vm0, $0xb8;
	[tilespmem:$0x18400] =	vst v63  }
0x61a: {  	s26 =	simm.s32 $0xDC00  }
0x61b: {  	[tilespmem:s26], [sflag:$0x2] =	stream.indirect_vreg.gather [hbm4b:s2+s8], $0x80, v3, vm0, $0xb8;
	[tilespmem:$0x18400] =	vst v63  }
0x61c: {  	s23 =	simm.s32 $0xE400  }
0x61d: {  	[tilespmem:s23], [sflag:$0x2] =	stream.indirect_vreg.gather [hbm4b:s5+s8], $0x80, v3, vm0, $0xb8;
	[tilespmem:$0x18400] =	vst v63  }
0x61e: {  	s26 =	simm.s32 $0xEC00  }
0x61f: {  	[tilespmem:s26], [sflag:$0x2] =	stream.indirect_vreg.gather [hbm4b:s7+s8], $0x80, v3, vm0, $0xb8;
	[tilespmem:$0x18400] =	vst v63  }
0x620: {  	v3 =	vld [tilespmem:$0x350];
	_ =	sdelay $0x4  }
0x621: {  	v61 =	vshrl.u32 v3, $0x3  }
0x622: {  	v4 =	vmul.u32 $0x30, v61  }
0x623: {  	v3 =	vand.u32 $0x7, v3  }
0x624: {  	v3 =	vor.u32 v3, v4  }
0x625: {  	v4 =	vperm.xlane v3, v0;
	_ =	sdelay $0x1  }
0x626: {  	v4 =	vadd.s32 v1, v4;
	_ =	sdelay $0x3  }
0x627: {  	s23 =	simm.s32 $0xF400;
	v3 =	vperm.xlane v3, v2  }
0x628: {  	[tilespmem:s23], [sflag:$0x2] =	stream.indirect_vreg.gather [hbm4b:s2+s8], $0x80, v4, vm0, $0xb8;
	[tilespmem:$0x18400] =	vst v63  }
0x629: {  	s26 =	simm.s32 $0xFC00;
	v3 =	vadd.s32 v1, v3  }
0x62a: {  	[tilespmem:s26], [sflag:$0x2] =	stream.indirect_vreg.gather [hbm4b:s5+s8], $0x80, v4, vm0, $0xb8;
	[tilespmem:$0x18400] =	vst v63  }
0x62b: {  	s23 =	simm.s32 $0x10400  }
0x62c: {  	[tilespmem:s23], [sflag:$0x2] =	stream.indirect_vreg.gather [hbm4b:s7+s8], $0x80, v4, vm0, $0xb8;
	[tilespmem:$0x18400] =	vst v63  }
0x62d: {  	s26 =	simm.s32 $0x10C00  }
0x62e: {  	[tilespmem:s26], [sflag:$0x2] =	stream.indirect_vreg.gather [hbm4b:s2+s8], $0x80, v3, vm0, $0xb8;
	[tilespmem:$0x18400] =	vst v63  }
0x62f: {  	s23 =	simm.s32 $0x11400  }
0x630: {  	[tilespmem:s23], [sflag:$0x2] =	stream.indirect_vreg.gather [hbm4b:s5+s8], $0x80, v3, vm0, $0xb8;
	[tilespmem:$0x18400] =	vst v63  }
0x631: {  	s26 =	simm.s32 $0x11C00  }
0x632: {  	[tilespmem:s26], [sflag:$0x2] =	stream.indirect_vreg.gather [hbm4b:s7+s8], $0x80, v3, vm0, $0xb8;
	[tilespmem:$0x18400] =	vst v63  }
0x633: {  	v3 =	vld [tilespmem:$0x360];
	_ =	sdelay $0x4  }
0x634: {  	v62 =	vshrl.u32 v3, $0x3  }
0x635: {  	v4 =	vmul.u32 $0x30, v62  }
0x636: {  	v3 =	vand.u32 $0x7, v3  }
0x637: {  	v3 =	vor.u32 v3, v4  }
0x638: {  	v4 =	vperm.xlane v3, v0;
	_ =	sdelay $0x1  }
0x639: {  	v4 =	vadd.s32 v1, v4;
	_ =	sdelay $0x3  }
0x63a: {  	s23 =	simm.s32 $0x12400;
	v3 =	vperm.xlane v3, v2  }
0x63b: {  	[tilespmem:s23], [sflag:$0x2] =	stream.indirect_vreg.gather [hbm4b:s2+s8], $0x80, v4, vm0, $0xb8;
	[tilespmem:$0x18400] =	vst v63  }
0x63c: {  	s26 =	simm.s32 $0x12C00;
	v3 =	vadd.s32 v1, v3  }
0x63d: {  	[tilespmem:s26], [sflag:$0x2] =	stream.indirect_vreg.gather [hbm4b:s5+s8], $0x80, v4, vm0, $0xb8;
	[tilespmem:$0x18400] =	vst v63  }
0x63e: {  	s23 =	simm.s32 $0x13400  }
0x63f: {  	[tilespmem:s23], [sflag:$0x2] =	stream.indirect_vreg.gather [hbm4b:s7+s8], $0x80, v4, vm0, $0xb8;
	[tilespmem:$0x18400] =	vst v63  }
0x640: {  	s26 =	simm.s32 $0x13C00  }
0x641: {  	[tilespmem:s26], [sflag:$0x2] =	stream.indirect_vreg.gather [hbm4b:s2+s8], $0x80, v3, vm0, $0xb8;
	[tilespmem:$0x18400] =	vst v63  }
0x642: {  	s23 =	simm.s32 $0x14400  }
0x643: {  	[tilespmem:s23], [sflag:$0x2] =	stream.indirect_vreg.gather [hbm4b:s5+s8], $0x80, v3, vm0, $0xb8;
	[tilespmem:$0x18400] =	vst v63  }
0x644: {  	s26 =	simm.s32 $0x14C00  }
0x645: {  	[tilespmem:s26], [sflag:$0x2] =	stream.indirect_vreg.gather [hbm4b:s7+s8], $0x80, v3, vm0, $0xb8;
	[tilespmem:$0x18400] =	vst v63  }
0x646: {  	v3 =	vld [tilespmem:$0x370];
	_ =	sdelay $0x4  }
0x647: {  	v63 =	vshrl.u32 v3, $0x3  }
0x648: {  	v4 =	vmul.u32 $0x30, v63  }
0x649: {  	v3 =	vand.u32 $0x7, v3  }
0x64a: {  	v3 =	vor.u32 v3, v4  }
0x64b: {  	v4 =	vperm.xlane v3, v0;
	_ =	sdelay $0x1  }
0x64c: {  	v4 =	vadd.s32 v1, v4;
	_ =	sdelay $0x3  }
0x64d: {  	s23 =	simm.s32 $0x15400;
	v3 =	vperm.xlane v3, v2  }
0x64e: {  	[tilespmem:s23], [sflag:$0x2] =	stream.indirect_vreg.gather [hbm4b:s2+s8], $0x80, v4, vm0, $0xb8;
	[tilespmem:$0x18400] =	vst v63  }
0x64f: {  	s26 =	simm.s32 $0x15C00;
	v3 =	vadd.s32 v1, v3  }
0x650: {  	[tilespmem:s26], [sflag:$0x2] =	stream.indirect_vreg.gather [hbm4b:s5+s8], $0x80, v4, vm0, $0xb8;
	[tilespmem:$0x18400] =	vst v63  }
0x651: {  	s23 =	simm.s32 $0x16400  }
0x652: {  	[tilespmem:s23], [sflag:$0x2] =	stream.indirect_vreg.gather [hbm4b:s7+s8], $0x80, v4, vm0, $0xb8;
	[tilespmem:$0x18400] =	vst v63  }
0x653: {  	s26 =	simm.s32 $0x16C00  }
0x654: {  	[tilespmem:s26], [sflag:$0x2] =	stream.indirect_vreg.gather [hbm4b:s2+s8], $0x80, v3, vm0, $0xb8;
	[tilespmem:$0x18400] =	vst v63  }
0x655: {  	s23 =	simm.s32 $0x17400  }
0x656: {  	[tilespmem:s23], [sflag:$0x2] =	stream.indirect_vreg.gather [hbm4b:s5+s8], $0x80, v3, vm0, $0xb8;
	[tilespmem:$0x18400] =	vst v63  }
0x657: {  	s26 =	simm.s32 $0x17C00  }
0x658: {  	[tilespmem:s26], [sflag:$0x2] =	stream.indirect_vreg.gather [hbm4b:s7+s8], $0x80, v3, vm0, $0xb8;
	[tilespmem:$0x18400] =	vst v63  }
0x659: {  	_ =	swait.ge [sflag:s31], $0xC000  }
0x65a: {  	[sflag:s31] =	ssyncset.done $0x0  }
0x65b: {  	s9 =	simm.s32 $0x400;
	[sflag:s31] =	ssyncadd.s32 $0xFFFF4000  }
0x65c: {  	[hbm4b:s19+s24] =	stream.strided.scatter [tilespmem:s9], [sflag:$0x3], $0x400, s29, s24, $0x38;
	[tilespmem:$0x18400] =	vst v63  }
0x65d: {  	s23 =	simm.s32 $0x800;
	s26 =	sadd.s32 $0x40, s19  }
0x65e: {  	[hbm4b:s26+s24] =	stream.strided.scatter [tilespmem:s23], [sflag:$0x3], $0x400, s29, s24, $0x38;
	[tilespmem:$0x18400] =	vst v63  }
0x65f: {  	s23 =	simm.s32 $0xC00;
	s26 =	sadd.s32 $0x80, s19  }
0x660: {  	[hbm4b:s26+s24] =	stream.strided.scatter [tilespmem:s23], [sflag:$0x3], $0x400, s29, s24, $0x38;
	[tilespmem:$0x18400] =	vst v63  }
0x661: {  	s28 =	simm.s32 $0xC000;
	s23 =	simm.s32 $0x1000;
	s26 =	sadd.s32 $0xC0, s19  }
0x662: {  	[hbm4b:s26+s24] =	stream.strided.scatter [tilespmem:s23], [sflag:$0x3], $0x400, s29, s24, $0x38;
	[tilespmem:$0x18400] =	vst v63  }
0x663: {  	s30 =	simm.s32 $0x1800;
	s23 =	simm.s32 $0x1400;
	s26 =	sadd.s32 $0x100, s19  }
0x664: {  	[hbm4b:s26+s24] =	stream.strided.scatter [tilespmem:s23], [sflag:$0x3], $0x400, s29, s24, $0x38;
	[tilespmem:$0x18400] =	vst v63  }
0x665: {  	s8 =	sadd.s32 $0x140, s19;
	s23 =	simm.s32 $0x1800;
	s26 =	sadd.s32 $0xC00, s19  }
.LBB2_26:
0x666: {  	[hbm4b:s8+s24] =	stream.strided.scatter [tilespmem:s30], [sflag:$0x3], $0x400, s29, s24, $0x38;
	[tilespmem:$0x18400] =	vst v63  }
0x667: {  	s8 =	smov.u32 s23;
	s9 =	smov.u32 s28  }
0x668: {  	s23 =	sshra.s32 s9, $0x2;
	s9 =	sadd.s32 $0x6000, s28;
	s30 =	sadd.s32 $0x400, s8  }
0x669: {  	[hbm4b:s26+s24] =	stream.strided.scatter [tilespmem:s30], [sflag:$0x3], $0x400, s29, s24, $0x38;
	[tilespmem:$0x18400] =	vst v63  }
0x66a: {  	p0 =	sne.s32 s28, $0x2A000;
	s28 =	sadd.s32 $0x800, s8;
	s30 =	sadd.s32 $0x40, s26  }
0x66b: {  	[hbm4b:s30+s24] =	stream.strided.scatter [tilespmem:s28], [sflag:$0x3], $0x400, s29, s24, $0x38;
	[tilespmem:$0x18400] =	vst v63  }
0x66c: {  	s28 =	sadd.s32 $0xC00, s8;
	s30 =	sadd.s32 $0x80, s26  }
0x66d: {  	[hbm4b:s30+s24] =	stream.strided.scatter [tilespmem:s28], [sflag:$0x3], $0x400, s29, s24, $0x38;
	[tilespmem:$0x18400] =	vst v63  }
0x66e: {  	s28 =	sadd.s32 $0x1000, s8;
	s30 =	sadd.s32 $0xC0, s26  }
0x66f: {  	[hbm4b:s30+s24] =	stream.strided.scatter [tilespmem:s28], [sflag:$0x3], $0x400, s29, s24, $0x38;
	[tilespmem:$0x18400] =	vst v63  }
.Ltmp12:
0x670: {  	_ = 	snop;
	(pc) =	sbr.rel @p0 .LBB2_26-.Ltmp12, $4  }
0x671: {  	s28 =	sadd.s32 $0x1400, s8;
	s30 =	sadd.s32 $0x100, s26  }
0x672: {  	[hbm4b:s30+s24] =	stream.strided.scatter [tilespmem:s28], [sflag:$0x3], $0x400, s29, s24, $0x38;
	[tilespmem:$0x18400] =	vst v63  }
0x673: {  	s30 =	sadd.s32 $0x1800, s8  }
0x674: {  	s8 =	sadd.s32 $0x140, s26;
	s26 =	sadd.s32 $0xC00, s26;
	s28 =	smov.u32 s9  }
0x675: {  	[hbm4b:s8+s24] =	stream.strided.scatter [tilespmem:s30], [sflag:$0x3], $0x400, s29, s24, $0x38;
	[tilespmem:$0x18400] =	vst v63  }
0x676: {  	s9 =	sadd.s32 $0x400, s23  }
0x677: {  	[hbm4b:s26+s24] =	stream.strided.scatter [tilespmem:s9], [sflag:$0x3], $0x400, s29, s24, $0x38;
	[tilespmem:$0x18400] =	vst v63  }
0x678: {  	s8 =	sadd.s32 $0x800, s23;
	s9 =	sadd.s32 $0x40, s26  }
0x679: {  	[hbm4b:s9+s24] =	stream.strided.scatter [tilespmem:s8], [sflag:$0x3], $0x400, s29, s24, $0x38;
	[tilespmem:$0x18400] =	vst v63  }
0x67a: {  	s8 =	sadd.s32 $0xC00, s23;
	s9 =	sadd.s32 $0x80, s26  }
0x67b: {  	[hbm4b:s9+s24] =	stream.strided.scatter [tilespmem:s8], [sflag:$0x3], $0x400, s29, s24, $0x38;
	[tilespmem:$0x18400] =	vst v63  }
0x67c: {  	s8 =	sadd.s32 $0x1000, s23;
	s9 =	sadd.s32 $0xC0, s26  }
0x67d: {  	[hbm4b:s9+s24] =	stream.strided.scatter [tilespmem:s8], [sflag:$0x3], $0x400, s29, s24, $0x38;
	[tilespmem:$0x18400] =	vst v63  }
0x67e: {  	s8 =	sadd.s32 $0x1400, s23;
	s9 =	sadd.s32 $0x100, s26  }
0x67f: {  	[hbm4b:s9+s24] =	stream.strided.scatter [tilespmem:s8], [sflag:$0x3], $0x400, s29, s24, $0x38;
	[tilespmem:$0x18400] =	vst v63  }
0x680: {  	s9 =	sadd.s32 $0x1800, s23;
	s23 =	sadd.s32 $0x140, s26  }
0x681: {  	[hbm4b:s23+s24] =	stream.strided.scatter [tilespmem:s9], [sflag:$0x3], $0x400, s29, s24, $0x38;
	[tilespmem:$0x18400] =	vst v63  }
0x682: {  	_ =	swait.ge [sflag:s0], $0xC000  }
0x683: {  	[sflag:s0] =	ssyncset.done $0x0  }
0x684: {  	[sflag:s0] =	ssyncadd.s32 $0xFFFF4000  }
0x685: {  	v3 =	vld [tilespmem:$0x380];
	_ =	sdelay $0x4  }
0x686: {  	v4 =	vshrl.u32 v3, $0x3  }
0x687: {  	v4 =	vmul.u32 $0x30, v4  }
0x688: {  	v3 =	vand.u32 $0x7, v3  }
0x689: {  	v3 =	vor.u32 v3, v4  }
0x68a: {  	v4 =	vperm.xlane v3, v0;
	_ =	sdelay $0x1  }
0x68b: {  	v4 =	vadd.s32 v1, v4;
	_ =	sdelay $0x3  }
0x68c: {  	s8 =	simm.s32 $0x0;
	s26 =	simm.s32 $0x400;
	v3 =	vperm.xlane v3, v2  }
0x68d: {  	[tilespmem:s26], [sflag:$0x1] =	stream.indirect_vreg.gather [hbm4b:s2+s8], $0x80, v4, vm0, $0xb8;
	[tilespmem:$0x18400] =	vst v63  }
0x68e: {  	v3 =	vadd.s32 v1, v3  }
0x68f: {  	[tilespmem:s29], [sflag:$0x1] =	stream.indirect_vreg.gather [hbm4b:s5+s8], $0x80, v4, vm0, $0xb8;
	[tilespmem:$0x18400] =	vst v63  }
0x690: {  	s23 =	simm.s32 $0x1400  }
0x691: {  	[tilespmem:s23], [sflag:$0x1] =	stream.indirect_vreg.gather [hbm4b:s7+s8], $0x80, v4, vm0, $0xb8;
	[tilespmem:$0x18400] =	vst v63  }
0x692: {  	s26 =	simm.s32 $0x1C00  }
0x693: {  	[tilespmem:s26], [sflag:$0x1] =	stream.indirect_vreg.gather [hbm4b:s2+s8], $0x80, v3, vm0, $0xb8;
	[tilespmem:$0x18400] =	vst v63  }
0x694: {  	s23 =	simm.s32 $0x2400  }
0x695: {  	[tilespmem:s23], [sflag:$0x1] =	stream.indirect_vreg.gather [hbm4b:s5+s8], $0x80, v3, vm0, $0xb8;
	[tilespmem:$0x18400] =	vst v63  }
0x696: {  	s26 =	simm.s32 $0x2C00  }
0x697: {  	[tilespmem:s26], [sflag:$0x1] =	stream.indirect_vreg.gather [hbm4b:s7+s8], $0x80, v3, vm0, $0xb8;
	[tilespmem:$0x18400] =	vst v63  }
0x698: {  	v3 =	vld [tilespmem:$0x390];
	_ =	sdelay $0x4  }
0x699: {  	v61 =	vshrl.u32 v3, $0x3  }
0x69a: {  	v4 =	vmul.u32 $0x30, v61  }
0x69b: {  	v3 =	vand.u32 $0x7, v3  }
0x69c: {  	v3 =	vor.u32 v3, v4  }
0x69d: {  	v4 =	vperm.xlane v3, v0;
	_ =	sdelay $0x1  }
0x69e: {  	v4 =	vadd.s32 v1, v4;
	_ =	sdelay $0x3  }
0x69f: {  	s23 =	simm.s32 $0x3400;
	v3 =	vperm.xlane v3, v2  }
0x6a0: {  	[tilespmem:s23], [sflag:$0x1] =	stream.indirect_vreg.gather [hbm4b:s2+s8], $0x80, v4, vm0, $0xb8;
	[tilespmem:$0x18400] =	vst v63  }
0x6a1: {  	s26 =	simm.s32 $0x3C00;
	v3 =	vadd.s32 v1, v3  }
0x6a2: {  	[tilespmem:s26], [sflag:$0x1] =	stream.indirect_vreg.gather [hbm4b:s5+s8], $0x80, v4, vm0, $0xb8;
	[tilespmem:$0x18400] =	vst v63  }
0x6a3: {  	s23 =	simm.s32 $0x4400  }
0x6a4: {  	[tilespmem:s23], [sflag:$0x1] =	stream.indirect_vreg.gather [hbm4b:s7+s8], $0x80, v4, vm0, $0xb8;
	[tilespmem:$0x18400] =	vst v63  }
0x6a5: {  	s26 =	simm.s32 $0x4C00  }
0x6a6: {  	[tilespmem:s26], [sflag:$0x1] =	stream.indirect_vreg.gather [hbm4b:s2+s8], $0x80, v3, vm0, $0xb8;
	[tilespmem:$0x18400] =	vst v63  }
0x6a7: {  	s23 =	simm.s32 $0x5400  }
0x6a8: {  	[tilespmem:s23], [sflag:$0x1] =	stream.indirect_vreg.gather [hbm4b:s5+s8], $0x80, v3, vm0, $0xb8;
	[tilespmem:$0x18400] =	vst v63  }
0x6a9: {  	s26 =	simm.s32 $0x5C00  }
0x6aa: {  	[tilespmem:s26], [sflag:$0x1] =	stream.indirect_vreg.gather [hbm4b:s7+s8], $0x80, v3, vm0, $0xb8;
	[tilespmem:$0x18400] =	vst v63  }
0x6ab: {  	v3 =	vld [tilespmem:$0x3A0];
	_ =	sdelay $0x4  }
0x6ac: {  	v62 =	vshrl.u32 v3, $0x3  }
0x6ad: {  	v4 =	vmul.u32 $0x30, v62  }
0x6ae: {  	v3 =	vand.u32 $0x7, v3  }
0x6af: {  	v3 =	vor.u32 v3, v4  }
0x6b0: {  	v4 =	vperm.xlane v3, v0;
	_ =	sdelay $0x1  }
0x6b1: {  	v4 =	vadd.s32 v1, v4;
	_ =	sdelay $0x3  }
0x6b2: {  	s23 =	simm.s32 $0x6400;
	v3 =	vperm.xlane v3, v2  }
0x6b3: {  	[tilespmem:s23], [sflag:$0x1] =	stream.indirect_vreg.gather [hbm4b:s2+s8], $0x80, v4, vm0, $0xb8;
	[tilespmem:$0x18400] =	vst v63  }
0x6b4: {  	s26 =	simm.s32 $0x6C00;
	v3 =	vadd.s32 v1, v3  }
0x6b5: {  	[tilespmem:s26], [sflag:$0x1] =	stream.indirect_vreg.gather [hbm4b:s5+s8], $0x80, v4, vm0, $0xb8;
	[tilespmem:$0x18400] =	vst v63  }
0x6b6: {  	s23 =	simm.s32 $0x7400  }
0x6b7: {  	[tilespmem:s23], [sflag:$0x1] =	stream.indirect_vreg.gather [hbm4b:s7+s8], $0x80, v4, vm0, $0xb8;
	[tilespmem:$0x18400] =	vst v63  }
0x6b8: {  	s26 =	simm.s32 $0x7C00  }
0x6b9: {  	[tilespmem:s26], [sflag:$0x1] =	stream.indirect_vreg.gather [hbm4b:s2+s8], $0x80, v3, vm0, $0xb8;
	[tilespmem:$0x18400] =	vst v63  }
0x6ba: {  	s23 =	simm.s32 $0x8400  }
0x6bb: {  	[tilespmem:s23], [sflag:$0x1] =	stream.indirect_vreg.gather [hbm4b:s5+s8], $0x80, v3, vm0, $0xb8;
	[tilespmem:$0x18400] =	vst v63  }
0x6bc: {  	s26 =	simm.s32 $0x8C00  }
0x6bd: {  	[tilespmem:s26], [sflag:$0x1] =	stream.indirect_vreg.gather [hbm4b:s7+s8], $0x80, v3, vm0, $0xb8;
	[tilespmem:$0x18400] =	vst v63  }
0x6be: {  	v3 =	vld [tilespmem:$0x3B0];
	_ =	sdelay $0x4  }
0x6bf: {  	v63 =	vshrl.u32 v3, $0x3  }
0x6c0: {  	v4 =	vmul.u32 $0x30, v63  }
0x6c1: {  	v3 =	vand.u32 $0x7, v3  }
0x6c2: {  	v3 =	vor.u32 v3, v4  }
0x6c3: {  	v4 =	vperm.xlane v3, v0;
	_ =	sdelay $0x1  }
0x6c4: {  	v4 =	vadd.s32 v1, v4;
	_ =	sdelay $0x3  }
0x6c5: {  	s23 =	simm.s32 $0x9400;
	v3 =	vperm.xlane v3, v2  }
0x6c6: {  	[tilespmem:s23], [sflag:$0x1] =	stream.indirect_vreg.gather [hbm4b:s2+s8], $0x80, v4, vm0, $0xb8;
	[tilespmem:$0x18400] =	vst v63  }
0x6c7: {  	s26 =	simm.s32 $0x9C00;
	v3 =	vadd.s32 v1, v3  }
0x6c8: {  	[tilespmem:s26], [sflag:$0x1] =	stream.indirect_vreg.gather [hbm4b:s5+s8], $0x80, v4, vm0, $0xb8;
	[tilespmem:$0x18400] =	vst v63  }
0x6c9: {  	s23 =	simm.s32 $0xA400  }
0x6ca: {  	[tilespmem:s23], [sflag:$0x1] =	stream.indirect_vreg.gather [hbm4b:s7+s8], $0x80, v4, vm0, $0xb8;
	[tilespmem:$0x18400] =	vst v63  }
0x6cb: {  	s26 =	simm.s32 $0xAC00  }
0x6cc: {  	[tilespmem:s26], [sflag:$0x1] =	stream.indirect_vreg.gather [hbm4b:s2+s8], $0x80, v3, vm0, $0xb8;
	[tilespmem:$0x18400] =	vst v63  }
0x6cd: {  	s23 =	simm.s32 $0xB400  }
0x6ce: {  	[tilespmem:s23], [sflag:$0x1] =	stream.indirect_vreg.gather [hbm4b:s5+s8], $0x80, v3, vm0, $0xb8;
	[tilespmem:$0x18400] =	vst v63  }
0x6cf: {  	s26 =	simm.s32 $0xBC00  }
0x6d0: {  	[tilespmem:s26], [sflag:$0x1] =	stream.indirect_vreg.gather [hbm4b:s7+s8], $0x80, v3, vm0, $0xb8;
	[tilespmem:$0x18400] =	vst v63  }
0x6d1: {  	_ =	swait.ge [sflag:s1], $0xC000  }
0x6d2: {  	[sflag:s1] =	ssyncset.done $0x0  }
0x6d3: {  	s9 =	simm.s32 $0xC400;
	[sflag:s1] =	ssyncadd.s32 $0xFFFF4000  }
0x6d4: {  	[hbm4b:s20+s24] =	stream.strided.scatter [tilespmem:s9], [sflag:$0x4], $0x400, s29, s24, $0x38;
	[tilespmem:$0x18400] =	vst v63  }
0x6d5: {  	s23 =	simm.s32 $0xC800;
	s26 =	sadd.s32 $0x40, s20  }
0x6d6: {  	[hbm4b:s26+s24] =	stream.strided.scatter [tilespmem:s23], [sflag:$0x4], $0x400, s29, s24, $0x38;
	[tilespmem:$0x18400] =	vst v63  }
0x6d7: {  	s23 =	simm.s32 $0xCC00;
	s26 =	sadd.s32 $0x80, s20  }
0x6d8: {  	[hbm4b:s26+s24] =	stream.strided.scatter [tilespmem:s23], [sflag:$0x4], $0x400, s29, s24, $0x38;
	[tilespmem:$0x18400] =	vst v63  }
0x6d9: {  	s28 =	simm.s32 $0xC000;
	s23 =	simm.s32 $0xD000;
	s26 =	sadd.s32 $0xC0, s20  }
0x6da: {  	[hbm4b:s26+s24] =	stream.strided.scatter [tilespmem:s23], [sflag:$0x4], $0x400, s29, s24, $0x38;
	[tilespmem:$0x18400] =	vst v63  }
0x6db: {  	s30 =	simm.s32 $0xD800;
	s23 =	simm.s32 $0xD400;
	s26 =	sadd.s32 $0x100, s20  }
0x6dc: {  	[hbm4b:s26+s24] =	stream.strided.scatter [tilespmem:s23], [sflag:$0x4], $0x400, s29, s24, $0x38;
	[tilespmem:$0x18400] =	vst v63  }
0x6dd: {  	s8 =	sadd.s32 $0x140, s20;
	s23 =	simm.s32 $0x1800;
	s26 =	sadd.s32 $0xC00, s20  }
.LBB2_28:
0x6de: {  	[hbm4b:s8+s24] =	stream.strided.scatter [tilespmem:s30], [sflag:$0x4], $0x400, s29, s24, $0x38;
	[tilespmem:$0x18400] =	vst v63  }
0x6df: {  	s8 =	smov.u32 s23;
	s9 =	smov.u32 s28  }
0x6e0: {  	s23 =	sshra.s32 s9, $0x2;
	s9 =	sadd.s32 $0x6000, s28;
	s30 =	sadd.s32 $0xC400, s8  }
0x6e1: {  	[hbm4b:s26+s24] =	stream.strided.scatter [tilespmem:s30], [sflag:$0x4], $0x400, s29, s24, $0x38;
	[tilespmem:$0x18400] =	vst v63  }
0x6e2: {  	p0 =	sne.s32 s28, $0x2A000;
	s28 =	sadd.s32 $0xC800, s8;
	s30 =	sadd.s32 $0x40, s26  }
0x6e3: {  	[hbm4b:s30+s24] =	stream.strided.scatter [tilespmem:s28], [sflag:$0x4], $0x400, s29, s24, $0x38;
	[tilespmem:$0x18400] =	vst v63  }
0x6e4: {  	s28 =	sadd.s32 $0xCC00, s8;
	s30 =	sadd.s32 $0x80, s26  }
0x6e5: {  	[hbm4b:s30+s24] =	stream.strided.scatter [tilespmem:s28], [sflag:$0x4], $0x400, s29, s24, $0x38;
	[tilespmem:$0x18400] =	vst v63  }
0x6e6: {  	s28 =	sadd.s32 $0xD000, s8;
	s30 =	sadd.s32 $0xC0, s26  }
0x6e7: {  	[hbm4b:s30+s24] =	stream.strided.scatter [tilespmem:s28], [sflag:$0x4], $0x400, s29, s24, $0x38;
	[tilespmem:$0x18400] =	vst v63  }
.Ltmp13:
0x6e8: {  	_ = 	snop;
	(pc) =	sbr.rel @p0 .LBB2_28-.Ltmp13, $4  }
0x6e9: {  	s28 =	sadd.s32 $0xD400, s8;
	s30 =	sadd.s32 $0x100, s26  }
0x6ea: {  	[hbm4b:s30+s24] =	stream.strided.scatter [tilespmem:s28], [sflag:$0x4], $0x400, s29, s24, $0x38;
	[tilespmem:$0x18400] =	vst v63  }
0x6eb: {  	s30 =	sadd.s32 $0xD800, s8  }
0x6ec: {  	s8 =	sadd.s32 $0x140, s26;
	s26 =	sadd.s32 $0xC00, s26;
	s28 =	smov.u32 s9  }
0x6ed: {  	[hbm4b:s8+s24] =	stream.strided.scatter [tilespmem:s30], [sflag:$0x4], $0x400, s29, s24, $0x38;
	[tilespmem:$0x18400] =	vst v63  }
0x6ee: {  	s9 =	sadd.s32 $0xC400, s23  }
0x6ef: {  	[hbm4b:s26+s24] =	stream.strided.scatter [tilespmem:s9], [sflag:$0x4], $0x400, s29, s24, $0x38;
	[tilespmem:$0x18400] =	vst v63  }
0x6f0: {  	s8 =	sadd.s32 $0xC800, s23;
	s9 =	sadd.s32 $0x40, s26  }
0x6f1: {  	[hbm4b:s9+s24] =	stream.strided.scatter [tilespmem:s8], [sflag:$0x4], $0x400, s29, s24, $0x38;
	[tilespmem:$0x18400] =	vst v63  }
0x6f2: {  	s8 =	sadd.s32 $0xCC00, s23;
	s9 =	sadd.s32 $0x80, s26  }
0x6f3: {  	[hbm4b:s9+s24] =	stream.strided.scatter [tilespmem:s8], [sflag:$0x4], $0x400, s29, s24, $0x38;
	[tilespmem:$0x18400] =	vst v63  }
0x6f4: {  	s8 =	sadd.s32 $0xD000, s23;
	s9 =	sadd.s32 $0xC0, s26  }
0x6f5: {  	[hbm4b:s9+s24] =	stream.strided.scatter [tilespmem:s8], [sflag:$0x4], $0x400, s29, s24, $0x38;
	[tilespmem:$0x18400] =	vst v63  }
0x6f6: {  	s8 =	sadd.s32 $0xD400, s23;
	s9 =	sadd.s32 $0x100, s26  }
0x6f7: {  	[hbm4b:s9+s24] =	stream.strided.scatter [tilespmem:s8], [sflag:$0x4], $0x400, s29, s24, $0x38;
	[tilespmem:$0x18400] =	vst v63  }
0x6f8: {  	s23 =	sadd.s32 $0xD800, s23;
	s26 =	sadd.s32 $0x140, s26  }
0x6f9: {  	[hbm4b:s26+s24] =	stream.strided.scatter [tilespmem:s23], [sflag:$0x4], $0x400, s29, s24, $0x38;
	[tilespmem:$0x18400] =	vst v63  }
0x6fa: {  	_ =	swait.ge [sflag:s25], $0xC000  }
0x6fb: {  	[sflag:s25] =	ssyncset.done $0x0  }
0x6fc: {  	[sflag:s25] =	ssyncadd.s32 $0xFFFF4000  }
0x6fd: {  	v3 =	vld [tilespmem:$0x3C0];
	_ =	sdelay $0x4  }
0x6fe: {  	v4 =	vshrl.u32 v3, $0x3  }
0x6ff: {  	v4 =	vmul.u32 $0x30, v4  }
0x700: {  	v3 =	vand.u32 $0x7, v3  }
0x701: {  	v3 =	vor.u32 v3, v4  }
0x702: {  	v4 =	vperm.xlane v3, v0;
	_ =	sdelay $0x1  }
0x703: {  	v4 =	vadd.s32 v1, v4;
	_ =	sdelay $0x3  }
0x704: {  	s8 =	simm.s32 $0x0;
	s23 =	simm.s32 $0xC400;
	v3 =	vperm.xlane v3, v2  }
0x705: {  	[tilespmem:s23], [sflag:$0x2] =	stream.indirect_vreg.gather [hbm4b:s2+s8], $0x80, v4, vm0, $0xb8;
	[tilespmem:$0x18400] =	vst v63  }
0x706: {  	s26 =	simm.s32 $0xCC00;
	v3 =	vadd.s32 v1, v3  }
0x707: {  	[tilespmem:s26], [sflag:$0x2] =	stream.indirect_vreg.gather [hbm4b:s5+s8], $0x80, v4, vm0, $0xb8;
	[tilespmem:$0x18400] =	vst v63  }
0x708: {  	s23 =	simm.s32 $0xD400  }
0x709: {  	[tilespmem:s23], [sflag:$0x2] =	stream.indirect_vreg.gather [hbm4b:s7+s8], $0x80, v4, vm0, $0xb8;
	[tilespmem:$0x18400] =	vst v63  }
0x70a: {  	s26 =	simm.s32 $0xDC00  }
0x70b: {  	[tilespmem:s26], [sflag:$0x2] =	stream.indirect_vreg.gather [hbm4b:s2+s8], $0x80, v3, vm0, $0xb8;
	[tilespmem:$0x18400] =	vst v63  }
0x70c: {  	s23 =	simm.s32 $0xE400  }
0x70d: {  	[tilespmem:s23], [sflag:$0x2] =	stream.indirect_vreg.gather [hbm4b:s5+s8], $0x80, v3, vm0, $0xb8;
	[tilespmem:$0x18400] =	vst v63  }
0x70e: {  	s26 =	simm.s32 $0xEC00  }
0x70f: {  	[tilespmem:s26], [sflag:$0x2] =	stream.indirect_vreg.gather [hbm4b:s7+s8], $0x80, v3, vm0, $0xb8;
	[tilespmem:$0x18400] =	vst v63  }
0x710: {  	v3 =	vld [tilespmem:$0x3D0];
	_ =	sdelay $0x4  }
0x711: {  	v61 =	vshrl.u32 v3, $0x3  }
0x712: {  	v4 =	vmul.u32 $0x30, v61  }
0x713: {  	v3 =	vand.u32 $0x7, v3  }
0x714: {  	v3 =	vor.u32 v3, v4  }
0x715: {  	v4 =	vperm.xlane v3, v0;
	_ =	sdelay $0x1  }
0x716: {  	v4 =	vadd.s32 v1, v4;
	_ =	sdelay $0x3  }
0x717: {  	s23 =	simm.s32 $0xF400;
	v3 =	vperm.xlane v3, v2  }
0x718: {  	[tilespmem:s23], [sflag:$0x2] =	stream.indirect_vreg.gather [hbm4b:s2+s8], $0x80, v4, vm0, $0xb8;
	[tilespmem:$0x18400] =	vst v63  }
0x719: {  	s26 =	simm.s32 $0xFC00;
	v3 =	vadd.s32 v1, v3  }
0x71a: {  	[tilespmem:s26], [sflag:$0x2] =	stream.indirect_vreg.gather [hbm4b:s5+s8], $0x80, v4, vm0, $0xb8;
	[tilespmem:$0x18400] =	vst v63  }
0x71b: {  	s23 =	simm.s32 $0x10400  }
0x71c: {  	[tilespmem:s23], [sflag:$0x2] =	stream.indirect_vreg.gather [hbm4b:s7+s8], $0x80, v4, vm0, $0xb8;
	[tilespmem:$0x18400] =	vst v63  }
0x71d: {  	s26 =	simm.s32 $0x10C00  }
0x71e: {  	[tilespmem:s26], [sflag:$0x2] =	stream.indirect_vreg.gather [hbm4b:s2+s8], $0x80, v3, vm0, $0xb8;
	[tilespmem:$0x18400] =	vst v63  }
0x71f: {  	s23 =	simm.s32 $0x11400  }
0x720: {  	[tilespmem:s23], [sflag:$0x2] =	stream.indirect_vreg.gather [hbm4b:s5+s8], $0x80, v3, vm0, $0xb8;
	[tilespmem:$0x18400] =	vst v63  }
0x721: {  	s26 =	simm.s32 $0x11C00  }
0x722: {  	[tilespmem:s26], [sflag:$0x2] =	stream.indirect_vreg.gather [hbm4b:s7+s8], $0x80, v3, vm0, $0xb8;
	[tilespmem:$0x18400] =	vst v63  }
0x723: {  	v3 =	vld [tilespmem:$0x3E0];
	_ =	sdelay $0x4  }
0x724: {  	v62 =	vshrl.u32 v3, $0x3  }
0x725: {  	v4 =	vmul.u32 $0x30, v62  }
0x726: {  	v3 =	vand.u32 $0x7, v3  }
0x727: {  	v3 =	vor.u32 v3, v4  }
0x728: {  	v4 =	vperm.xlane v3, v0;
	_ =	sdelay $0x1  }
0x729: {  	v4 =	vadd.s32 v1, v4;
	_ =	sdelay $0x3  }
0x72a: {  	s23 =	simm.s32 $0x12400;
	v3 =	vperm.xlane v3, v2  }
0x72b: {  	[tilespmem:s23], [sflag:$0x2] =	stream.indirect_vreg.gather [hbm4b:s2+s8], $0x80, v4, vm0, $0xb8;
	[tilespmem:$0x18400] =	vst v63  }
0x72c: {  	s26 =	simm.s32 $0x12C00;
	v3 =	vadd.s32 v1, v3  }
0x72d: {  	[tilespmem:s26], [sflag:$0x2] =	stream.indirect_vreg.gather [hbm4b:s5+s8], $0x80, v4, vm0, $0xb8;
	[tilespmem:$0x18400] =	vst v63  }
0x72e: {  	s23 =	simm.s32 $0x13400  }
0x72f: {  	[tilespmem:s23], [sflag:$0x2] =	stream.indirect_vreg.gather [hbm4b:s7+s8], $0x80, v4, vm0, $0xb8;
	[tilespmem:$0x18400] =	vst v63  }
0x730: {  	s26 =	simm.s32 $0x13C00  }
0x731: {  	[tilespmem:s26], [sflag:$0x2] =	stream.indirect_vreg.gather [hbm4b:s2+s8], $0x80, v3, vm0, $0xb8;
	[tilespmem:$0x18400] =	vst v63  }
0x732: {  	s23 =	simm.s32 $0x14400  }
0x733: {  	[tilespmem:s23], [sflag:$0x2] =	stream.indirect_vreg.gather [hbm4b:s5+s8], $0x80, v3, vm0, $0xb8;
	[tilespmem:$0x18400] =	vst v63  }
0x734: {  	s26 =	simm.s32 $0x14C00  }
0x735: {  	[tilespmem:s26], [sflag:$0x2] =	stream.indirect_vreg.gather [hbm4b:s7+s8], $0x80, v3, vm0, $0xb8;
	[tilespmem:$0x18400] =	vst v63  }
0x736: {  	v3 =	vld [tilespmem:$0x3F0];
	_ =	sdelay $0x4  }
0x737: {  	v63 =	vshrl.u32 v3, $0x3  }
0x738: {  	v4 =	vmul.u32 $0x30, v63  }
0x739: {  	v3 =	vand.u32 $0x7, v3  }
0x73a: {  	v3 =	vor.u32 v3, v4  }
0x73b: {  	v4 =	vperm.xlane v3, v0;
	_ =	sdelay $0x1  }
0x73c: {  	v4 =	vadd.s32 v1, v4;
	_ =	sdelay $0x3  }
0x73d: {  	s23 =	simm.s32 $0x15400;
	v3 =	vperm.xlane v3, v2  }
0x73e: {  	[tilespmem:s23], [sflag:$0x2] =	stream.indirect_vreg.gather [hbm4b:s2+s8], $0x80, v4, vm0, $0xb8;
	[tilespmem:$0x18400] =	vst v63  }
0x73f: {  	s26 =	simm.s32 $0x15C00;
	v3 =	vadd.s32 v1, v3  }
0x740: {  	[tilespmem:s26], [sflag:$0x2] =	stream.indirect_vreg.gather [hbm4b:s5+s8], $0x80, v4, vm0, $0xb8;
	[tilespmem:$0x18400] =	vst v63  }
0x741: {  	s23 =	simm.s32 $0x16400  }
0x742: {  	[tilespmem:s23], [sflag:$0x2] =	stream.indirect_vreg.gather [hbm4b:s7+s8], $0x80, v4, vm0, $0xb8;
	[tilespmem:$0x18400] =	vst v63  }
0x743: {  	s26 =	simm.s32 $0x16C00  }
0x744: {  	[tilespmem:s26], [sflag:$0x2] =	stream.indirect_vreg.gather [hbm4b:s2+s8], $0x80, v3, vm0, $0xb8;
	[tilespmem:$0x18400] =	vst v63  }
0x745: {  	s23 =	simm.s32 $0x17400  }
0x746: {  	[tilespmem:s23], [sflag:$0x2] =	stream.indirect_vreg.gather [hbm4b:s5+s8], $0x80, v3, vm0, $0xb8;
	[tilespmem:$0x18400] =	vst v63  }
0x747: {  	s26 =	simm.s32 $0x17C00  }
0x748: {  	[tilespmem:s26], [sflag:$0x2] =	stream.indirect_vreg.gather [hbm4b:s7+s8], $0x80, v3, vm0, $0xb8;
	[tilespmem:$0x18400] =	vst v63  }
0x749: {  	_ =	swait.ge [sflag:s31], $0xC000  }
0x74a: {  	[sflag:s31] =	ssyncset.done $0x0  }
0x74b: {  	s9 =	simm.s32 $0x400;
	[sflag:s31] =	ssyncadd.s32 $0xFFFF4000  }
0x74c: {  	[hbm4b:s21+s24] =	stream.strided.scatter [tilespmem:s9], [sflag:$0x3], $0x400, s29, s24, $0x38;
	[tilespmem:$0x18400] =	vst v63  }
0x74d: {  	s23 =	simm.s32 $0x800;
	s26 =	sadd.s32 $0x40, s21  }
0x74e: {  	[hbm4b:s26+s24] =	stream.strided.scatter [tilespmem:s23], [sflag:$0x3], $0x400, s29, s24, $0x38;
	[tilespmem:$0x18400] =	vst v63  }
0x74f: {  	s23 =	simm.s32 $0xC00;
	s26 =	sadd.s32 $0x80, s21  }
0x750: {  	[hbm4b:s26+s24] =	stream.strided.scatter [tilespmem:s23], [sflag:$0x3], $0x400, s29, s24, $0x38;
	[tilespmem:$0x18400] =	vst v63  }
0x751: {  	s28 =	simm.s32 $0xC000;
	s23 =	simm.s32 $0x1000;
	s26 =	sadd.s32 $0xC0, s21  }
0x752: {  	[hbm4b:s26+s24] =	stream.strided.scatter [tilespmem:s23], [sflag:$0x3], $0x400, s29, s24, $0x38;
	[tilespmem:$0x18400] =	vst v63  }
0x753: {  	s30 =	simm.s32 $0x1800;
	s23 =	simm.s32 $0x1400;
	s26 =	sadd.s32 $0x100, s21  }
0x754: {  	[hbm4b:s26+s24] =	stream.strided.scatter [tilespmem:s23], [sflag:$0x3], $0x400, s29, s24, $0x38;
	[tilespmem:$0x18400] =	vst v63  }
0x755: {  	s8 =	sadd.s32 $0x140, s21;
	s23 =	simm.s32 $0x1800;
	s26 =	sadd.s32 $0xC00, s21  }
.LBB2_30:
0x756: {  	[hbm4b:s8+s24] =	stream.strided.scatter [tilespmem:s30], [sflag:$0x3], $0x400, s29, s24, $0x38;
	[tilespmem:$0x18400] =	vst v63  }
0x757: {  	s8 =	smov.u32 s23;
	s9 =	smov.u32 s28  }
0x758: {  	s23 =	sshra.s32 s9, $0x2;
	s9 =	sadd.s32 $0x6000, s28;
	s30 =	sadd.s32 $0x400, s8  }
0x759: {  	[hbm4b:s26+s24] =	stream.strided.scatter [tilespmem:s30], [sflag:$0x3], $0x400, s29, s24, $0x38;
	[tilespmem:$0x18400] =	vst v63  }
0x75a: {  	p0 =	sne.s32 s28, $0x2A000;
	s28 =	sadd.s32 $0x800, s8;
	s30 =	sadd.s32 $0x40, s26  }
0x75b: {  	[hbm4b:s30+s24] =	stream.strided.scatter [tilespmem:s28], [sflag:$0x3], $0x400, s29, s24, $0x38;
	[tilespmem:$0x18400] =	vst v63  }
0x75c: {  	s28 =	sadd.s32 $0xC00, s8;
	s30 =	sadd.s32 $0x80, s26  }
0x75d: {  	[hbm4b:s30+s24] =	stream.strided.scatter [tilespmem:s28], [sflag:$0x3], $0x400, s29, s24, $0x38;
	[tilespmem:$0x18400] =	vst v63  }
0x75e: {  	s28 =	sadd.s32 $0x1000, s8;
	s30 =	sadd.s32 $0xC0, s26  }
0x75f: {  	[hbm4b:s30+s24] =	stream.strided.scatter [tilespmem:s28], [sflag:$0x3], $0x400, s29, s24, $0x38;
	[tilespmem:$0x18400] =	vst v63  }
.Ltmp14:
0x760: {  	_ = 	snop;
	(pc) =	sbr.rel @p0 .LBB2_30-.Ltmp14, $4  }
0x761: {  	s28 =	sadd.s32 $0x1400, s8;
	s30 =	sadd.s32 $0x100, s26  }
0x762: {  	[hbm4b:s30+s24] =	stream.strided.scatter [tilespmem:s28], [sflag:$0x3], $0x400, s29, s24, $0x38;
	[tilespmem:$0x18400] =	vst v63  }
0x763: {  	s30 =	sadd.s32 $0x1800, s8  }
0x764: {  	s8 =	sadd.s32 $0x140, s26;
	s26 =	sadd.s32 $0xC00, s26;
	s28 =	smov.u32 s9  }
0x765: {  	[hbm4b:s8+s24] =	stream.strided.scatter [tilespmem:s30], [sflag:$0x3], $0x400, s29, s24, $0x38;
	[tilespmem:$0x18400] =	vst v63  }
0x766: {  	s9 =	sadd.s32 $0x400, s23  }
0x767: {  	[hbm4b:s26+s24] =	stream.strided.scatter [tilespmem:s9], [sflag:$0x3], $0x400, s29, s24, $0x38;
	[tilespmem:$0x18400] =	vst v63  }
0x768: {  	s8 =	sadd.s32 $0x800, s23;
	s9 =	sadd.s32 $0x40, s26  }
0x769: {  	[hbm4b:s9+s24] =	stream.strided.scatter [tilespmem:s8], [sflag:$0x3], $0x400, s29, s24, $0x38;
	[tilespmem:$0x18400] =	vst v63  }
0x76a: {  	s8 =	sadd.s32 $0xC00, s23;
	s9 =	sadd.s32 $0x80, s26  }
0x76b: {  	[hbm4b:s9+s24] =	stream.strided.scatter [tilespmem:s8], [sflag:$0x3], $0x400, s29, s24, $0x38;
	[tilespmem:$0x18400] =	vst v63  }
0x76c: {  	s8 =	sadd.s32 $0x1000, s23;
	s9 =	sadd.s32 $0xC0, s26  }
0x76d: {  	[hbm4b:s9+s24] =	stream.strided.scatter [tilespmem:s8], [sflag:$0x3], $0x400, s29, s24, $0x38;
	[tilespmem:$0x18400] =	vst v63  }
0x76e: {  	s8 =	sadd.s32 $0x1400, s23;
	s9 =	sadd.s32 $0x100, s26  }
0x76f: {  	[hbm4b:s9+s24] =	stream.strided.scatter [tilespmem:s8], [sflag:$0x3], $0x400, s29, s24, $0x38;
	[tilespmem:$0x18400] =	vst v63  }
0x770: {  	s23 =	sadd.s32 $0x1800, s23;
	s26 =	sadd.s32 $0x140, s26  }
0x771: {  	[hbm4b:s26+s24] =	stream.strided.scatter [tilespmem:s23], [sflag:$0x3], $0x400, s29, s24, $0x38;
	[tilespmem:$0x18400] =	vst v63  }
0x772: {  	_ =	swait.ge [sflag:s1], $0xC000  }
0x773: {  	[sflag:s1] =	ssyncset.done $0x0  }
0x774: {  	s9 =	simm.s32 $0xC400;
	[sflag:s1] =	ssyncadd.s32 $0xFFFF4000  }
0x775: {  	[hbm4b:s22+s24] =	stream.strided.scatter [tilespmem:s9], [sflag:$0x4], $0x400, s29, s24, $0x38;
	[tilespmem:$0x18400] =	vst v63  }
0x776: {  	s23 =	simm.s32 $0xC800;
	s26 =	sadd.s32 $0x40, s22  }
0x777: {  	[hbm4b:s26+s24] =	stream.strided.scatter [tilespmem:s23], [sflag:$0x4], $0x400, s29, s24, $0x38;
	[tilespmem:$0x18400] =	vst v63  }
0x778: {  	s23 =	simm.s32 $0xCC00;
	s26 =	sadd.s32 $0x80, s22  }
0x779: {  	[hbm4b:s26+s24] =	stream.strided.scatter [tilespmem:s23], [sflag:$0x4], $0x400, s29, s24, $0x38;
	[tilespmem:$0x18400] =	vst v63  }
0x77a: {  	s28 =	simm.s32 $0xC000;
	s23 =	simm.s32 $0xD000;
	s26 =	sadd.s32 $0xC0, s22  }
0x77b: {  	[hbm4b:s26+s24] =	stream.strided.scatter [tilespmem:s23], [sflag:$0x4], $0x400, s29, s24, $0x38;
	[tilespmem:$0x18400] =	vst v63  }
0x77c: {  	s30 =	simm.s32 $0xD800;
	s23 =	simm.s32 $0xD400;
	s26 =	sadd.s32 $0x100, s22  }
0x77d: {  	[hbm4b:s26+s24] =	stream.strided.scatter [tilespmem:s23], [sflag:$0x4], $0x400, s29, s24, $0x38;
	[tilespmem:$0x18400] =	vst v63  }
0x77e: {  	s8 =	sadd.s32 $0x140, s22;
	s23 =	simm.s32 $0x1800;
	s26 =	sadd.s32 $0xC00, s22  }
.LBB2_32:
0x77f: {  	[hbm4b:s8+s24] =	stream.strided.scatter [tilespmem:s30], [sflag:$0x4], $0x400, s29, s24, $0x38;
	[tilespmem:$0x18400] =	vst v63  }
0x780: {  	s8 =	smov.u32 s23;
	s9 =	smov.u32 s28  }
0x781: {  	s23 =	sshra.s32 s9, $0x2;
	s9 =	sadd.s32 $0x6000, s28;
	s30 =	sadd.s32 $0xC400, s8  }
0x782: {  	[hbm4b:s26+s24] =	stream.strided.scatter [tilespmem:s30], [sflag:$0x4], $0x400, s29, s24, $0x38;
	[tilespmem:$0x18400] =	vst v63  }
0x783: {  	p0 =	sne.s32 s28, $0x2A000;
	s28 =	sadd.s32 $0xC800, s8;
	s30 =	sadd.s32 $0x40, s26  }
0x784: {  	[hbm4b:s30+s24] =	stream.strided.scatter [tilespmem:s28], [sflag:$0x4], $0x400, s29, s24, $0x38;
	[tilespmem:$0x18400] =	vst v63  }
0x785: {  	s28 =	sadd.s32 $0xCC00, s8;
	s30 =	sadd.s32 $0x80, s26  }
0x786: {  	[hbm4b:s30+s24] =	stream.strided.scatter [tilespmem:s28], [sflag:$0x4], $0x400, s29, s24, $0x38;
	[tilespmem:$0x18400] =	vst v63  }
0x787: {  	s28 =	sadd.s32 $0xD000, s8;
	s30 =	sadd.s32 $0xC0, s26  }
0x788: {  	[hbm4b:s30+s24] =	stream.strided.scatter [tilespmem:s28], [sflag:$0x4], $0x400, s29, s24, $0x38;
	[tilespmem:$0x18400] =	vst v63  }
.Ltmp15:
0x789: {  	_ = 	snop;
	(pc) =	sbr.rel @p0 .LBB2_32-.Ltmp15, $4  }
0x78a: {  	s28 =	sadd.s32 $0xD400, s8;
	s30 =	sadd.s32 $0x100, s26  }
0x78b: {  	[hbm4b:s30+s24] =	stream.strided.scatter [tilespmem:s28], [sflag:$0x4], $0x400, s29, s24, $0x38;
	[tilespmem:$0x18400] =	vst v63  }
0x78c: {  	s30 =	sadd.s32 $0xD800, s8  }
0x78d: {  	s8 =	sadd.s32 $0x140, s26;
	s26 =	sadd.s32 $0xC00, s26;
	s28 =	smov.u32 s9  }
0x78e: {  	[hbm4b:s8+s24] =	stream.strided.scatter [tilespmem:s30], [sflag:$0x4], $0x400, s29, s24, $0x38;
	[tilespmem:$0x18400] =	vst v63  }
0x78f: {  	s28 =	sadd.s32 $0xC400, s23  }
0x790: {  	[hbm4b:s26+s24] =	stream.strided.scatter [tilespmem:s28], [sflag:$0x4], $0x400, s29, s24, $0x38;
	[tilespmem:$0x18400] =	vst v63  }
0x791: {  	s30 =	sadd.s32 $0xC800, s23;
	s9 =	sadd.s32 $0x40, s26  }
0x792: {  	[hbm4b:s9+s24] =	stream.strided.scatter [tilespmem:s30], [sflag:$0x4], $0x400, s29, s24, $0x38;
	[tilespmem:$0x18400] =	vst v63  }
0x793: {  	s28 =	sadd.s32 $0xCC00, s23;
	s30 =	sadd.s32 $0x80, s26  }
0x794: {  	[hbm4b:s30+s24] =	stream.strided.scatter [tilespmem:s28], [sflag:$0x4], $0x400, s29, s24, $0x38;
	[tilespmem:$0x18400] =	vst v63  }
0x795: {  	s28 =	sadd.s32 $0xD000, s23;
	s30 =	sadd.s32 $0xC0, s26  }
0x796: {  	[hbm4b:s30+s24] =	stream.strided.scatter [tilespmem:s28], [sflag:$0x4], $0x400, s29, s24, $0x38;
	[tilespmem:$0x18400] =	vst v63  }
0x797: {  	s28 =	sadd.s32 $0xD400, s23;
	s30 =	sadd.s32 $0x100, s26  }
0x798: {  	[hbm4b:s30+s24] =	stream.strided.scatter [tilespmem:s28], [sflag:$0x4], $0x400, s29, s24, $0x38;
	[tilespmem:$0x18400] =	vst v63  }
0x799: {  	s23 =	sadd.s32 $0xD800, s23;
	s28 =	sadd.s32 $0x140, s26  }
0x79a: {  	[hbm4b:s28+s24] =	stream.strided.scatter [tilespmem:s23], [sflag:$0x4], $0x400, s29, s24, $0x38;
	[tilespmem:$0x18400] =	vst v63  }
0x79b: {  	_ =	swait.ge [sflag:s0], $0xC000  }
0x79c: {  	[sflag:s0] =	ssyncset.done $0x0  }
0x79d: {  	[sflag:s0] =	ssyncadd.s32 $0xFFFF4000  }
0x79e: {  	_ =	swait.ge [sflag:s25], $0xC000  }
0x79f: {  	s4 =	sadd.s32 $0x1, s4;
	s30 =	rddreg [dreg:$0x7]  }
0x7a0: {  	p0 =	sne.s32 s4, s30  }
.Ltmp16:
0x7a1: {  	_ = 	snop;
	(pc) =	sbr.rel @p0 .LBB2_1-.Ltmp16, $3  }
0x7a2: {  	_ =	sdelay $0x1  }
0x7a3: {  	[sflag:s25] =	ssyncset.done $0x0  }
0x7a4: {  	[sflag:s25] =	ssyncadd.s32 $0xFFFF4000  }
0x7a5: {  	_ =	sfence.sel $0x180000  }
0x7a6: {  	[bflag:$0x0] =	sbarrier.arrive $0xFFFF  }
0x7a7: {  	_ =	strace $0x90000047  }
0x7a8: {  	s0 =	stileid.u32;
	[bflag:$0x2] =	sbarrier.arrive $0xFFFF  }
0x7a9: {  	p0 =	sne.s32 s0, $0x0;
	s0 =	rddreg [dreg:$0x3]  }
0x7aa: {  	s0 =	sadd.s32 @!p0 $0x100000, s0  }
0x7ab: {  	[sflag:s0] =	ssyncadd.tile.s32 @!p0 $0x1;
	_ =	shalt  }
.Lfunc_end2:
_tile_overlayer_lowered:
.L_overlay_start_2:
0x7ac: {  	(tag) =	ssettag $0x2  }
0x7ad: {  	s0 =	rddreg [dreg:$0x0];
	s2 =	stileid.u32  }
0x7ae: {  	s1 =	rddreg [dreg:$0x1];
	p0 =	sne.s32 s2, $0x0  }
0x7af: {  	s3 =	rddreg [dreg:$0x2];
	[bflag:$0x3] =	sbarrier.arrive $0xFFFF;
	s2 =	simm.s32 @!p0 $0x1C05  }
0x7b0: {  	[timem:s3], [sflag:s2] =	dma.local @!p0 [hbm:s0], s1  }
0x7b1: {  	s0 =	simm.s32 @!p0 $0x5  }
0x7b2: {  	_ =	swait.ge @!p0 [sflag:s0], s1  }
0x7b3: {  	s1 =	ssub.s32 @!p0 $0x0, s1;
	[sflag:s0] =	ssyncset.done @!p0 $0x0  }
0x7b4: {  	[sflag:s0] =	ssyncadd.s32 @!p0 s1  }
0x7b5: {  	[bflag:$0x3] =	sbarrier.arrive $0xFFFF  }
0x7b6: {  	_ =	shalt  }

</sc_bundles>
